<compile_context>
chip_gen: v7x
topology: tpu7x:2x2x1
jax: 0.10.2.dev20260603
libtpu: 0.0.44.dev20260713+nightly
codegen_flags: <defaults>
</compile_context>

<pallas_src>
import functools

import jax
import jax.numpy as jnp
from jax import lax
from jax.experimental import pallas as pl
from jax.experimental.pallas import tpu as pltpu
from jax.experimental.pallas import tpu_sc as plsc

_N = 16384
_C = 26
_K = 101
_W = _C * _K
_NW = 32
_RPW = _N // _NW
_G = 16
_GW = _G * _W
_NBUF = 2
_NPAIR = _RPW // (_G * _NBUF)


def _sc_body(x_hbm, m_hbm, out_hbm, xv, mv, buf0, buf1, sem0, sem1):
    wid = lax.axis_index("s") * 2 + lax.axis_index("c")
    wbase = wid * _RPW
    pltpu.sync_copy(x_hbm.at[pl.ds(wbase * 32, _RPW * 32)], xv)
    pltpu.sync_copy(m_hbm.at[pl.ds(wbase * 32, _RPW * 32)], mv)

    bufs = (buf0, buf1)
    sems = (sem0, sem1)
    iota = lax.iota(jnp.int32, 16)
    cat0 = iota * _K
    cat1 = (iota + 16) * _K
    msk1 = iota < (_C - 16)
    ones = jnp.full((16,), 1.0, jnp.float32)
    zeros = jnp.zeros((16,), jnp.float32)

    def _zfill(k, _):
        cols = k * 16 + iota
        plsc.store_scatter(buf0, [cols], zeros)
        plsc.store_scatter(buf1, [cols], zeros)
        return _

    lax.fori_loop(0, _GW // 16, _zfill, 0)

    def _positions(lr, rbase):
        xs0 = xv[pl.ds(lr * 32, 16)]
        ms0 = mv[pl.ds(lr * 32, 16)]
        xs1 = xv[pl.ds(lr * 32 + 16, 16)]
        ms1 = mv[pl.ds(lr * 32 + 16, 16)]
        p0 = ((xs0 + 1.0) * ms0).astype(jnp.int32) + cat0 + rbase
        p1 = ((xs1 + 1.0) * ms1).astype(jnp.int32) + cat1 + rbase
        return p0, p1

    def _group(i, _):
        for b in range(_NBUF):
            g = i * _NBUF + b
            buf = bufs[b]
            sem = sems[b]

            @pl.when(i > 0)
            def _reuse(g=g, buf=buf, sem=sem):
                pltpu.make_async_copy(out_hbm.at[pl.ds(0, _GW)], buf, sem).wait()
                gp = g - _NBUF
                for r in range(_G):
                    p0, p1 = _positions(gp * _G + r, r * _W)
                    plsc.store_scatter(buf, [p0], zeros)
                    plsc.store_scatter(buf, [p1], zeros, mask=msk1)

            for r in range(_G):
                p0, p1 = _positions(g * _G + r, r * _W)
                plsc.store_scatter(buf, [p0], ones)
                plsc.store_scatter(buf, [p1], ones, mask=msk1)
            pltpu.make_async_copy(
                buf, out_hbm.at[pl.ds((wbase + g * _G) * _W, _GW)], sem
            ).start()
        return _

    lax.fori_loop(0, _NPAIR, _group, 0)

    for b in range(_NBUF):
        pltpu.make_async_copy(out_hbm.at[pl.ds(0, _GW)], bufs[b], sems[b]).wait()


@functools.lru_cache(maxsize=1)
def _build():
    mesh = plsc.VectorSubcoreMesh(core_axis_name="c", subcore_axis_name="s")
    return pl.kernel(
        _sc_body,
        mesh=mesh,
        compiler_params=pltpu.CompilerParams(needs_layout_passes=False),
        out_type=jax.ShapeDtypeStruct((_N * _W,), jnp.float32),
        scratch_types=[
            pltpu.VMEM((_RPW * 32,), jnp.float32),
            pltpu.VMEM((_RPW * 32,), jnp.float32),
            pltpu.VMEM((_GW,), jnp.float32),
            pltpu.VMEM((_GW,), jnp.float32),
            pltpu.SemaphoreType.DMA,
            pltpu.SemaphoreType.DMA,
        ],
    )


def kernel(x, mask):
    pad = ((0, 0), (0, 32 - _C))
    x32 = jnp.pad(x, pad).reshape(-1)
    m32 = jnp.pad(mask, pad).reshape(-1)
    return _build()(x32, m32).reshape(_N, _W)

# --- scband reference (transcript-rebuilt; emitter-appended) ---
"""Pipeline reference for scband-categorical-input-57483842289751 (READ-ONLY COPY).

The authoritative reference and input builder live on the scoring server;
editing this copy changes nothing except your own understanding.
"""

import jax, jax.numpy as jnp
import numpy as np

MOST_CATEGORIES = 100


def setup_inputs(seed: int = 0) -> dict:
    key = jax.random.key(seed)
    k1, k2 = jax.random.split(key)
    x = jax.random.randint(k1, (16384, 26), 0, 100).astype(jnp.float32)
    mask = jax.random.randint(k2, (16384, 26), 0, 2).astype(jnp.float32)
    return {"x": x, "mask": mask}


def reference(x, mask):
    # ((x + 1.0) * mask).long() -> one_hot(num_classes=most_categories+1) -> flatten per row
    idx = ((x + 1.0) * mask).astype(jnp.int32)
    oh = jax.nn.one_hot(idx, MOST_CATEGORIES + 1, dtype=jnp.float32)
    return oh.reshape(x.shape[0], -1)

if __name__ == "__main__":
    import jax
    _d = setup_inputs()
    print(jax.jit(kernel)(*tuple(_d.values())))

</pallas_src>

<mosaic_0001>
#map = affine_map<(d0, d1) -> (0)>
module attributes {stable_mosaic.version = 14 : i64} {
  func.func @_sc_body(%arg0: i32, %arg1: i32, %arg2: memref<524288xf32, #tpu.memory_space<hbm>>, %arg3: memref<524288xf32, #tpu.memory_space<hbm>>, %arg4: memref<43024384xf32, #tpu.memory_space<hbm>>, %arg5: memref<16384xf32, #tpu.memory_space<vmem>>, %arg6: memref<16384xf32, #tpu.memory_space<vmem>>, %arg7: memref<42016xf32, #tpu.memory_space<vmem>>, %arg8: memref<42016xf32, #tpu.memory_space<vmem>>, %arg9: memref<!tpu.dma_semaphore, #tpu.memory_space<semaphore_mem>>, %arg10: memref<!tpu.dma_semaphore, #tpu.memory_space<semaphore_mem>>) attributes {dimension_semantics = [#tpu.dimension_semantics<core_parallel>, #tpu.dimension_semantics<subcore_parallel>], iteration_bounds = array<i64: 2, 16>, scalar_prefetch = 0 : i64, scratch_operands = 6 : i64, tpu.core_type = #tpu.core_type<sc_vector_subcore>, window_params = [{transform_indices = #map}, {transform_indices = #map}, {transform_indices = #map}]} {
    %mul3A = arith.constant 2 : i32
    %mul3A_0 = arith.muli %arg1, %mul3A : i32
    %add3A = arith.addi %mul3A_0, %arg0 : i32
    %mul3A_1 = arith.constant 512 : i32
    %mul3A_2 = arith.muli %add3A, %mul3A_1 : i32
    %mul3A_3 = arith.constant 32 : i32
    %mul3A_4 = arith.muli %mul3A_2, %mul3A_3 : i32
    "tpu.region"() ({
      %run_scoped3A = tpu.sem_alloc : memref<!tpu.dma_semaphore, #tpu.memory_space<semaphore_mem>>
      %dma_start3A = tpu.memref_slice %arg2[%mul3A_4] : memref<524288xf32, #tpu.memory_space<hbm>> -> memref<16384xf32, #tpu.memory_space<hbm>>
      %dma_start3A_39 = tpu.memref_slice %arg2[%mul3A_4] : memref<524288xf32, #tpu.memory_space<hbm>> -> memref<16384xf32, #tpu.memory_space<hbm>>
      tpu.enqueue_dma source(%dma_start3A_39 : memref<16384xf32, #tpu.memory_space<hbm>>) target(%arg5 : memref<16384xf32, #tpu.memory_space<vmem>>) target_semaphore(%run_scoped3A : memref<!tpu.dma_semaphore, #tpu.memory_space<semaphore_mem>>)
      %dma_wait3A_40 = tpu.memref_slice %arg2[%mul3A_4] : memref<524288xf32, #tpu.memory_space<hbm>> -> memref<16384xf32, #tpu.memory_space<hbm>>
      %dma_wait3A_41 = tpu.memref_slice %arg2[%mul3A_4] : memref<524288xf32, #tpu.memory_space<hbm>> -> memref<16384xf32, #tpu.memory_space<hbm>>
      tpu.wait_dma2 semaphore(%run_scoped3A : memref<!tpu.dma_semaphore, #tpu.memory_space<semaphore_mem>>) src(%dma_wait3A_41 : memref<16384xf32, #tpu.memory_space<hbm>>) dst(%arg5 : memref<16384xf32, #tpu.memory_space<vmem>>)
      tpu.yield
    }) : () -> ()
    %mul3A_5 = arith.constant 32 : i32
    %mul3A_6 = arith.muli %mul3A_2, %mul3A_5 : i32
    "tpu.region"() ({
      %run_scoped3A = tpu.sem_alloc : memref<!tpu.dma_semaphore, #tpu.memory_space<semaphore_mem>>
      %dma_start3A = tpu.memref_slice %arg3[%mul3A_6] : memref<524288xf32, #tpu.memory_space<hbm>> -> memref<16384xf32, #tpu.memory_space<hbm>>
      %dma_start3A_39 = tpu.memref_slice %arg3[%mul3A_6] : memref<524288xf32, #tpu.memory_space<hbm>> -> memref<16384xf32, #tpu.memory_space<hbm>>
      tpu.enqueue_dma source(%dma_start3A_39 : memref<16384xf32, #tpu.memory_space<hbm>>) target(%arg6 : memref<16384xf32, #tpu.memory_space<vmem>>) target_semaphore(%run_scoped3A : memref<!tpu.dma_semaphore, #tpu.memory_space<semaphore_mem>>)
      %dma_wait3A_40 = tpu.memref_slice %arg3[%mul3A_6] : memref<524288xf32, #tpu.memory_space<hbm>> -> memref<16384xf32, #tpu.memory_space<hbm>>
      %dma_wait3A_41 = tpu.memref_slice %arg3[%mul3A_6] : memref<524288xf32, #tpu.memory_space<hbm>> -> memref<16384xf32, #tpu.memory_space<hbm>>
      tpu.wait_dma2 semaphore(%run_scoped3A : memref<!tpu.dma_semaphore, #tpu.memory_space<semaphore_mem>>) src(%dma_wait3A_41 : memref<16384xf32, #tpu.memory_space<hbm>>) dst(%arg6 : memref<16384xf32, #tpu.memory_space<vmem>>)
      tpu.yield
    }) : () -> ()
    %iota3A = tpu.iota {dimensions = array<i32: 0>} : vector<16xi32>
    %mul3A_7 = arith.constant 101 : i32
    %mul3A_8 = vector.broadcast %mul3A_7 : i32 to vector<16xi32>
    %mul3A_9 = arith.muli %iota3A, %mul3A_8 : vector<16xi32>
    %add3A_10 = arith.constant 16 : i32
    %add3A_11 = vector.broadcast %add3A_10 : i32 to vector<16xi32>
    %add3A_12 = arith.addi %iota3A, %add3A_11 : vector<16xi32>
    %mul3A_13 = arith.constant 101 : i32
    %mul3A_14 = vector.broadcast %mul3A_13 : i32 to vector<16xi32>
    %mul3A_15 = arith.muli %add3A_12, %mul3A_14 : vector<16xi32>
    %lt3A = arith.constant 10 : i32
    %lt3A_16 = vector.broadcast %lt3A : i32 to vector<16xi32>
    %lt3A_17 = arith.cmpi slt, %iota3A, %lt3A_16 : vector<16xi32>
    %broadcast_in_dim3A = arith.constant 1.000000e+00 : f32
    %broadcast_in_dim3A_18 = vector.broadcast %broadcast_in_dim3A : f32 to vector<16xf32>
    %broadcast_in_dim3A_19 = arith.constant 0.000000e+00 : f32
    %broadcast_in_dim3A_20 = vector.broadcast %broadcast_in_dim3A_19 : f32 to vector<16xf32>
    %scan3A = arith.constant 0 : i32
    %scan3A_21 = arith.constant 0 : i32
    %scan3A_22 = arith.constant 2626 : i32
    %scan3A_23 = arith.addi %scan3A_21, %scan3A_22 : i32
    %scan3A_24 = arith.constant 1 : i32
    scf.for %scan3A_39 = %scan3A_21 to %scan3A_23 step %scan3A_24  : i32 {
      %mul3A_40 = arith.constant 16 : i32
      %mul3A_41 = arith.muli %scan3A_39, %mul3A_40 : i32
      %add3A_42 = vector.broadcast %mul3A_41 : i32 to vector<16xi32>
      %add3A_43 = arith.addi %add3A_42, %iota3A : vector<16xi32>
      tpu.vector_store_idx %arg7[%add3A_43], %broadcast_in_dim3A_20 : memref<42016xf32, #tpu.memory_space<vmem>>[vector<16xi32>], vector<16xf32>,
      tpu.vector_store_idx %arg8[%add3A_43], %broadcast_in_dim3A_20 : memref<42016xf32, #tpu.memory_space<vmem>>[vector<16xi32>], vector<16xf32>,
    }
    %scan3A_25 = arith.constant 2626 : i32
    %scan3A_26 = arith.constant 0 : i32
    %scan3A_27 = arith.constant 0 : i32
    %scan3A_28 = arith.constant 16 : i32
    %scan3A_29 = arith.addi %scan3A_27, %scan3A_28 : i32
    %scan3A_30 = arith.constant 1 : i32
    scf.for %scan3A_39 = %scan3A_27 to %scan3A_29 step %scan3A_30  : i32 {
      %mul3A_40 = arith.constant 2 : i32
      %mul3A_41 = arith.muli %scan3A_39, %mul3A_40 : i32
      %add3A_42 = arith.constant 0 : i32
      %add3A_43 = arith.addi %mul3A_41, %add3A_42 : i32
      %gt3A = arith.constant 0 : i32
      %gt3A_44 = arith.cmpi sgt, %scan3A_39, %gt3A : i32
      %convert_element_type3A = arith.extui %gt3A_44 : i1 to i32
      %cond3A = arith.constant 0 : i32
      %cond3A_45 = arith.cmpi ne, %convert_element_type3A, %cond3A : i32
      scf.if %cond3A_45 {
        %dma_wait3A_1411 = arith.constant 0 : i32
        %dma_wait3A_1412 = tpu.memref_slice %arg4[%dma_wait3A_1411] : memref<43024384xf32, #tpu.memory_space<hbm>> -> memref<42016xf32, #tpu.memory_space<hbm>>
        %dma_wait3A_1413 = arith.constant 0 : i32
        %dma_wait3A_1414 = tpu.memref_slice %arg4[%dma_wait3A_1413] : memref<43024384xf32, #tpu.memory_space<hbm>> -> memref<42016xf32, #tpu.memory_space<hbm>>
        tpu.wait_dma2 semaphore(%arg9 : memref<!tpu.dma_semaphore, #tpu.memory_space<semaphore_mem>>) src(%dma_wait3A_1414 : memref<42016xf32, #tpu.memory_space<hbm>>) dst(%arg7 : memref<42016xf32, #tpu.memory_space<vmem>>)
        %sub3A = arith.constant 2 : i32
        %sub3A_1415 = arith.subi %add3A_43, %sub3A : i32
        %mul3A_1416 = arith.constant 16 : i32
        %mul3A_1417 = arith.muli %sub3A_1415, %mul3A_1416 : i32
        %add3A_1418 = arith.constant 0 : i32
        %add3A_1419 = arith.addi %mul3A_1417, %add3A_1418 : i32
        %mul3A_1420 = arith.constant 32 : i32
        %mul3A_1421 = arith.muli %add3A_1419, %mul3A_1420 : i32
        %get3A_1422 = arith.index_cast %mul3A_1421 : i32 to index
        %get3A_1423 = tpu.vector_load %arg5[%get3A_1422] {strides = array<i32>} : memref<16384xf32, #tpu.memory_space<vmem>>, vector<16xf32>,
        %mul3A_1424 = arith.constant 32 : i32
        %mul3A_1425 = arith.muli %add3A_1419, %mul3A_1424 : i32
        %get3A_1426 = arith.index_cast %mul3A_1425 : i32 to index
        %get3A_1427 = tpu.vector_load %arg6[%get3A_1426] {strides = array<i32>} : memref<16384xf32, #tpu.memory_space<vmem>>, vector<16xf32>,
        %mul3A_1428 = arith.constant 32 : i32
        %mul3A_1429 = arith.muli %add3A_1419, %mul3A_1428 : i32
        %add3A_1430 = arith.constant 16 : i32
        %add3A_1431 = arith.addi %mul3A_1429, %add3A_1430 : i32
        %get3A_1432 = arith.index_cast %add3A_1431 : i32 to index
        %get3A_1433 = tpu.vector_load %arg5[%get3A_1432] {strides = array<i32>} : memref<16384xf32, #tpu.memory_space<vmem>>, vector<16xf32>,
        %mul3A_1434 = arith.constant 32 : i32
        %mul3A_1435 = arith.muli %add3A_1419, %mul3A_1434 : i32
        %add3A_1436 = arith.constant 16 : i32
        %add3A_1437 = arith.addi %mul3A_1435, %add3A_1436 : i32
        %get3A_1438 = arith.index_cast %add3A_1437 : i32 to index
        %get3A_1439 = tpu.vector_load %arg6[%get3A_1438] {strides = array<i32>} : memref<16384xf32, #tpu.memory_space<vmem>>, vector<16xf32>,
        %add3A_1440 = arith.constant 1.000000e+00 : f32
        %add3A_1441 = vector.broadcast %add3A_1440 : f32 to vector<16xf32>
        %add3A_1442 = arith.addf %get3A_1423, %add3A_1441 : vector<16xf32>
        %mul3A_1443 = arith.mulf %add3A_1442, %get3A_1427 : vector<16xf32>
        %convert_element_type3A_1444 = arith.fptosi %mul3A_1443 : vector<16xf32> to vector<16xi32>
        %add3A_1445 = arith.addi %convert_element_type3A_1444, %mul3A_9 : vector<16xi32>
        %add3A_1446 = arith.constant 0 : i32
        %add3A_1447 = vector.broadcast %add3A_1446 : i32 to vector<16xi32>
        %add3A_1448 = arith.addi %add3A_1445, %add3A_1447 : vector<16xi32>
        %add3A_1449 = arith.constant 1.000000e+00 : f32
        %add3A_1450 = vector.broadcast %add3A_1449 : f32 to vector<16xf32>
        %add3A_1451 = arith.addf %get3A_1433, %add3A_1450 : vector<16xf32>
        %mul3A_1452 = arith.mulf %add3A_1451, %get3A_1439 : vector<16xf32>
        %convert_element_type3A_1453 = arith.fptosi %mul3A_1452 : vector<16xf32> to vector<16xi32>
        %add3A_1454 = arith.addi %convert_element_type3A_1453, %mul3A_15 : vector<16xi32>
        %add3A_1455 = arith.constant 0 : i32
        %add3A_1456 = vector.broadcast %add3A_1455 : i32 to vector<16xi32>
        %add3A_1457 = arith.addi %add3A_1454, %add3A_1456 : vector<16xi32>
        tpu.vector_store_idx %arg7[%add3A_1448], %broadcast_in_dim3A_20 : memref<42016xf32, #tpu.memory_space<vmem>>[vector<16xi32>], vector<16xf32>,
        tpu.vector_store_idx %arg7[%add3A_1457], %broadcast_in_dim3A_20 masked %lt3A_17 : memref<42016xf32, #tpu.memory_space<vmem>>[vector<16xi32>], vector<16xf32>, vector<16xi1>
        %mul3A_1458 = arith.constant 16 : i32
        %mul3A_1459 = arith.muli %sub3A_1415, %mul3A_1458 : i32
        %add3A_1460 = arith.constant 1 : i32
        %add3A_1461 = arith.addi %mul3A_1459, %add3A_1460 : i32
        %mul3A_1462 = arith.constant 32 : i32
        %mul3A_1463 = arith.muli %add3A_1461, %mul3A_1462 : i32
        %get3A_1464 = arith.index_cast %mul3A_1463 : i32 to index
        %get3A_1465 = tpu.vector_load %arg5[%get3A_1464] {strides = array<i32>} : memref<16384xf32, #tpu.memory_space<vmem>>, vector<16xf32>,
        %mul3A_1466 = arith.constant 32 : i32
        %mul3A_1467 = arith.muli %add3A_1461, %mul3A_1466 : i32
        %get3A_1468 = arith.index_cast %mul3A_1467 : i32 to index
        %get3A_1469 = tpu.vector_load %arg6[%get3A_1468] {strides = array<i32>} : memref<16384xf32, #tpu.memory_space<vmem>>, vector<16xf32>,
        %mul3A_1470 = arith.constant 32 : i32
        %mul3A_1471 = arith.muli %add3A_1461, %mul3A_1470 : i32
        %add3A_1472 = arith.constant 16 : i32
        %add3A_1473 = arith.addi %mul3A_1471, %add3A_1472 : i32
        %get3A_1474 = arith.index_cast %add3A_1473 : i32 to index
        %get3A_1475 = tpu.vector_load %arg5[%get3A_1474] {strides = array<i32>} : memref<16384xf32, #tpu.memory_space<vmem>>, vector<16xf32>,
        %mul3A_1476 = arith.constant 32 : i32
        %mul3A_1477 = arith.muli %add3A_1461, %mul3A_1476 : i32
        %add3A_1478 = arith.constant 16 : i32
        %add3A_1479 = arith.addi %mul3A_1477, %add3A_1478 : i32
        %get3A_1480 = arith.index_cast %add3A_1479 : i32 to index
        %get3A_1481 = tpu.vector_load %arg6[%get3A_1480] {strides = array<i32>} : memref<16384xf32, #tpu.memory_space<vmem>>, vector<16xf32>,
        %add3A_1482 = arith.constant 1.000000e+00 : f32
        %add3A_1483 = vector.broadcast %add3A_1482 : f32 to vector<16xf32>
        %add3A_1484 = arith.addf %get3A_1465, %add3A_1483 : vector<16xf32>
        %mul3A_1485 = arith.mulf %add3A_1484, %get3A_1469 : vector<16xf32>
        %convert_element_type3A_1486 = arith.fptosi %mul3A_1485 : vector<16xf32> to vector<16xi32>
        %add3A_1487 = arith.addi %convert_element_type3A_1486, %mul3A_9 : vector<16xi32>
        %add3A_1488 = arith.constant 2626 : i32
        %add3A_1489 = vector.broadcast %add3A_1488 : i32 to vector<16xi32>
        %add3A_1490 = arith.addi %add3A_1487, %add3A_1489 : vector<16xi32>
        %add3A_1491 = arith.constant 1.000000e+00 : f32
        %add3A_1492 = vector.broadcast %add3A_1491 : f32 to vector<16xf32>
        %add3A_1493 = arith.addf %get3A_1475, %add3A_1492 : vector<16xf32>
        %mul3A_1494 = arith.mulf %add3A_1493, %get3A_1481 : vector<16xf32>
        %convert_element_type3A_1495 = arith.fptosi %mul3A_1494 : vector<16xf32> to vector<16xi32>
        %add3A_1496 = arith.addi %convert_element_type3A_1495, %mul3A_15 : vector<16xi32>
        %add3A_1497 = arith.constant 2626 : i32
        %add3A_1498 = vector.broadcast %add3A_1497 : i32 to vector<16xi32>
        %add3A_1499 = arith.addi %add3A_1496, %add3A_1498 : vector<16xi32>
        tpu.vector_store_idx %arg7[%add3A_1490], %broadcast_in_dim3A_20 : memref<42016xf32, #tpu.memory_space<vmem>>[vector<16xi32>], vector<16xf32>,
        tpu.vector_store_idx %arg7[%add3A_1499], %broadcast_in_dim3A_20 masked %lt3A_17 : memref<42016xf32, #tpu.memory_space<vmem>>[vector<16xi32>], vector<16xf32>, vector<16xi1>
        %mul3A_1500 = arith.constant 16 : i32
        %mul3A_1501 = arith.muli %sub3A_1415, %mul3A_1500 : i32
        %add3A_1502 = arith.constant 2 : i32
        %add3A_1503 = arith.addi %mul3A_1501, %add3A_1502 : i32
        %mul3A_1504 = arith.constant 32 : i32
        %mul3A_1505 = arith.muli %add3A_1503, %mul3A_1504 : i32
        %get3A_1506 = arith.index_cast %mul3A_1505 : i32 to index
        %get3A_1507 = tpu.vector_load %arg5[%get3A_1506] {strides = array<i32>} : memref<16384xf32, #tpu.memory_space<vmem>>, vector<16xf32>,
        %mul3A_1508 = arith.constant 32 : i32
        %mul3A_1509 = arith.muli %add3A_1503, %mul3A_1508 : i32
        %get3A_1510 = arith.index_cast %mul3A_1509 : i32 to index
        %get3A_1511 = tpu.vector_load %arg6[%get3A_1510] {strides = array<i32>} : memref<16384xf32, #tpu.memory_space<vmem>>, vector<16xf32>,
        %mul3A_1512 = arith.constant 32 : i32
        %mul3A_1513 = arith.muli %add3A_1503, %mul3A_1512 : i32
        %add3A_1514 = arith.constant 16 : i32
        %add3A_1515 = arith.addi %mul3A_1513, %add3A_1514 : i32
        %get3A_1516 = arith.index_cast %add3A_1515 : i32 to index
        %get3A_1517 = tpu.vector_load %arg5[%get3A_1516] {strides = array<i32>} : memref<16384xf32, #tpu.memory_space<vmem>>, vector<16xf32>,
        %mul3A_1518 = arith.constant 32 : i32
        %mul3A_1519 = arith.muli %add3A_1503, %mul3A_1518 : i32
        %add3A_1520 = arith.constant 16 : i32
        %add3A_1521 = arith.addi %mul3A_1519, %add3A_1520 : i32
        %get3A_1522 = arith.index_cast %add3A_1521 : i32 to index
        %get3A_1523 = tpu.vector_load %arg6[%get3A_1522] {strides = array<i32>} : memref<16384xf32, #tpu.memory_space<vmem>>, vector<16xf32>,
        %add3A_1524 = arith.constant 1.000000e+00 : f32
        %add3A_1525 = vector.broadcast %add3A_1524 : f32 to vector<16xf32>
        %add3A_1526 = arith.addf %get3A_1507, %add3A_1525 : vector<16xf32>
        %mul3A_1527 = arith.mulf %add3A_1526, %get3A_1511 : vector<16xf32>
        %convert_element_type3A_1528 = arith.fptosi %mul3A_1527 : vector<16xf32> to vector<16xi32>
        %add3A_1529 = arith.addi %convert_element_type3A_1528, %mul3A_9 : vector<16xi32>
        %add3A_1530 = arith.constant 5252 : i32
        %add3A_1531 = vector.broadcast %add3A_1530 : i32 to vector<16xi32>
        %add3A_1532 = arith.addi %add3A_1529, %add3A_1531 : vector<16xi32>
        %add3A_1533 = arith.constant 1.000000e+00 : f32
        %add3A_1534 = vector.broadcast %add3A_1533 : f32 to vector<16xf32>
        %add3A_1535 = arith.addf %get3A_1517, %add3A_1534 : vector<16xf32>
        %mul3A_1536 = arith.mulf %add3A_1535, %get3A_1523 : vector<16xf32>
        %convert_element_type3A_1537 = arith.fptosi %mul3A_1536 : vector<16xf32> to vector<16xi32>
        %add3A_1538 = arith.addi %convert_element_type3A_1537, %mul3A_15 : vector<16xi32>
        %add3A_1539 = arith.constant 5252 : i32
        %add3A_1540 = vector.broadcast %add3A_1539 : i32 to vector<16xi32>
        %add3A_1541 = arith.addi %add3A_1538, %add3A_1540 : vector<16xi32>
        tpu.vector_store_idx %arg7[%add3A_1532], %broadcast_in_dim3A_20 : memref<42016xf32, #tpu.memory_space<vmem>>[vector<16xi32>], vector<16xf32>,
        tpu.vector_store_idx %arg7[%add3A_1541], %broadcast_in_dim3A_20 masked %lt3A_17 : memref<42016xf32, #tpu.memory_space<vmem>>[vector<16xi32>], vector<16xf32>, vector<16xi1>
        %mul3A_1542 = arith.constant 16 : i32
        %mul3A_1543 = arith.muli %sub3A_1415, %mul3A_1542 : i32
        %add3A_1544 = arith.constant 3 : i32
        %add3A_1545 = arith.addi %mul3A_1543, %add3A_1544 : i32
        %mul3A_1546 = arith.constant 32 : i32
        %mul3A_1547 = arith.muli %add3A_1545, %mul3A_1546 : i32
        %get3A_1548 = arith.index_cast %mul3A_1547 : i32 to index
        %get3A_1549 = tpu.vector_load %arg5[%get3A_1548] {strides = array<i32>} : memref<16384xf32, #tpu.memory_space<vmem>>, vector<16xf32>,
        %mul3A_1550 = arith.constant 32 : i32
        %mul3A_1551 = arith.muli %add3A_1545, %mul3A_1550 : i32
        %get3A_1552 = arith.index_cast %mul3A_1551 : i32 to index
        %get3A_1553 = tpu.vector_load %arg6[%get3A_1552] {strides = array<i32>} : memref<16384xf32, #tpu.memory_space<vmem>>, vector<16xf32>,
        %mul3A_1554 = arith.constant 32 : i32
        %mul3A_1555 = arith.muli %add3A_1545, %mul3A_1554 : i32
        %add3A_1556 = arith.constant 16 : i32
        %add3A_1557 = arith.addi %mul3A_1555, %add3A_1556 : i32
        %get3A_1558 = arith.index_cast %add3A_1557 : i32 to index
        %get3A_1559 = tpu.vector_load %arg5[%get3A_1558] {strides = array<i32>} : memref<16384xf32, #tpu.memory_space<vmem>>, vector<16xf32>,
        %mul3A_1560 = arith.constant 32 : i32
        %mul3A_1561 = arith.muli %add3A_1545, %mul3A_1560 : i32
        %add3A_1562 = arith.constant 16 : i32
        %add3A_1563 = arith.addi %mul3A_1561, %add3A_1562 : i32
        %get3A_1564 = arith.index_cast %add3A_1563 : i32 to index
        %get3A_1565 = tpu.vector_load %arg6[%get3A_1564] {strides = array<i32>} : memref<16384xf32, #tpu.memory_space<vmem>>, vector<16xf32>,
        %add3A_1566 = arith.constant 1.000000e+00 : f32
        %add3A_1567 = vector.broadcast %add3A_1566 : f32 to vector<16xf32>
        %add3A_1568 = arith.addf %get3A_1549, %add3A_1567 : vector<16xf32>
        %mul3A_1569 = arith.mulf %add3A_1568, %get3A_1553 : vector<16xf32>
        %convert_element_type3A_1570 = arith.fptosi %mul3A_1569 : vector<16xf32> to vector<16xi32>
        %add3A_1571 = arith.addi %convert_element_type3A_1570, %mul3A_9 : vector<16xi32>
        %add3A_1572 = arith.constant 7878 : i32
        %add3A_1573 = vector.broadcast %add3A_1572 : i32 to vector<16xi32>
        %add3A_1574 = arith.addi %add3A_1571, %add3A_1573 : vector<16xi32>
        %add3A_1575 = arith.constant 1.000000e+00 : f32
        %add3A_1576 = vector.broadcast %add3A_1575 : f32 to vector<16xf32>
        %add3A_1577 = arith.addf %get3A_1559, %add3A_1576 : vector<16xf32>
        %mul3A_1578 = arith.mulf %add3A_1577, %get3A_1565 : vector<16xf32>
        %convert_element_type3A_1579 = arith.fptosi %mul3A_1578 : vector<16xf32> to vector<16xi32>
        %add3A_1580 = arith.addi %convert_element_type3A_1579, %mul3A_15 : vector<16xi32>
        %add3A_1581 = arith.constant 7878 : i32
        %add3A_1582 = vector.broadcast %add3A_1581 : i32 to vector<16xi32>
        %add3A_1583 = arith.addi %add3A_1580, %add3A_1582 : vector<16xi32>
        tpu.vector_store_idx %arg7[%add3A_1574], %broadcast_in_dim3A_20 : memref<42016xf32, #tpu.memory_space<vmem>>[vector<16xi32>], vector<16xf32>,
        tpu.vector_store_idx %arg7[%add3A_1583], %broadcast_in_dim3A_20 masked %lt3A_17 : memref<42016xf32, #tpu.memory_space<vmem>>[vector<16xi32>], vector<16xf32>, vector<16xi1>
        %mul3A_1584 = arith.constant 16 : i32
        %mul3A_1585 = arith.muli %sub3A_1415, %mul3A_1584 : i32
        %add3A_1586 = arith.constant 4 : i32
        %add3A_1587 = arith.addi %mul3A_1585, %add3A_1586 : i32
        %mul3A_1588 = arith.constant 32 : i32
        %mul3A_1589 = arith.muli %add3A_1587, %mul3A_1588 : i32
        %get3A_1590 = arith.index_cast %mul3A_1589 : i32 to index
        %get3A_1591 = tpu.vector_load %arg5[%get3A_1590] {strides = array<i32>} : memref<16384xf32, #tpu.memory_space<vmem>>, vector<16xf32>,
        %mul3A_1592 = arith.constant 32 : i32
        %mul3A_1593 = arith.muli %add3A_1587, %mul3A_1592 : i32
        %get3A_1594 = arith.index_cast %mul3A_1593 : i32 to index
        %get3A_1595 = tpu.vector_load %arg6[%get3A_1594] {strides = array<i32>} : memref<16384xf32, #tpu.memory_space<vmem>>, vector<16xf32>,
        %mul3A_1596 = arith.constant 32 : i32
        %mul3A_1597 = arith.muli %add3A_1587, %mul3A_1596 : i32
        %add3A_1598 = arith.constant 16 : i32
        %add3A_1599 = arith.addi %mul3A_1597, %add3A_1598 : i32
        %get3A_1600 = arith.index_cast %add3A_1599 : i32 to index
        %get3A_1601 = tpu.vector_load %arg5[%get3A_1600] {strides = array<i32>} : memref<16384xf32, #tpu.memory_space<vmem>>, vector<16xf32>,
        %mul3A_1602 = arith.constant 32 : i32
        %mul3A_1603 = arith.muli %add3A_1587, %mul3A_1602 : i32
        %add3A_1604 = arith.constant 16 : i32
        %add3A_1605 = arith.addi %mul3A_1603, %add3A_1604 : i32
        %get3A_1606 = arith.index_cast %add3A_1605 : i32 to index
        %get3A_1607 = tpu.vector_load %arg6[%get3A_1606] {strides = array<i32>} : memref<16384xf32, #tpu.memory_space<vmem>>, vector<16xf32>,
        %add3A_1608 = arith.constant 1.000000e+00 : f32
        %add3A_1609 = vector.broadcast %add3A_1608 : f32 to vector<16xf32>
        %add3A_1610 = arith.addf %get3A_1591, %add3A_1609 : vector<16xf32>
        %mul3A_1611 = arith.mulf %add3A_1610, %get3A_1595 : vector<16xf32>
        %convert_element_type3A_1612 = arith.fptosi %mul3A_1611 : vector<16xf32> to vector<16xi32>
        %add3A_1613 = arith.addi %convert_element_type3A_1612, %mul3A_9 : vector<16xi32>
        %add3A_1614 = arith.constant 10504 : i32
        %add3A_1615 = vector.broadcast %add3A_1614 : i32 to vector<16xi32>
        %add3A_1616 = arith.addi %add3A_1613, %add3A_1615 : vector<16xi32>
        %add3A_1617 = arith.constant 1.000000e+00 : f32
        %add3A_1618 = vector.broadcast %add3A_1617 : f32 to vector<16xf32>
        %add3A_1619 = arith.addf %get3A_1601, %add3A_1618 : vector<16xf32>
        %mul3A_1620 = arith.mulf %add3A_1619, %get3A_1607 : vector<16xf32>
        %convert_element_type3A_1621 = arith.fptosi %mul3A_1620 : vector<16xf32> to vector<16xi32>
        %add3A_1622 = arith.addi %convert_element_type3A_1621, %mul3A_15 : vector<16xi32>
        %add3A_1623 = arith.constant 10504 : i32
        %add3A_1624 = vector.broadcast %add3A_1623 : i32 to vector<16xi32>
        %add3A_1625 = arith.addi %add3A_1622, %add3A_1624 : vector<16xi32>
        tpu.vector_store_idx %arg7[%add3A_1616], %broadcast_in_dim3A_20 : memref<42016xf32, #tpu.memory_space<vmem>>[vector<16xi32>], vector<16xf32>,
        tpu.vector_store_idx %arg7[%add3A_1625], %broadcast_in_dim3A_20 masked %lt3A_17 : memref<42016xf32, #tpu.memory_space<vmem>>[vector<16xi32>], vector<16xf32>, vector<16xi1>
        %mul3A_1626 = arith.constant 16 : i32
        %mul3A_1627 = arith.muli %sub3A_1415, %mul3A_1626 : i32
        %add3A_1628 = arith.constant 5 : i32
        %add3A_1629 = arith.addi %mul3A_1627, %add3A_1628 : i32
        %mul3A_1630 = arith.constant 32 : i32
        %mul3A_1631 = arith.muli %add3A_1629, %mul3A_1630 : i32
        %get3A_1632 = arith.index_cast %mul3A_1631 : i32 to index
        %get3A_1633 = tpu.vector_load %arg5[%get3A_1632] {strides = array<i32>} : memref<16384xf32, #tpu.memory_space<vmem>>, vector<16xf32>,
        %mul3A_1634 = arith.constant 32 : i32
        %mul3A_1635 = arith.muli %add3A_1629, %mul3A_1634 : i32
        %get3A_1636 = arith.index_cast %mul3A_1635 : i32 to index
        %get3A_1637 = tpu.vector_load %arg6[%get3A_1636] {strides = array<i32>} : memref<16384xf32, #tpu.memory_space<vmem>>, vector<16xf32>,
        %mul3A_1638 = arith.constant 32 : i32
        %mul3A_1639 = arith.muli %add3A_1629, %mul3A_1638 : i32
        %add3A_1640 = arith.constant 16 : i32
        %add3A_1641 = arith.addi %mul3A_1639, %add3A_1640 : i32
        %get3A_1642 = arith.index_cast %add3A_1641 : i32 to index
        %get3A_1643 = tpu.vector_load %arg5[%get3A_1642] {strides = array<i32>} : memref<16384xf32, #tpu.memory_space<vmem>>, vector<16xf32>,
        %mul3A_1644 = arith.constant 32 : i32
        %mul3A_1645 = arith.muli %add3A_1629, %mul3A_1644 : i32
        %add3A_1646 = arith.constant 16 : i32
        %add3A_1647 = arith.addi %mul3A_1645, %add3A_1646 : i32
        %get3A_1648 = arith.index_cast %add3A_1647 : i32 to index
        %get3A_1649 = tpu.vector_load %arg6[%get3A_1648] {strides = array<i32>} : memref<16384xf32, #tpu.memory_space<vmem>>, vector<16xf32>,
        %add3A_1650 = arith.constant 1.000000e+00 : f32
        %add3A_1651 = vector.broadcast %add3A_1650 : f32 to vector<16xf32>
        %add3A_1652 = arith.addf %get3A_1633, %add3A_1651 : vector<16xf32>
        %mul3A_1653 = arith.mulf %add3A_1652, %get3A_1637 : vector<16xf32>
        %convert_element_type3A_1654 = arith.fptosi %mul3A_1653 : vector<16xf32> to vector<16xi32>
        %add3A_1655 = arith.addi %convert_element_type3A_1654, %mul3A_9 : vector<16xi32>
        %add3A_1656 = arith.constant 13130 : i32
        %add3A_1657 = vector.broadcast %add3A_1656 : i32 to vector<16xi32>
        %add3A_1658 = arith.addi %add3A_1655, %add3A_1657 : vector<16xi32>
        %add3A_1659 = arith.constant 1.000000e+00 : f32
        %add3A_1660 = vector.broadcast %add3A_1659 : f32 to vector<16xf32>
        %add3A_1661 = arith.addf %get3A_1643, %add3A_1660 : vector<16xf32>
        %mul3A_1662 = arith.mulf %add3A_1661, %get3A_1649 : vector<16xf32>
        %convert_element_type3A_1663 = arith.fptosi %mul3A_1662 : vector<16xf32> to vector<16xi32>
        %add3A_1664 = arith.addi %convert_element_type3A_1663, %mul3A_15 : vector<16xi32>
        %add3A_1665 = arith.constant 13130 : i32
        %add3A_1666 = vector.broadcast %add3A_1665 : i32 to vector<16xi32>
        %add3A_1667 = arith.addi %add3A_1664, %add3A_1666 : vector<16xi32>
        tpu.vector_store_idx %arg7[%add3A_1658], %broadcast_in_dim3A_20 : memref<42016xf32, #tpu.memory_space<vmem>>[vector<16xi32>], vector<16xf32>,
        tpu.vector_store_idx %arg7[%add3A_1667], %broadcast_in_dim3A_20 masked %lt3A_17 : memref<42016xf32, #tpu.memory_space<vmem>>[vector<16xi32>], vector<16xf32>, vector<16xi1>
        %mul3A_1668 = arith.constant 16 : i32
        %mul3A_1669 = arith.muli %sub3A_1415, %mul3A_1668 : i32
        %add3A_1670 = arith.constant 6 : i32
        %add3A_1671 = arith.addi %mul3A_1669, %add3A_1670 : i32
        %mul3A_1672 = arith.constant 32 : i32
        %mul3A_1673 = arith.muli %add3A_1671, %mul3A_1672 : i32
        %get3A_1674 = arith.index_cast %mul3A_1673 : i32 to index
        %get3A_1675 = tpu.vector_load %arg5[%get3A_1674] {strides = array<i32>} : memref<16384xf32, #tpu.memory_space<vmem>>, vector<16xf32>,
        %mul3A_1676 = arith.constant 32 : i32
        %mul3A_1677 = arith.muli %add3A_1671, %mul3A_1676 : i32
        %get3A_1678 = arith.index_cast %mul3A_1677 : i32 to index
        %get3A_1679 = tpu.vector_load %arg6[%get3A_1678] {strides = array<i32>} : memref<16384xf32, #tpu.memory_space<vmem>>, vector<16xf32>,
        %mul3A_1680 = arith.constant 32 : i32
        %mul3A_1681 = arith.muli %add3A_1671, %mul3A_1680 : i32
        %add3A_1682 = arith.constant 16 : i32
        %add3A_1683 = arith.addi %mul3A_1681, %add3A_1682 : i32
        %get3A_1684 = arith.index_cast %add3A_1683 : i32 to index
        %get3A_1685 = tpu.vector_load %arg5[%get3A_1684] {strides = array<i32>} : memref<16384xf32, #tpu.memory_space<vmem>>, vector<16xf32>,
        %mul3A_1686 = arith.constant 32 : i32
        %mul3A_1687 = arith.muli %add3A_1671, %mul3A_1686 : i32
        %add3A_1688 = arith.constant 16 : i32
        %add3A_1689 = arith.addi %mul3A_1687, %add3A_1688 : i32
        %get3A_1690 = arith.index_cast %add3A_1689 : i32 to index
        %get3A_1691 = tpu.vector_load %arg6[%get3A_1690] {strides = array<i32>} : memref<16384xf32, #tpu.memory_space<vmem>>, vector<16xf32>,
        %add3A_1692 = arith.constant 1.000000e+00 : f32
        %add3A_1693 = vector.broadcast %add3A_1692 : f32 to vector<16xf32>
        %add3A_1694 = arith.addf %get3A_1675, %add3A_1693 : vector<16xf32>
        %mul3A_1695 = arith.mulf %add3A_1694, %get3A_1679 : vector<16xf32>
        %convert_element_type3A_1696 = arith.fptosi %mul3A_1695 : vector<16xf32> to vector<16xi32>
        %add3A_1697 = arith.addi %convert_element_type3A_1696, %mul3A_9 : vector<16xi32>
        %add3A_1698 = arith.constant 15756 : i32
        %add3A_1699 = vector.broadcast %add3A_1698 : i32 to vector<16xi32>
        %add3A_1700 = arith.addi %add3A_1697, %add3A_1699 : vector<16xi32>
        %add3A_1701 = arith.constant 1.000000e+00 : f32
        %add3A_1702 = vector.broadcast %add3A_1701 : f32 to vector<16xf32>
        %add3A_1703 = arith.addf %get3A_1685, %add3A_1702 : vector<16xf32>
        %mul3A_1704 = arith.mulf %add3A_1703, %get3A_1691 : vector<16xf32>
        %convert_element_type3A_1705 = arith.fptosi %mul3A_1704 : vector<16xf32> to vector<16xi32>
        %add3A_1706 = arith.addi %convert_element_type3A_1705, %mul3A_15 : vector<16xi32>
        %add3A_1707 = arith.constant 15756 : i32
        %add3A_1708 = vector.broadcast %add3A_1707 : i32 to vector<16xi32>
        %add3A_1709 = arith.addi %add3A_1706, %add3A_1708 : vector<16xi32>
        tpu.vector_store_idx %arg7[%add3A_1700], %broadcast_in_dim3A_20 : memref<42016xf32, #tpu.memory_space<vmem>>[vector<16xi32>], vector<16xf32>,
        tpu.vector_store_idx %arg7[%add3A_1709], %broadcast_in_dim3A_20 masked %lt3A_17 : memref<42016xf32, #tpu.memory_space<vmem>>[vector<16xi32>], vector<16xf32>, vector<16xi1>
        %mul3A_1710 = arith.constant 16 : i32
        %mul3A_1711 = arith.muli %sub3A_1415, %mul3A_1710 : i32
        %add3A_1712 = arith.constant 7 : i32
        %add3A_1713 = arith.addi %mul3A_1711, %add3A_1712 : i32
        %mul3A_1714 = arith.constant 32 : i32
        %mul3A_1715 = arith.muli %add3A_1713, %mul3A_1714 : i32
        %get3A_1716 = arith.index_cast %mul3A_1715 : i32 to index
        %get3A_1717 = tpu.vector_load %arg5[%get3A_1716] {strides = array<i32>} : memref<16384xf32, #tpu.memory_space<vmem>>, vector<16xf32>,
        %mul3A_1718 = arith.constant 32 : i32
        %mul3A_1719 = arith.muli %add3A_1713, %mul3A_1718 : i32
        %get3A_1720 = arith.index_cast %mul3A_1719 : i32 to index
        %get3A_1721 = tpu.vector_load %arg6[%get3A_1720] {strides = array<i32>} : memref<16384xf32, #tpu.memory_space<vmem>>, vector<16xf32>,
        %mul3A_1722 = arith.constant 32 : i32
        %mul3A_1723 = arith.muli %add3A_1713, %mul3A_1722 : i32
        %add3A_1724 = arith.constant 16 : i32
        %add3A_1725 = arith.addi %mul3A_1723, %add3A_1724 : i32
        %get3A_1726 = arith.index_cast %add3A_1725 : i32 to index
        %get3A_1727 = tpu.vector_load %arg5[%get3A_1726] {strides = array<i32>} : memref<16384xf32, #tpu.memory_space<vmem>>, vector<16xf32>,
        %mul3A_1728 = arith.constant 32 : i32
        %mul3A_1729 = arith.muli %add3A_1713, %mul3A_1728 : i32
        %add3A_1730 = arith.constant 16 : i32
        %add3A_1731 = arith.addi %mul3A_1729, %add3A_1730 : i32
        %get3A_1732 = arith.index_cast %add3A_1731 : i32 to index
        %get3A_1733 = tpu.vector_load %arg6[%get3A_1732] {strides = array<i32>} : memref<16384xf32, #tpu.memory_space<vmem>>, vector<16xf32>,
        %add3A_1734 = arith.constant 1.000000e+00 : f32
        %add3A_1735 = vector.broadcast %add3A_1734 : f32 to vector<16xf32>
        %add3A_1736 = arith.addf %get3A_1717, %add3A_1735 : vector<16xf32>
        %mul3A_1737 = arith.mulf %add3A_1736, %get3A_1721 : vector<16xf32>
        %convert_element_type3A_1738 = arith.fptosi %mul3A_1737 : vector<16xf32> to vector<16xi32>
        %add3A_1739 = arith.addi %convert_element_type3A_1738, %mul3A_9 : vector<16xi32>
        %add3A_1740 = arith.constant 18382 : i32
        %add3A_1741 = vector.broadcast %add3A_1740 : i32 to vector<16xi32>
        %add3A_1742 = arith.addi %add3A_1739, %add3A_1741 : vector<16xi32>
        %add3A_1743 = arith.constant 1.000000e+00 : f32
        %add3A_1744 = vector.broadcast %add3A_1743 : f32 to vector<16xf32>
        %add3A_1745 = arith.addf %get3A_1727, %add3A_1744 : vector<16xf32>
        %mul3A_1746 = arith.mulf %add3A_1745, %get3A_1733 : vector<16xf32>
        %convert_element_type3A_1747 = arith.fptosi %mul3A_1746 : vector<16xf32> to vector<16xi32>
        %add3A_1748 = arith.addi %convert_element_type3A_1747, %mul3A_15 : vector<16xi32>
        %add3A_1749 = arith.constant 18382 : i32
        %add3A_1750 = vector.broadcast %add3A_1749 : i32 to vector<16xi32>
        %add3A_1751 = arith.addi %add3A_1748, %add3A_1750 : vector<16xi32>
        tpu.vector_store_idx %arg7[%add3A_1742], %broadcast_in_dim3A_20 : memref<42016xf32, #tpu.memory_space<vmem>>[vector<16xi32>], vector<16xf32>,
        tpu.vector_store_idx %arg7[%add3A_1751], %broadcast_in_dim3A_20 masked %lt3A_17 : memref<42016xf32, #tpu.memory_space<vmem>>[vector<16xi32>], vector<16xf32>, vector<16xi1>
        %mul3A_1752 = arith.constant 16 : i32
        %mul3A_1753 = arith.muli %sub3A_1415, %mul3A_1752 : i32
        %add3A_1754 = arith.constant 8 : i32
        %add3A_1755 = arith.addi %mul3A_1753, %add3A_1754 : i32
        %mul3A_1756 = arith.constant 32 : i32
        %mul3A_1757 = arith.muli %add3A_1755, %mul3A_1756 : i32
        %get3A_1758 = arith.index_cast %mul3A_1757 : i32 to index
        %get3A_1759 = tpu.vector_load %arg5[%get3A_1758] {strides = array<i32>} : memref<16384xf32, #tpu.memory_space<vmem>>, vector<16xf32>,
        %mul3A_1760 = arith.constant 32 : i32
        %mul3A_1761 = arith.muli %add3A_1755, %mul3A_1760 : i32
        %get3A_1762 = arith.index_cast %mul3A_1761 : i32 to index
        %get3A_1763 = tpu.vector_load %arg6[%get3A_1762] {strides = array<i32>} : memref<16384xf32, #tpu.memory_space<vmem>>, vector<16xf32>,
        %mul3A_1764 = arith.constant 32 : i32
        %mul3A_1765 = arith.muli %add3A_1755, %mul3A_1764 : i32
        %add3A_1766 = arith.constant 16 : i32
        %add3A_1767 = arith.addi %mul3A_1765, %add3A_1766 : i32
        %get3A_1768 = arith.index_cast %add3A_1767 : i32 to index
        %get3A_1769 = tpu.vector_load %arg5[%get3A_1768] {strides = array<i32>} : memref<16384xf32, #tpu.memory_space<vmem>>, vector<16xf32>,
        %mul3A_1770 = arith.constant 32 : i32
        %mul3A_1771 = arith.muli %add3A_1755, %mul3A_1770 : i32
        %add3A_1772 = arith.constant 16 : i32
        %add3A_1773 = arith.addi %mul3A_1771, %add3A_1772 : i32
        %get3A_1774 = arith.index_cast %add3A_1773 : i32 to index
        %get3A_1775 = tpu.vector_load %arg6[%get3A_1774] {strides = array<i32>} : memref<16384xf32, #tpu.memory_space<vmem>>, vector<16xf32>,
        %add3A_1776 = arith.constant 1.000000e+00 : f32
        %add3A_1777 = vector.broadcast %add3A_1776 : f32 to vector<16xf32>
        %add3A_1778 = arith.addf %get3A_1759, %add3A_1777 : vector<16xf32>
        %mul3A_1779 = arith.mulf %add3A_1778, %get3A_1763 : vector<16xf32>
        %convert_element_type3A_1780 = arith.fptosi %mul3A_1779 : vector<16xf32> to vector<16xi32>
        %add3A_1781 = arith.addi %convert_element_type3A_1780, %mul3A_9 : vector<16xi32>
        %add3A_1782 = arith.constant 21008 : i32
        %add3A_1783 = vector.broadcast %add3A_1782 : i32 to vector<16xi32>
        %add3A_1784 = arith.addi %add3A_1781, %add3A_1783 : vector<16xi32>
        %add3A_1785 = arith.constant 1.000000e+00 : f32
        %add3A_1786 = vector.broadcast %add3A_1785 : f32 to vector<16xf32>
        %add3A_1787 = arith.addf %get3A_1769, %add3A_1786 : vector<16xf32>
        %mul3A_1788 = arith.mulf %add3A_1787, %get3A_1775 : vector<16xf32>
        %convert_element_type3A_1789 = arith.fptosi %mul3A_1788 : vector<16xf32> to vector<16xi32>
        %add3A_1790 = arith.addi %convert_element_type3A_1789, %mul3A_15 : vector<16xi32>
        %add3A_1791 = arith.constant 21008 : i32
        %add3A_1792 = vector.broadcast %add3A_1791 : i32 to vector<16xi32>
        %add3A_1793 = arith.addi %add3A_1790, %add3A_1792 : vector<16xi32>
        tpu.vector_store_idx %arg7[%add3A_1784], %broadcast_in_dim3A_20 : memref<42016xf32, #tpu.memory_space<vmem>>[vector<16xi32>], vector<16xf32>,
        tpu.vector_store_idx %arg7[%add3A_1793], %broadcast_in_dim3A_20 masked %lt3A_17 : memref<42016xf32, #tpu.memory_space<vmem>>[vector<16xi32>], vector<16xf32>, vector<16xi1>
        %mul3A_1794 = arith.constant 16 : i32
        %mul3A_1795 = arith.muli %sub3A_1415, %mul3A_1794 : i32
        %add3A_1796 = arith.constant 9 : i32
        %add3A_1797 = arith.addi %mul3A_1795, %add3A_1796 : i32
        %mul3A_1798 = arith.constant 32 : i32
        %mul3A_1799 = arith.muli %add3A_1797, %mul3A_1798 : i32
        %get3A_1800 = arith.index_cast %mul3A_1799 : i32 to index
        %get3A_1801 = tpu.vector_load %arg5[%get3A_1800] {strides = array<i32>} : memref<16384xf32, #tpu.memory_space<vmem>>, vector<16xf32>,
        %mul3A_1802 = arith.constant 32 : i32
        %mul3A_1803 = arith.muli %add3A_1797, %mul3A_1802 : i32
        %get3A_1804 = arith.index_cast %mul3A_1803 : i32 to index
        %get3A_1805 = tpu.vector_load %arg6[%get3A_1804] {strides = array<i32>} : memref<16384xf32, #tpu.memory_space<vmem>>, vector<16xf32>,
        %mul3A_1806 = arith.constant 32 : i32
        %mul3A_1807 = arith.muli %add3A_1797, %mul3A_1806 : i32
        %add3A_1808 = arith.constant 16 : i32
        %add3A_1809 = arith.addi %mul3A_1807, %add3A_1808 : i32
        %get3A_1810 = arith.index_cast %add3A_1809 : i32 to index
        %get3A_1811 = tpu.vector_load %arg5[%get3A_1810] {strides = array<i32>} : memref<16384xf32, #tpu.memory_space<vmem>>, vector<16xf32>,
        %mul3A_1812 = arith.constant 32 : i32
        %mul3A_1813 = arith.muli %add3A_1797, %mul3A_1812 : i32
        %add3A_1814 = arith.constant 16 : i32
        %add3A_1815 = arith.addi %mul3A_1813, %add3A_1814 : i32
        %get3A_1816 = arith.index_cast %add3A_1815 : i32 to index
        %get3A_1817 = tpu.vector_load %arg6[%get3A_1816] {strides = array<i32>} : memref<16384xf32, #tpu.memory_space<vmem>>, vector<16xf32>,
        %add3A_1818 = arith.constant 1.000000e+00 : f32
        %add3A_1819 = vector.broadcast %add3A_1818 : f32 to vector<16xf32>
        %add3A_1820 = arith.addf %get3A_1801, %add3A_1819 : vector<16xf32>
        %mul3A_1821 = arith.mulf %add3A_1820, %get3A_1805 : vector<16xf32>
        %convert_element_type3A_1822 = arith.fptosi %mul3A_1821 : vector<16xf32> to vector<16xi32>
        %add3A_1823 = arith.addi %convert_element_type3A_1822, %mul3A_9 : vector<16xi32>
        %add3A_1824 = arith.constant 23634 : i32
        %add3A_1825 = vector.broadcast %add3A_1824 : i32 to vector<16xi32>
        %add3A_1826 = arith.addi %add3A_1823, %add3A_1825 : vector<16xi32>
        %add3A_1827 = arith.constant 1.000000e+00 : f32
        %add3A_1828 = vector.broadcast %add3A_1827 : f32 to vector<16xf32>
        %add3A_1829 = arith.addf %get3A_1811, %add3A_1828 : vector<16xf32>
        %mul3A_1830 = arith.mulf %add3A_1829, %get3A_1817 : vector<16xf32>
        %convert_element_type3A_1831 = arith.fptosi %mul3A_1830 : vector<16xf32> to vector<16xi32>
        %add3A_1832 = arith.addi %convert_element_type3A_1831, %mul3A_15 : vector<16xi32>
        %add3A_1833 = arith.constant 23634 : i32
        %add3A_1834 = vector.broadcast %add3A_1833 : i32 to vector<16xi32>
        %add3A_1835 = arith.addi %add3A_1832, %add3A_1834 : vector<16xi32>
        tpu.vector_store_idx %arg7[%add3A_1826], %broadcast_in_dim3A_20 : memref<42016xf32, #tpu.memory_space<vmem>>[vector<16xi32>], vector<16xf32>,
        tpu.vector_store_idx %arg7[%add3A_1835], %broadcast_in_dim3A_20 masked %lt3A_17 : memref<42016xf32, #tpu.memory_space<vmem>>[vector<16xi32>], vector<16xf32>, vector<16xi1>
        %mul3A_1836 = arith.constant 16 : i32
        %mul3A_1837 = arith.muli %sub3A_1415, %mul3A_1836 : i32
        %add3A_1838 = arith.constant 10 : i32
        %add3A_1839 = arith.addi %mul3A_1837, %add3A_1838 : i32
        %mul3A_1840 = arith.constant 32 : i32
        %mul3A_1841 = arith.muli %add3A_1839, %mul3A_1840 : i32
        %get3A_1842 = arith.index_cast %mul3A_1841 : i32 to index
        %get3A_1843 = tpu.vector_load %arg5[%get3A_1842] {strides = array<i32>} : memref<16384xf32, #tpu.memory_space<vmem>>, vector<16xf32>,
        %mul3A_1844 = arith.constant 32 : i32
        %mul3A_1845 = arith.muli %add3A_1839, %mul3A_1844 : i32
        %get3A_1846 = arith.index_cast %mul3A_1845 : i32 to index
        %get3A_1847 = tpu.vector_load %arg6[%get3A_1846] {strides = array<i32>} : memref<16384xf32, #tpu.memory_space<vmem>>, vector<16xf32>,
        %mul3A_1848 = arith.constant 32 : i32
        %mul3A_1849 = arith.muli %add3A_1839, %mul3A_1848 : i32
        %add3A_1850 = arith.constant 16 : i32
        %add3A_1851 = arith.addi %mul3A_1849, %add3A_1850 : i32
        %get3A_1852 = arith.index_cast %add3A_1851 : i32 to index
        %get3A_1853 = tpu.vector_load %arg5[%get3A_1852] {strides = array<i32>} : memref<16384xf32, #tpu.memory_space<vmem>>, vector<16xf32>,
        %mul3A_1854 = arith.constant 32 : i32
        %mul3A_1855 = arith.muli %add3A_1839, %mul3A_1854 : i32
        %add3A_1856 = arith.constant 16 : i32
        %add3A_1857 = arith.addi %mul3A_1855, %add3A_1856 : i32
        %get3A_1858 = arith.index_cast %add3A_1857 : i32 to index
        %get3A_1859 = tpu.vector_load %arg6[%get3A_1858] {strides = array<i32>} : memref<16384xf32, #tpu.memory_space<vmem>>, vector<16xf32>,
        %add3A_1860 = arith.constant 1.000000e+00 : f32
        %add3A_1861 = vector.broadcast %add3A_1860 : f32 to vector<16xf32>
        %add3A_1862 = arith.addf %get3A_1843, %add3A_1861 : vector<16xf32>
        %mul3A_1863 = arith.mulf %add3A_1862, %get3A_1847 : vector<16xf32>
        %convert_element_type3A_1864 = arith.fptosi %mul3A_1863 : vector<16xf32> to vector<16xi32>
        %add3A_1865 = arith.addi %convert_element_type3A_1864, %mul3A_9 : vector<16xi32>
        %add3A_1866 = arith.constant 26260 : i32
        %add3A_1867 = vector.broadcast %add3A_1866 : i32 to vector<16xi32>
        %add3A_1868 = arith.addi %add3A_1865, %add3A_1867 : vector<16xi32>
        %add3A_1869 = arith.constant 1.000000e+00 : f32
        %add3A_1870 = vector.broadcast %add3A_1869 : f32 to vector<16xf32>
        %add3A_1871 = arith.addf %get3A_1853, %add3A_1870 : vector<16xf32>
        %mul3A_1872 = arith.mulf %add3A_1871, %get3A_1859 : vector<16xf32>
        %convert_element_type3A_1873 = arith.fptosi %mul3A_1872 : vector<16xf32> to vector<16xi32>
        %add3A_1874 = arith.addi %convert_element_type3A_1873, %mul3A_15 : vector<16xi32>
        %add3A_1875 = arith.constant 26260 : i32
        %add3A_1876 = vector.broadcast %add3A_1875 : i32 to vector<16xi32>
        %add3A_1877 = arith.addi %add3A_1874, %add3A_1876 : vector<16xi32>
        tpu.vector_store_idx %arg7[%add3A_1868], %broadcast_in_dim3A_20 : memref<42016xf32, #tpu.memory_space<vmem>>[vector<16xi32>], vector<16xf32>,
        tpu.vector_store_idx %arg7[%add3A_1877], %broadcast_in_dim3A_20 masked %lt3A_17 : memref<42016xf32, #tpu.memory_space<vmem>>[vector<16xi32>], vector<16xf32>, vector<16xi1>
        %mul3A_1878 = arith.constant 16 : i32
        %mul3A_1879 = arith.muli %sub3A_1415, %mul3A_1878 : i32
        %add3A_1880 = arith.constant 11 : i32
        %add3A_1881 = arith.addi %mul3A_1879, %add3A_1880 : i32
        %mul3A_1882 = arith.constant 32 : i32
        %mul3A_1883 = arith.muli %add3A_1881, %mul3A_1882 : i32
        %get3A_1884 = arith.index_cast %mul3A_1883 : i32 to index
        %get3A_1885 = tpu.vector_load %arg5[%get3A_1884] {strides = array<i32>} : memref<16384xf32, #tpu.memory_space<vmem>>, vector<16xf32>,
        %mul3A_1886 = arith.constant 32 : i32
        %mul3A_1887 = arith.muli %add3A_1881, %mul3A_1886 : i32
        %get3A_1888 = arith.index_cast %mul3A_1887 : i32 to index
        %get3A_1889 = tpu.vector_load %arg6[%get3A_1888] {strides = array<i32>} : memref<16384xf32, #tpu.memory_space<vmem>>, vector<16xf32>,
        %mul3A_1890 = arith.constant 32 : i32
        %mul3A_1891 = arith.muli %add3A_1881, %mul3A_1890 : i32
        %add3A_1892 = arith.constant 16 : i32
        %add3A_1893 = arith.addi %mul3A_1891, %add3A_1892 : i32
        %get3A_1894 = arith.index_cast %add3A_1893 : i32 to index
        %get3A_1895 = tpu.vector_load %arg5[%get3A_1894] {strides = array<i32>} : memref<16384xf32, #tpu.memory_space<vmem>>, vector<16xf32>,
        %mul3A_1896 = arith.constant 32 : i32
        %mul3A_1897 = arith.muli %add3A_1881, %mul3A_1896 : i32
        %add3A_1898 = arith.constant 16 : i32
        %add3A_1899 = arith.addi %mul3A_1897, %add3A_1898 : i32
        %get3A_1900 = arith.index_cast %add3A_1899 : i32 to index
        %get3A_1901 = tpu.vector_load %arg6[%get3A_1900] {strides = array<i32>} : memref<16384xf32, #tpu.memory_space<vmem>>, vector<16xf32>,
        %add3A_1902 = arith.constant 1.000000e+00 : f32
        %add3A_1903 = vector.broadcast %add3A_1902 : f32 to vector<16xf32>
        %add3A_1904 = arith.addf %get3A_1885, %add3A_1903 : vector<16xf32>
        %mul3A_1905 = arith.mulf %add3A_1904, %get3A_1889 : vector<16xf32>
        %convert_element_type3A_1906 = arith.fptosi %mul3A_1905 : vector<16xf32> to vector<16xi32>
        %add3A_1907 = arith.addi %convert_element_type3A_1906, %mul3A_9 : vector<16xi32>
        %add3A_1908 = arith.constant 28886 : i32
        %add3A_1909 = vector.broadcast %add3A_1908 : i32 to vector<16xi32>
        %add3A_1910 = arith.addi %add3A_1907, %add3A_1909 : vector<16xi32>
        %add3A_1911 = arith.constant 1.000000e+00 : f32
        %add3A_1912 = vector.broadcast %add3A_1911 : f32 to vector<16xf32>
        %add3A_1913 = arith.addf %get3A_1895, %add3A_1912 : vector<16xf32>
        %mul3A_1914 = arith.mulf %add3A_1913, %get3A_1901 : vector<16xf32>
        %convert_element_type3A_1915 = arith.fptosi %mul3A_1914 : vector<16xf32> to vector<16xi32>
        %add3A_1916 = arith.addi %convert_element_type3A_1915, %mul3A_15 : vector<16xi32>
        %add3A_1917 = arith.constant 28886 : i32
        %add3A_1918 = vector.broadcast %add3A_1917 : i32 to vector<16xi32>
        %add3A_1919 = arith.addi %add3A_1916, %add3A_1918 : vector<16xi32>
        tpu.vector_store_idx %arg7[%add3A_1910], %broadcast_in_dim3A_20 : memref<42016xf32, #tpu.memory_space<vmem>>[vector<16xi32>], vector<16xf32>,
        tpu.vector_store_idx %arg7[%add3A_1919], %broadcast_in_dim3A_20 masked %lt3A_17 : memref<42016xf32, #tpu.memory_space<vmem>>[vector<16xi32>], vector<16xf32>, vector<16xi1>
        %mul3A_1920 = arith.constant 16 : i32
        %mul3A_1921 = arith.muli %sub3A_1415, %mul3A_1920 : i32
        %add3A_1922 = arith.constant 12 : i32
        %add3A_1923 = arith.addi %mul3A_1921, %add3A_1922 : i32
        %mul3A_1924 = arith.constant 32 : i32
        %mul3A_1925 = arith.muli %add3A_1923, %mul3A_1924 : i32
        %get3A_1926 = arith.index_cast %mul3A_1925 : i32 to index
        %get3A_1927 = tpu.vector_load %arg5[%get3A_1926] {strides = array<i32>} : memref<16384xf32, #tpu.memory_space<vmem>>, vector<16xf32>,
        %mul3A_1928 = arith.constant 32 : i32
        %mul3A_1929 = arith.muli %add3A_1923, %mul3A_1928 : i32
        %get3A_1930 = arith.index_cast %mul3A_1929 : i32 to index
        %get3A_1931 = tpu.vector_load %arg6[%get3A_1930] {strides = array<i32>} : memref<16384xf32, #tpu.memory_space<vmem>>, vector<16xf32>,
        %mul3A_1932 = arith.constant 32 : i32
        %mul3A_1933 = arith.muli %add3A_1923, %mul3A_1932 : i32
        %add3A_1934 = arith.constant 16 : i32
        %add3A_1935 = arith.addi %mul3A_1933, %add3A_1934 : i32
        %get3A_1936 = arith.index_cast %add3A_1935 : i32 to index
        %get3A_1937 = tpu.vector_load %arg5[%get3A_1936] {strides = array<i32>} : memref<16384xf32, #tpu.memory_space<vmem>>, vector<16xf32>,
        %mul3A_1938 = arith.constant 32 : i32
        %mul3A_1939 = arith.muli %add3A_1923, %mul3A_1938 : i32
        %add3A_1940 = arith.constant 16 : i32
        %add3A_1941 = arith.addi %mul3A_1939, %add3A_1940 : i32
        %get3A_1942 = arith.index_cast %add3A_1941 : i32 to index
        %get3A_1943 = tpu.vector_load %arg6[%get3A_1942] {strides = array<i32>} : memref<16384xf32, #tpu.memory_space<vmem>>, vector<16xf32>,
        %add3A_1944 = arith.constant 1.000000e+00 : f32
        %add3A_1945 = vector.broadcast %add3A_1944 : f32 to vector<16xf32>
        %add3A_1946 = arith.addf %get3A_1927, %add3A_1945 : vector<16xf32>
        %mul3A_1947 = arith.mulf %add3A_1946, %get3A_1931 : vector<16xf32>
        %convert_element_type3A_1948 = arith.fptosi %mul3A_1947 : vector<16xf32> to vector<16xi32>
        %add3A_1949 = arith.addi %convert_element_type3A_1948, %mul3A_9 : vector<16xi32>
        %add3A_1950 = arith.constant 31512 : i32
        %add3A_1951 = vector.broadcast %add3A_1950 : i32 to vector<16xi32>
        %add3A_1952 = arith.addi %add3A_1949, %add3A_1951 : vector<16xi32>
        %add3A_1953 = arith.constant 1.000000e+00 : f32
        %add3A_1954 = vector.broadcast %add3A_1953 : f32 to vector<16xf32>
        %add3A_1955 = arith.addf %get3A_1937, %add3A_1954 : vector<16xf32>
        %mul3A_1956 = arith.mulf %add3A_1955, %get3A_1943 : vector<16xf32>
        %convert_element_type3A_1957 = arith.fptosi %mul3A_1956 : vector<16xf32> to vector<16xi32>
        %add3A_1958 = arith.addi %convert_element_type3A_1957, %mul3A_15 : vector<16xi32>
        %add3A_1959 = arith.constant 31512 : i32
        %add3A_1960 = vector.broadcast %add3A_1959 : i32 to vector<16xi32>
        %add3A_1961 = arith.addi %add3A_1958, %add3A_1960 : vector<16xi32>
        tpu.vector_store_idx %arg7[%add3A_1952], %broadcast_in_dim3A_20 : memref<42016xf32, #tpu.memory_space<vmem>>[vector<16xi32>], vector<16xf32>,
        tpu.vector_store_idx %arg7[%add3A_1961], %broadcast_in_dim3A_20 masked %lt3A_17 : memref<42016xf32, #tpu.memory_space<vmem>>[vector<16xi32>], vector<16xf32>, vector<16xi1>
        %mul3A_1962 = arith.constant 16 : i32
        %mul3A_1963 = arith.muli %sub3A_1415, %mul3A_1962 : i32
        %add3A_1964 = arith.constant 13 : i32
        %add3A_1965 = arith.addi %mul3A_1963, %add3A_1964 : i32
        %mul3A_1966 = arith.constant 32 : i32
        %mul3A_1967 = arith.muli %add3A_1965, %mul3A_1966 : i32
        %get3A_1968 = arith.index_cast %mul3A_1967 : i32 to index
        %get3A_1969 = tpu.vector_load %arg5[%get3A_1968] {strides = array<i32>} : memref<16384xf32, #tpu.memory_space<vmem>>, vector<16xf32>,
        %mul3A_1970 = arith.constant 32 : i32
        %mul3A_1971 = arith.muli %add3A_1965, %mul3A_1970 : i32
        %get3A_1972 = arith.index_cast %mul3A_1971 : i32 to index
        %get3A_1973 = tpu.vector_load %arg6[%get3A_1972] {strides = array<i32>} : memref<16384xf32, #tpu.memory_space<vmem>>, vector<16xf32>,
        %mul3A_1974 = arith.constant 32 : i32
        %mul3A_1975 = arith.muli %add3A_1965, %mul3A_1974 : i32
        %add3A_1976 = arith.constant 16 : i32
        %add3A_1977 = arith.addi %mul3A_1975, %add3A_1976 : i32
        %get3A_1978 = arith.index_cast %add3A_1977 : i32 to index
        %get3A_1979 = tpu.vector_load %arg5[%get3A_1978] {strides = array<i32>} : memref<16384xf32, #tpu.memory_space<vmem>>, vector<16xf32>,
        %mul3A_1980 = arith.constant 32 : i32
        %mul3A_1981 = arith.muli %add3A_1965, %mul3A_1980 : i32
        %add3A_1982 = arith.constant 16 : i32
        %add3A_1983 = arith.addi %mul3A_1981, %add3A_1982 : i32
        %get3A_1984 = arith.index_cast %add3A_1983 : i32 to index
        %get3A_1985 = tpu.vector_load %arg6[%get3A_1984] {strides = array<i32>} : memref<16384xf32, #tpu.memory_space<vmem>>, vector<16xf32>,
        %add3A_1986 = arith.constant 1.000000e+00 : f32
        %add3A_1987 = vector.broadcast %add3A_1986 : f32 to vector<16xf32>
        %add3A_1988 = arith.addf %get3A_1969, %add3A_1987 : vector<16xf32>
        %mul3A_1989 = arith.mulf %add3A_1988, %get3A_1973 : vector<16xf32>
        %convert_element_type3A_1990 = arith.fptosi %mul3A_1989 : vector<16xf32> to vector<16xi32>
        %add3A_1991 = arith.addi %convert_element_type3A_1990, %mul3A_9 : vector<16xi32>
        %add3A_1992 = arith.constant 34138 : i32
        %add3A_1993 = vector.broadcast %add3A_1992 : i32 to vector<16xi32>
        %add3A_1994 = arith.addi %add3A_1991, %add3A_1993 : vector<16xi32>
        %add3A_1995 = arith.constant 1.000000e+00 : f32
        %add3A_1996 = vector.broadcast %add3A_1995 : f32 to vector<16xf32>
        %add3A_1997 = arith.addf %get3A_1979, %add3A_1996 : vector<16xf32>
        %mul3A_1998 = arith.mulf %add3A_1997, %get3A_1985 : vector<16xf32>
        %convert_element_type3A_1999 = arith.fptosi %mul3A_1998 : vector<16xf32> to vector<16xi32>
        %add3A_2000 = arith.addi %convert_element_type3A_1999, %mul3A_15 : vector<16xi32>
        %add3A_2001 = arith.constant 34138 : i32
        %add3A_2002 = vector.broadcast %add3A_2001 : i32 to vector<16xi32>
        %add3A_2003 = arith.addi %add3A_2000, %add3A_2002 : vector<16xi32>
        tpu.vector_store_idx %arg7[%add3A_1994], %broadcast_in_dim3A_20 : memref<42016xf32, #tpu.memory_space<vmem>>[vector<16xi32>], vector<16xf32>,
        tpu.vector_store_idx %arg7[%add3A_2003], %broadcast_in_dim3A_20 masked %lt3A_17 : memref<42016xf32, #tpu.memory_space<vmem>>[vector<16xi32>], vector<16xf32>, vector<16xi1>
        %mul3A_2004 = arith.constant 16 : i32
        %mul3A_2005 = arith.muli %sub3A_1415, %mul3A_2004 : i32
        %add3A_2006 = arith.constant 14 : i32
        %add3A_2007 = arith.addi %mul3A_2005, %add3A_2006 : i32
        %mul3A_2008 = arith.constant 32 : i32
        %mul3A_2009 = arith.muli %add3A_2007, %mul3A_2008 : i32
        %get3A_2010 = arith.index_cast %mul3A_2009 : i32 to index
        %get3A_2011 = tpu.vector_load %arg5[%get3A_2010] {strides = array<i32>} : memref<16384xf32, #tpu.memory_space<vmem>>, vector<16xf32>,
        %mul3A_2012 = arith.constant 32 : i32
        %mul3A_2013 = arith.muli %add3A_2007, %mul3A_2012 : i32
        %get3A_2014 = arith.index_cast %mul3A_2013 : i32 to index
        %get3A_2015 = tpu.vector_load %arg6[%get3A_2014] {strides = array<i32>} : memref<16384xf32, #tpu.memory_space<vmem>>, vector<16xf32>,
        %mul3A_2016 = arith.constant 32 : i32
        %mul3A_2017 = arith.muli %add3A_2007, %mul3A_2016 : i32
        %add3A_2018 = arith.constant 16 : i32
        %add3A_2019 = arith.addi %mul3A_2017, %add3A_2018 : i32
        %get3A_2020 = arith.index_cast %add3A_2019 : i32 to index
        %get3A_2021 = tpu.vector_load %arg5[%get3A_2020] {strides = array<i32>} : memref<16384xf32, #tpu.memory_space<vmem>>, vector<16xf32>,
        %mul3A_2022 = arith.constant 32 : i32
        %mul3A_2023 = arith.muli %add3A_2007, %mul3A_2022 : i32
        %add3A_2024 = arith.constant 16 : i32
        %add3A_2025 = arith.addi %mul3A_2023, %add3A_2024 : i32
        %get3A_2026 = arith.index_cast %add3A_2025 : i32 to index
        %get3A_2027 = tpu.vector_load %arg6[%get3A_2026] {strides = array<i32>} : memref<16384xf32, #tpu.memory_space<vmem>>, vector<16xf32>,
        %add3A_2028 = arith.constant 1.000000e+00 : f32
        %add3A_2029 = vector.broadcast %add3A_2028 : f32 to vector<16xf32>
        %add3A_2030 = arith.addf %get3A_2011, %add3A_2029 : vector<16xf32>
        %mul3A_2031 = arith.mulf %add3A_2030, %get3A_2015 : vector<16xf32>
        %convert_element_type3A_2032 = arith.fptosi %mul3A_2031 : vector<16xf32> to vector<16xi32>
        %add3A_2033 = arith.addi %convert_element_type3A_2032, %mul3A_9 : vector<16xi32>
        %add3A_2034 = arith.constant 36764 : i32
        %add3A_2035 = vector.broadcast %add3A_2034 : i32 to vector<16xi32>
        %add3A_2036 = arith.addi %add3A_2033, %add3A_2035 : vector<16xi32>
        %add3A_2037 = arith.constant 1.000000e+00 : f32
        %add3A_2038 = vector.broadcast %add3A_2037 : f32 to vector<16xf32>
        %add3A_2039 = arith.addf %get3A_2021, %add3A_2038 : vector<16xf32>
        %mul3A_2040 = arith.mulf %add3A_2039, %get3A_2027 : vector<16xf32>
        %convert_element_type3A_2041 = arith.fptosi %mul3A_2040 : vector<16xf32> to vector<16xi32>
        %add3A_2042 = arith.addi %convert_element_type3A_2041, %mul3A_15 : vector<16xi32>
        %add3A_2043 = arith.constant 36764 : i32
        %add3A_2044 = vector.broadcast %add3A_2043 : i32 to vector<16xi32>
        %add3A_2045 = arith.addi %add3A_2042, %add3A_2044 : vector<16xi32>
        tpu.vector_store_idx %arg7[%add3A_2036], %broadcast_in_dim3A_20 : memref<42016xf32, #tpu.memory_space<vmem>>[vector<16xi32>], vector<16xf32>,
        tpu.vector_store_idx %arg7[%add3A_2045], %broadcast_in_dim3A_20 masked %lt3A_17 : memref<42016xf32, #tpu.memory_space<vmem>>[vector<16xi32>], vector<16xf32>, vector<16xi1>
        %mul3A_2046 = arith.constant 16 : i32
        %mul3A_2047 = arith.muli %sub3A_1415, %mul3A_2046 : i32
        %add3A_2048 = arith.constant 15 : i32
        %add3A_2049 = arith.addi %mul3A_2047, %add3A_2048 : i32
        %mul3A_2050 = arith.constant 32 : i32
        %mul3A_2051 = arith.muli %add3A_2049, %mul3A_2050 : i32
        %get3A_2052 = arith.index_cast %mul3A_2051 : i32 to index
        %get3A_2053 = tpu.vector_load %arg5[%get3A_2052] {strides = array<i32>} : memref<16384xf32, #tpu.memory_space<vmem>>, vector<16xf32>,
        %mul3A_2054 = arith.constant 32 : i32
        %mul3A_2055 = arith.muli %add3A_2049, %mul3A_2054 : i32
        %get3A_2056 = arith.index_cast %mul3A_2055 : i32 to index
        %get3A_2057 = tpu.vector_load %arg6[%get3A_2056] {strides = array<i32>} : memref<16384xf32, #tpu.memory_space<vmem>>, vector<16xf32>,
        %mul3A_2058 = arith.constant 32 : i32
        %mul3A_2059 = arith.muli %add3A_2049, %mul3A_2058 : i32
        %add3A_2060 = arith.constant 16 : i32
        %add3A_2061 = arith.addi %mul3A_2059, %add3A_2060 : i32
        %get3A_2062 = arith.index_cast %add3A_2061 : i32 to index
        %get3A_2063 = tpu.vector_load %arg5[%get3A_2062] {strides = array<i32>} : memref<16384xf32, #tpu.memory_space<vmem>>, vector<16xf32>,
        %mul3A_2064 = arith.constant 32 : i32
        %mul3A_2065 = arith.muli %add3A_2049, %mul3A_2064 : i32
        %add3A_2066 = arith.constant 16 : i32
        %add3A_2067 = arith.addi %mul3A_2065, %add3A_2066 : i32
        %get3A_2068 = arith.index_cast %add3A_2067 : i32 to index
        %get3A_2069 = tpu.vector_load %arg6[%get3A_2068] {strides = array<i32>} : memref<16384xf32, #tpu.memory_space<vmem>>, vector<16xf32>,
        %add3A_2070 = arith.constant 1.000000e+00 : f32
        %add3A_2071 = vector.broadcast %add3A_2070 : f32 to vector<16xf32>
        %add3A_2072 = arith.addf %get3A_2053, %add3A_2071 : vector<16xf32>
        %mul3A_2073 = arith.mulf %add3A_2072, %get3A_2057 : vector<16xf32>
        %convert_element_type3A_2074 = arith.fptosi %mul3A_2073 : vector<16xf32> to vector<16xi32>
        %add3A_2075 = arith.addi %convert_element_type3A_2074, %mul3A_9 : vector<16xi32>
        %add3A_2076 = arith.constant 39390 : i32
        %add3A_2077 = vector.broadcast %add3A_2076 : i32 to vector<16xi32>
        %add3A_2078 = arith.addi %add3A_2075, %add3A_2077 : vector<16xi32>
        %add3A_2079 = arith.constant 1.000000e+00 : f32
        %add3A_2080 = vector.broadcast %add3A_2079 : f32 to vector<16xf32>
        %add3A_2081 = arith.addf %get3A_2063, %add3A_2080 : vector<16xf32>
        %mul3A_2082 = arith.mulf %add3A_2081, %get3A_2069 : vector<16xf32>
        %convert_element_type3A_2083 = arith.fptosi %mul3A_2082 : vector<16xf32> to vector<16xi32>
        %add3A_2084 = arith.addi %convert_element_type3A_2083, %mul3A_15 : vector<16xi32>
        %add3A_2085 = arith.constant 39390 : i32
        %add3A_2086 = vector.broadcast %add3A_2085 : i32 to vector<16xi32>
        %add3A_2087 = arith.addi %add3A_2084, %add3A_2086 : vector<16xi32>
        tpu.vector_store_idx %arg7[%add3A_2078], %broadcast_in_dim3A_20 : memref<42016xf32, #tpu.memory_space<vmem>>[vector<16xi32>], vector<16xf32>,
        tpu.vector_store_idx %arg7[%add3A_2087], %broadcast_in_dim3A_20 masked %lt3A_17 : memref<42016xf32, #tpu.memory_space<vmem>>[vector<16xi32>], vector<16xf32>, vector<16xi1>
      } else {
      }
      %mul3A_46 = arith.constant 16 : i32
      %mul3A_47 = arith.muli %add3A_43, %mul3A_46 : i32
      %add3A_48 = arith.constant 0 : i32
      %add3A_49 = arith.addi %mul3A_47, %add3A_48 : i32
      %mul3A_50 = arith.constant 32 : i32
      %mul3A_51 = arith.muli %add3A_49, %mul3A_50 : i32
      %get3A = arith.index_cast %mul3A_51 : i32 to index
      %get3A_52 = tpu.vector_load %arg5[%get3A] {strides = array<i32>} : memref<16384xf32, #tpu.memory_space<vmem>>, vector<16xf32>,
      %mul3A_53 = arith.constant 32 : i32
      %mul3A_54 = arith.muli %add3A_49, %mul3A_53 : i32
      %get3A_55 = arith.index_cast %mul3A_54 : i32 to index
      %get3A_56 = tpu.vector_load %arg6[%get3A_55] {strides = array<i32>} : memref<16384xf32, #tpu.memory_space<vmem>>, vector<16xf32>,
      %mul3A_57 = arith.constant 32 : i32
      %mul3A_58 = arith.muli %add3A_49, %mul3A_57 : i32
      %add3A_59 = arith.constant 16 : i32
      %add3A_60 = arith.addi %mul3A_58, %add3A_59 : i32
      %get3A_61 = arith.index_cast %add3A_60 : i32 to index
      %get3A_62 = tpu.vector_load %arg5[%get3A_61] {strides = array<i32>} : memref<16384xf32, #tpu.memory_space<vmem>>, vector<16xf32>,
      %mul3A_63 = arith.constant 32 : i32
      %mul3A_64 = arith.muli %add3A_49, %mul3A_63 : i32
      %add3A_65 = arith.constant 16 : i32
      %add3A_66 = arith.addi %mul3A_64, %add3A_65 : i32
      %get3A_67 = arith.index_cast %add3A_66 : i32 to index
      %get3A_68 = tpu.vector_load %arg6[%get3A_67] {strides = array<i32>} : memref<16384xf32, #tpu.memory_space<vmem>>, vector<16xf32>,
      %add3A_69 = arith.constant 1.000000e+00 : f32
      %add3A_70 = vector.broadcast %add3A_69 : f32 to vector<16xf32>
      %add3A_71 = arith.addf %get3A_52, %add3A_70 : vector<16xf32>
      %mul3A_72 = arith.mulf %add3A_71, %get3A_56 : vector<16xf32>
      %convert_element_type3A_73 = arith.fptosi %mul3A_72 : vector<16xf32> to vector<16xi32>
      %add3A_74 = arith.addi %convert_element_type3A_73, %mul3A_9 : vector<16xi32>
      %add3A_75 = arith.constant 0 : i32
      %add3A_76 = vector.broadcast %add3A_75 : i32 to vector<16xi32>
      %add3A_77 = arith.addi %add3A_74, %add3A_76 : vector<16xi32>
      %add3A_78 = arith.constant 1.000000e+00 : f32
      %add3A_79 = vector.broadcast %add3A_78 : f32 to vector<16xf32>
      %add3A_80 = arith.addf %get3A_62, %add3A_79 : vector<16xf32>
      %mul3A_81 = arith.mulf %add3A_80, %get3A_68 : vector<16xf32>
      %convert_element_type3A_82 = arith.fptosi %mul3A_81 : vector<16xf32> to vector<16xi32>
      %add3A_83 = arith.addi %convert_element_type3A_82, %mul3A_15 : vector<16xi32>
      %add3A_84 = arith.constant 0 : i32
      %add3A_85 = vector.broadcast %add3A_84 : i32 to vector<16xi32>
      %add3A_86 = arith.addi %add3A_83, %add3A_85 : vector<16xi32>
      tpu.vector_store_idx %arg7[%add3A_77], %broadcast_in_dim3A_18 : memref<42016xf32, #tpu.memory_space<vmem>>[vector<16xi32>], vector<16xf32>,
      tpu.vector_store_idx %arg7[%add3A_86], %broadcast_in_dim3A_18 masked %lt3A_17 : memref<42016xf32, #tpu.memory_space<vmem>>[vector<16xi32>], vector<16xf32>, vector<16xi1>
      %mul3A_87 = arith.constant 16 : i32
      %mul3A_88 = arith.muli %add3A_43, %mul3A_87 : i32
      %add3A_89 = arith.constant 1 : i32
      %add3A_90 = arith.addi %mul3A_88, %add3A_89 : i32
      %mul3A_91 = arith.constant 32 : i32
      %mul3A_92 = arith.muli %add3A_90, %mul3A_91 : i32
      %get3A_93 = arith.index_cast %mul3A_92 : i32 to index
      %get3A_94 = tpu.vector_load %arg5[%get3A_93] {strides = array<i32>} : memref<16384xf32, #tpu.memory_space<vmem>>, vector<16xf32>,
      %mul3A_95 = arith.constant 32 : i32
      %mul3A_96 = arith.muli %add3A_90, %mul3A_95 : i32
      %get3A_97 = arith.index_cast %mul3A_96 : i32 to index
      %get3A_98 = tpu.vector_load %arg6[%get3A_97] {strides = array<i32>} : memref<16384xf32, #tpu.memory_space<vmem>>, vector<16xf32>,
      %mul3A_99 = arith.constant 32 : i32
      %mul3A_100 = arith.muli %add3A_90, %mul3A_99 : i32
      %add3A_101 = arith.constant 16 : i32
      %add3A_102 = arith.addi %mul3A_100, %add3A_101 : i32
      %get3A_103 = arith.index_cast %add3A_102 : i32 to index
      %get3A_104 = tpu.vector_load %arg5[%get3A_103] {strides = array<i32>} : memref<16384xf32, #tpu.memory_space<vmem>>, vector<16xf32>,
      %mul3A_105 = arith.constant 32 : i32
      %mul3A_106 = arith.muli %add3A_90, %mul3A_105 : i32
      %add3A_107 = arith.constant 16 : i32
      %add3A_108 = arith.addi %mul3A_106, %add3A_107 : i32
      %get3A_109 = arith.index_cast %add3A_108 : i32 to index
      %get3A_110 = tpu.vector_load %arg6[%get3A_109] {strides = array<i32>} : memref<16384xf32, #tpu.memory_space<vmem>>, vector<16xf32>,
      %add3A_111 = arith.constant 1.000000e+00 : f32
      %add3A_112 = vector.broadcast %add3A_111 : f32 to vector<16xf32>
      %add3A_113 = arith.addf %get3A_94, %add3A_112 : vector<16xf32>
      %mul3A_114 = arith.mulf %add3A_113, %get3A_98 : vector<16xf32>
      %convert_element_type3A_115 = arith.fptosi %mul3A_114 : vector<16xf32> to vector<16xi32>
      %add3A_116 = arith.addi %convert_element_type3A_115, %mul3A_9 : vector<16xi32>
      %add3A_117 = arith.constant 2626 : i32
      %add3A_118 = vector.broadcast %add3A_117 : i32 to vector<16xi32>
      %add3A_119 = arith.addi %add3A_116, %add3A_118 : vector<16xi32>
      %add3A_120 = arith.constant 1.000000e+00 : f32
      %add3A_121 = vector.broadcast %add3A_120 : f32 to vector<16xf32>
      %add3A_122 = arith.addf %get3A_104, %add3A_121 : vector<16xf32>
      %mul3A_123 = arith.mulf %add3A_122, %get3A_110 : vector<16xf32>
      %convert_element_type3A_124 = arith.fptosi %mul3A_123 : vector<16xf32> to vector<16xi32>
      %add3A_125 = arith.addi %convert_element_type3A_124, %mul3A_15 : vector<16xi32>
      %add3A_126 = arith.constant 2626 : i32
      %add3A_127 = vector.broadcast %add3A_126 : i32 to vector<16xi32>
      %add3A_128 = arith.addi %add3A_125, %add3A_127 : vector<16xi32>
      tpu.vector_store_idx %arg7[%add3A_119], %broadcast_in_dim3A_18 : memref<42016xf32, #tpu.memory_space<vmem>>[vector<16xi32>], vector<16xf32>,
      tpu.vector_store_idx %arg7[%add3A_128], %broadcast_in_dim3A_18 masked %lt3A_17 : memref<42016xf32, #tpu.memory_space<vmem>>[vector<16xi32>], vector<16xf32>, vector<16xi1>
      %mul3A_129 = arith.constant 16 : i32
      %mul3A_130 = arith.muli %add3A_43, %mul3A_129 : i32
      %add3A_131 = arith.constant 2 : i32
      %add3A_132 = arith.addi %mul3A_130, %add3A_131 : i32
      %mul3A_133 = arith.constant 32 : i32
      %mul3A_134 = arith.muli %add3A_132, %mul3A_133 : i32
      %get3A_135 = arith.index_cast %mul3A_134 : i32 to index
      %get3A_136 = tpu.vector_load %arg5[%get3A_135] {strides = array<i32>} : memref<16384xf32, #tpu.memory_space<vmem>>, vector<16xf32>,
      %mul3A_137 = arith.constant 32 : i32
      %mul3A_138 = arith.muli %add3A_132, %mul3A_137 : i32
      %get3A_139 = arith.index_cast %mul3A_138 : i32 to index
      %get3A_140 = tpu.vector_load %arg6[%get3A_139] {strides = array<i32>} : memref<16384xf32, #tpu.memory_space<vmem>>, vector<16xf32>,
      %mul3A_141 = arith.constant 32 : i32
      %mul3A_142 = arith.muli %add3A_132, %mul3A_141 : i32
      %add3A_143 = arith.constant 16 : i32
      %add3A_144 = arith.addi %mul3A_142, %add3A_143 : i32
      %get3A_145 = arith.index_cast %add3A_144 : i32 to index
      %get3A_146 = tpu.vector_load %arg5[%get3A_145] {strides = array<i32>} : memref<16384xf32, #tpu.memory_space<vmem>>, vector<16xf32>,
      %mul3A_147 = arith.constant 32 : i32
      %mul3A_148 = arith.muli %add3A_132, %mul3A_147 : i32
      %add3A_149 = arith.constant 16 : i32
      %add3A_150 = arith.addi %mul3A_148, %add3A_149 : i32
      %get3A_151 = arith.index_cast %add3A_150 : i32 to index
      %get3A_152 = tpu.vector_load %arg6[%get3A_151] {strides = array<i32>} : memref<16384xf32, #tpu.memory_space<vmem>>, vector<16xf32>,
      %add3A_153 = arith.constant 1.000000e+00 : f32
      %add3A_154 = vector.broadcast %add3A_153 : f32 to vector<16xf32>
      %add3A_155 = arith.addf %get3A_136, %add3A_154 : vector<16xf32>
      %mul3A_156 = arith.mulf %add3A_155, %get3A_140 : vector<16xf32>
      %convert_element_type3A_157 = arith.fptosi %mul3A_156 : vector<16xf32> to vector<16xi32>
      %add3A_158 = arith.addi %convert_element_type3A_157, %mul3A_9 : vector<16xi32>
      %add3A_159 = arith.constant 5252 : i32
      %add3A_160 = vector.broadcast %add3A_159 : i32 to vector<16xi32>
      %add3A_161 = arith.addi %add3A_158, %add3A_160 : vector<16xi32>
      %add3A_162 = arith.constant 1.000000e+00 : f32
      %add3A_163 = vector.broadcast %add3A_162 : f32 to vector<16xf32>
      %add3A_164 = arith.addf %get3A_146, %add3A_163 : vector<16xf32>
      %mul3A_165 = arith.mulf %add3A_164, %get3A_152 : vector<16xf32>
      %convert_element_type3A_166 = arith.fptosi %mul3A_165 : vector<16xf32> to vector<16xi32>
      %add3A_167 = arith.addi %convert_element_type3A_166, %mul3A_15 : vector<16xi32>
      %add3A_168 = arith.constant 5252 : i32
      %add3A_169 = vector.broadcast %add3A_168 : i32 to vector<16xi32>
      %add3A_170 = arith.addi %add3A_167, %add3A_169 : vector<16xi32>
      tpu.vector_store_idx %arg7[%add3A_161], %broadcast_in_dim3A_18 : memref<42016xf32, #tpu.memory_space<vmem>>[vector<16xi32>], vector<16xf32>,
      tpu.vector_store_idx %arg7[%add3A_170], %broadcast_in_dim3A_18 masked %lt3A_17 : memref<42016xf32, #tpu.memory_space<vmem>>[vector<16xi32>], vector<16xf32>, vector<16xi1>
      %mul3A_171 = arith.constant 16 : i32
      %mul3A_172 = arith.muli %add3A_43, %mul3A_171 : i32
      %add3A_173 = arith.constant 3 : i32
      %add3A_174 = arith.addi %mul3A_172, %add3A_173 : i32
      %mul3A_175 = arith.constant 32 : i32
      %mul3A_176 = arith.muli %add3A_174, %mul3A_175 : i32
      %get3A_177 = arith.index_cast %mul3A_176 : i32 to index
      %get3A_178 = tpu.vector_load %arg5[%get3A_177] {strides = array<i32>} : memref<16384xf32, #tpu.memory_space<vmem>>, vector<16xf32>,
      %mul3A_179 = arith.constant 32 : i32
      %mul3A_180 = arith.muli %add3A_174, %mul3A_179 : i32
      %get3A_181 = arith.index_cast %mul3A_180 : i32 to index
      %get3A_182 = tpu.vector_load %arg6[%get3A_181] {strides = array<i32>} : memref<16384xf32, #tpu.memory_space<vmem>>, vector<16xf32>,
      %mul3A_183 = arith.constant 32 : i32
      %mul3A_184 = arith.muli %add3A_174, %mul3A_183 : i32
      %add3A_185 = arith.constant 16 : i32
      %add3A_186 = arith.addi %mul3A_184, %add3A_185 : i32
      %get3A_187 = arith.index_cast %add3A_186 : i32 to index
      %get3A_188 = tpu.vector_load %arg5[%get3A_187] {strides = array<i32>} : memref<16384xf32, #tpu.memory_space<vmem>>, vector<16xf32>,
      %mul3A_189 = arith.constant 32 : i32
      %mul3A_190 = arith.muli %add3A_174, %mul3A_189 : i32
      %add3A_191 = arith.constant 16 : i32
      %add3A_192 = arith.addi %mul3A_190, %add3A_191 : i32
      %get3A_193 = arith.index_cast %add3A_192 : i32 to index
      %get3A_194 = tpu.vector_load %arg6[%get3A_193] {strides = array<i32>} : memref<16384xf32, #tpu.memory_space<vmem>>, vector<16xf32>,
      %add3A_195 = arith.constant 1.000000e+00 : f32
      %add3A_196 = vector.broadcast %add3A_195 : f32 to vector<16xf32>
      %add3A_197 = arith.addf %get3A_178, %add3A_196 : vector<16xf32>
      %mul3A_198 = arith.mulf %add3A_197, %get3A_182 : vector<16xf32>
      %convert_element_type3A_199 = arith.fptosi %mul3A_198 : vector<16xf32> to vector<16xi32>
      %add3A_200 = arith.addi %convert_element_type3A_199, %mul3A_9 : vector<16xi32>
      %add3A_201 = arith.constant 7878 : i32
      %add3A_202 = vector.broadcast %add3A_201 : i32 to vector<16xi32>
      %add3A_203 = arith.addi %add3A_200, %add3A_202 : vector<16xi32>
      %add3A_204 = arith.constant 1.000000e+00 : f32
      %add3A_205 = vector.broadcast %add3A_204 : f32 to vector<16xf32>
      %add3A_206 = arith.addf %get3A_188, %add3A_205 : vector<16xf32>
      %mul3A_207 = arith.mulf %add3A_206, %get3A_194 : vector<16xf32>
      %convert_element_type3A_208 = arith.fptosi %mul3A_207 : vector<16xf32> to vector<16xi32>
      %add3A_209 = arith.addi %convert_element_type3A_208, %mul3A_15 : vector<16xi32>
      %add3A_210 = arith.constant 7878 : i32
      %add3A_211 = vector.broadcast %add3A_210 : i32 to vector<16xi32>
      %add3A_212 = arith.addi %add3A_209, %add3A_211 : vector<16xi32>
      tpu.vector_store_idx %arg7[%add3A_203], %broadcast_in_dim3A_18 : memref<42016xf32, #tpu.memory_space<vmem>>[vector<16xi32>], vector<16xf32>,
      tpu.vector_store_idx %arg7[%add3A_212], %broadcast_in_dim3A_18 masked %lt3A_17 : memref<42016xf32, #tpu.memory_space<vmem>>[vector<16xi32>], vector<16xf32>, vector<16xi1>
      %mul3A_213 = arith.constant 16 : i32
      %mul3A_214 = arith.muli %add3A_43, %mul3A_213 : i32
      %add3A_215 = arith.constant 4 : i32
      %add3A_216 = arith.addi %mul3A_214, %add3A_215 : i32
      %mul3A_217 = arith.constant 32 : i32
      %mul3A_218 = arith.muli %add3A_216, %mul3A_217 : i32
      %get3A_219 = arith.index_cast %mul3A_218 : i32 to index
      %get3A_220 = tpu.vector_load %arg5[%get3A_219] {strides = array<i32>} : memref<16384xf32, #tpu.memory_space<vmem>>, vector<16xf32>,
      %mul3A_221 = arith.constant 32 : i32
      %mul3A_222 = arith.muli %add3A_216, %mul3A_221 : i32
      %get3A_223 = arith.index_cast %mul3A_222 : i32 to index
      %get3A_224 = tpu.vector_load %arg6[%get3A_223] {strides = array<i32>} : memref<16384xf32, #tpu.memory_space<vmem>>, vector<16xf32>,
      %mul3A_225 = arith.constant 32 : i32
      %mul3A_226 = arith.muli %add3A_216, %mul3A_225 : i32
      %add3A_227 = arith.constant 16 : i32
      %add3A_228 = arith.addi %mul3A_226, %add3A_227 : i32
      %get3A_229 = arith.index_cast %add3A_228 : i32 to index
      %get3A_230 = tpu.vector_load %arg5[%get3A_229] {strides = array<i32>} : memref<16384xf32, #tpu.memory_space<vmem>>, vector<16xf32>,
      %mul3A_231 = arith.constant 32 : i32
      %mul3A_232 = arith.muli %add3A_216, %mul3A_231 : i32
      %add3A_233 = arith.constant 16 : i32
      %add3A_234 = arith.addi %mul3A_232, %add3A_233 : i32
      %get3A_235 = arith.index_cast %add3A_234 : i32 to index
      %get3A_236 = tpu.vector_load %arg6[%get3A_235] {strides = array<i32>} : memref<16384xf32, #tpu.memory_space<vmem>>, vector<16xf32>,
      %add3A_237 = arith.constant 1.000000e+00 : f32
      %add3A_238 = vector.broadcast %add3A_237 : f32 to vector<16xf32>
      %add3A_239 = arith.addf %get3A_220, %add3A_238 : vector<16xf32>
      %mul3A_240 = arith.mulf %add3A_239, %get3A_224 : vector<16xf32>
      %convert_element_type3A_241 = arith.fptosi %mul3A_240 : vector<16xf32> to vector<16xi32>
      %add3A_242 = arith.addi %convert_element_type3A_241, %mul3A_9 : vector<16xi32>
      %add3A_243 = arith.constant 10504 : i32
      %add3A_244 = vector.broadcast %add3A_243 : i32 to vector<16xi32>
      %add3A_245 = arith.addi %add3A_242, %add3A_244 : vector<16xi32>
      %add3A_246 = arith.constant 1.000000e+00 : f32
      %add3A_247 = vector.broadcast %add3A_246 : f32 to vector<16xf32>
      %add3A_248 = arith.addf %get3A_230, %add3A_247 : vector<16xf32>
      %mul3A_249 = arith.mulf %add3A_248, %get3A_236 : vector<16xf32>
      %convert_element_type3A_250 = arith.fptosi %mul3A_249 : vector<16xf32> to vector<16xi32>
      %add3A_251 = arith.addi %convert_element_type3A_250, %mul3A_15 : vector<16xi32>
      %add3A_252 = arith.constant 10504 : i32
      %add3A_253 = vector.broadcast %add3A_252 : i32 to vector<16xi32>
      %add3A_254 = arith.addi %add3A_251, %add3A_253 : vector<16xi32>
      tpu.vector_store_idx %arg7[%add3A_245], %broadcast_in_dim3A_18 : memref<42016xf32, #tpu.memory_space<vmem>>[vector<16xi32>], vector<16xf32>,
      tpu.vector_store_idx %arg7[%add3A_254], %broadcast_in_dim3A_18 masked %lt3A_17 : memref<42016xf32, #tpu.memory_space<vmem>>[vector<16xi32>], vector<16xf32>, vector<16xi1>
      %mul3A_255 = arith.constant 16 : i32
      %mul3A_256 = arith.muli %add3A_43, %mul3A_255 : i32
      %add3A_257 = arith.constant 5 : i32
      %add3A_258 = arith.addi %mul3A_256, %add3A_257 : i32
      %mul3A_259 = arith.constant 32 : i32
      %mul3A_260 = arith.muli %add3A_258, %mul3A_259 : i32
      %get3A_261 = arith.index_cast %mul3A_260 : i32 to index
      %get3A_262 = tpu.vector_load %arg5[%get3A_261] {strides = array<i32>} : memref<16384xf32, #tpu.memory_space<vmem>>, vector<16xf32>,
      %mul3A_263 = arith.constant 32 : i32
      %mul3A_264 = arith.muli %add3A_258, %mul3A_263 : i32
      %get3A_265 = arith.index_cast %mul3A_264 : i32 to index
      %get3A_266 = tpu.vector_load %arg6[%get3A_265] {strides = array<i32>} : memref<16384xf32, #tpu.memory_space<vmem>>, vector<16xf32>,
      %mul3A_267 = arith.constant 32 : i32
      %mul3A_268 = arith.muli %add3A_258, %mul3A_267 : i32
      %add3A_269 = arith.constant 16 : i32
      %add3A_270 = arith.addi %mul3A_268, %add3A_269 : i32
      %get3A_271 = arith.index_cast %add3A_270 : i32 to index
      %get3A_272 = tpu.vector_load %arg5[%get3A_271] {strides = array<i32>} : memref<16384xf32, #tpu.memory_space<vmem>>, vector<16xf32>,
      %mul3A_273 = arith.constant 32 : i32
      %mul3A_274 = arith.muli %add3A_258, %mul3A_273 : i32
      %add3A_275 = arith.constant 16 : i32
      %add3A_276 = arith.addi %mul3A_274, %add3A_275 : i32
      %get3A_277 = arith.index_cast %add3A_276 : i32 to index
      %get3A_278 = tpu.vector_load %arg6[%get3A_277] {strides = array<i32>} : memref<16384xf32, #tpu.memory_space<vmem>>, vector<16xf32>,
      %add3A_279 = arith.constant 1.000000e+00 : f32
      %add3A_280 = vector.broadcast %add3A_279 : f32 to vector<16xf32>
      %add3A_281 = arith.addf %get3A_262, %add3A_280 : vector<16xf32>
      %mul3A_282 = arith.mulf %add3A_281, %get3A_266 : vector<16xf32>
      %convert_element_type3A_283 = arith.fptosi %mul3A_282 : vector<16xf32> to vector<16xi32>
      %add3A_284 = arith.addi %convert_element_type3A_283, %mul3A_9 : vector<16xi32>
      %add3A_285 = arith.constant 13130 : i32
      %add3A_286 = vector.broadcast %add3A_285 : i32 to vector<16xi32>
      %add3A_287 = arith.addi %add3A_284, %add3A_286 : vector<16xi32>
      %add3A_288 = arith.constant 1.000000e+00 : f32
      %add3A_289 = vector.broadcast %add3A_288 : f32 to vector<16xf32>
      %add3A_290 = arith.addf %get3A_272, %add3A_289 : vector<16xf32>
      %mul3A_291 = arith.mulf %add3A_290, %get3A_278 : vector<16xf32>
      %convert_element_type3A_292 = arith.fptosi %mul3A_291 : vector<16xf32> to vector<16xi32>
      %add3A_293 = arith.addi %convert_element_type3A_292, %mul3A_15 : vector<16xi32>
      %add3A_294 = arith.constant 13130 : i32
      %add3A_295 = vector.broadcast %add3A_294 : i32 to vector<16xi32>
      %add3A_296 = arith.addi %add3A_293, %add3A_295 : vector<16xi32>
      tpu.vector_store_idx %arg7[%add3A_287], %broadcast_in_dim3A_18 : memref<42016xf32, #tpu.memory_space<vmem>>[vector<16xi32>], vector<16xf32>,
      tpu.vector_store_idx %arg7[%add3A_296], %broadcast_in_dim3A_18 masked %lt3A_17 : memref<42016xf32, #tpu.memory_space<vmem>>[vector<16xi32>], vector<16xf32>, vector<16xi1>
      %mul3A_297 = arith.constant 16 : i32
      %mul3A_298 = arith.muli %add3A_43, %mul3A_297 : i32
      %add3A_299 = arith.constant 6 : i32
      %add3A_300 = arith.addi %mul3A_298, %add3A_299 : i32
      %mul3A_301 = arith.constant 32 : i32
      %mul3A_302 = arith.muli %add3A_300, %mul3A_301 : i32
      %get3A_303 = arith.index_cast %mul3A_302 : i32 to index
      %get3A_304 = tpu.vector_load %arg5[%get3A_303] {strides = array<i32>} : memref<16384xf32, #tpu.memory_space<vmem>>, vector<16xf32>,
      %mul3A_305 = arith.constant 32 : i32
      %mul3A_306 = arith.muli %add3A_300, %mul3A_305 : i32
      %get3A_307 = arith.index_cast %mul3A_306 : i32 to index
      %get3A_308 = tpu.vector_load %arg6[%get3A_307] {strides = array<i32>} : memref<16384xf32, #tpu.memory_space<vmem>>, vector<16xf32>,
      %mul3A_309 = arith.constant 32 : i32
      %mul3A_310 = arith.muli %add3A_300, %mul3A_309 : i32
      %add3A_311 = arith.constant 16 : i32
      %add3A_312 = arith.addi %mul3A_310, %add3A_311 : i32
      %get3A_313 = arith.index_cast %add3A_312 : i32 to index
      %get3A_314 = tpu.vector_load %arg5[%get3A_313] {strides = array<i32>} : memref<16384xf32, #tpu.memory_space<vmem>>, vector<16xf32>,
      %mul3A_315 = arith.constant 32 : i32
      %mul3A_316 = arith.muli %add3A_300, %mul3A_315 : i32
      %add3A_317 = arith.constant 16 : i32
      %add3A_318 = arith.addi %mul3A_316, %add3A_317 : i32
      %get3A_319 = arith.index_cast %add3A_318 : i32 to index
      %get3A_320 = tpu.vector_load %arg6[%get3A_319] {strides = array<i32>} : memref<16384xf32, #tpu.memory_space<vmem>>, vector<16xf32>,
      %add3A_321 = arith.constant 1.000000e+00 : f32
      %add3A_322 = vector.broadcast %add3A_321 : f32 to vector<16xf32>
      %add3A_323 = arith.addf %get3A_304, %add3A_322 : vector<16xf32>
      %mul3A_324 = arith.mulf %add3A_323, %get3A_308 : vector<16xf32>
      %convert_element_type3A_325 = arith.fptosi %mul3A_324 : vector<16xf32> to vector<16xi32>
      %add3A_326 = arith.addi %convert_element_type3A_325, %mul3A_9 : vector<16xi32>
      %add3A_327 = arith.constant 15756 : i32
      %add3A_328 = vector.broadcast %add3A_327 : i32 to vector<16xi32>
      %add3A_329 = arith.addi %add3A_326, %add3A_328 : vector<16xi32>
      %add3A_330 = arith.constant 1.000000e+00 : f32
      %add3A_331 = vector.broadcast %add3A_330 : f32 to vector<16xf32>
      %add3A_332 = arith.addf %get3A_314, %add3A_331 : vector<16xf32>
      %mul3A_333 = arith.mulf %add3A_332, %get3A_320 : vector<16xf32>
      %convert_element_type3A_334 = arith.fptosi %mul3A_333 : vector<16xf32> to vector<16xi32>
      %add3A_335 = arith.addi %convert_element_type3A_334, %mul3A_15 : vector<16xi32>
      %add3A_336 = arith.constant 15756 : i32
      %add3A_337 = vector.broadcast %add3A_336 : i32 to vector<16xi32>
      %add3A_338 = arith.addi %add3A_335, %add3A_337 : vector<16xi32>
      tpu.vector_store_idx %arg7[%add3A_329], %broadcast_in_dim3A_18 : memref<42016xf32, #tpu.memory_space<vmem>>[vector<16xi32>], vector<16xf32>,
      tpu.vector_store_idx %arg7[%add3A_338], %broadcast_in_dim3A_18 masked %lt3A_17 : memref<42016xf32, #tpu.memory_space<vmem>>[vector<16xi32>], vector<16xf32>, vector<16xi1>
      %mul3A_339 = arith.constant 16 : i32
      %mul3A_340 = arith.muli %add3A_43, %mul3A_339 : i32
      %add3A_341 = arith.constant 7 : i32
      %add3A_342 = arith.addi %mul3A_340, %add3A_341 : i32
      %mul3A_343 = arith.constant 32 : i32
      %mul3A_344 = arith.muli %add3A_342, %mul3A_343 : i32
      %get3A_345 = arith.index_cast %mul3A_344 : i32 to index
      %get3A_346 = tpu.vector_load %arg5[%get3A_345] {strides = array<i32>} : memref<16384xf32, #tpu.memory_space<vmem>>, vector<16xf32>,
      %mul3A_347 = arith.constant 32 : i32
      %mul3A_348 = arith.muli %add3A_342, %mul3A_347 : i32
      %get3A_349 = arith.index_cast %mul3A_348 : i32 to index
      %get3A_350 = tpu.vector_load %arg6[%get3A_349] {strides = array<i32>} : memref<16384xf32, #tpu.memory_space<vmem>>, vector<16xf32>,
      %mul3A_351 = arith.constant 32 : i32
      %mul3A_352 = arith.muli %add3A_342, %mul3A_351 : i32
      %add3A_353 = arith.constant 16 : i32
      %add3A_354 = arith.addi %mul3A_352, %add3A_353 : i32
      %get3A_355 = arith.index_cast %add3A_354 : i32 to index
      %get3A_356 = tpu.vector_load %arg5[%get3A_355] {strides = array<i32>} : memref<16384xf32, #tpu.memory_space<vmem>>, vector<16xf32>,
      %mul3A_357 = arith.constant 32 : i32
      %mul3A_358 = arith.muli %add3A_342, %mul3A_357 : i32
      %add3A_359 = arith.constant 16 : i32
      %add3A_360 = arith.addi %mul3A_358, %add3A_359 : i32
      %get3A_361 = arith.index_cast %add3A_360 : i32 to index
      %get3A_362 = tpu.vector_load %arg6[%get3A_361] {strides = array<i32>} : memref<16384xf32, #tpu.memory_space<vmem>>, vector<16xf32>,
      %add3A_363 = arith.constant 1.000000e+00 : f32
      %add3A_364 = vector.broadcast %add3A_363 : f32 to vector<16xf32>
      %add3A_365 = arith.addf %get3A_346, %add3A_364 : vector<16xf32>
      %mul3A_366 = arith.mulf %add3A_365, %get3A_350 : vector<16xf32>
      %convert_element_type3A_367 = arith.fptosi %mul3A_366 : vector<16xf32> to vector<16xi32>
      %add3A_368 = arith.addi %convert_element_type3A_367, %mul3A_9 : vector<16xi32>
      %add3A_369 = arith.constant 18382 : i32
      %add3A_370 = vector.broadcast %add3A_369 : i32 to vector<16xi32>
      %add3A_371 = arith.addi %add3A_368, %add3A_370 : vector<16xi32>
      %add3A_372 = arith.constant 1.000000e+00 : f32
      %add3A_373 = vector.broadcast %add3A_372 : f32 to vector<16xf32>
      %add3A_374 = arith.addf %get3A_356, %add3A_373 : vector<16xf32>
      %mul3A_375 = arith.mulf %add3A_374, %get3A_362 : vector<16xf32>
      %convert_element_type3A_376 = arith.fptosi %mul3A_375 : vector<16xf32> to vector<16xi32>
      %add3A_377 = arith.addi %convert_element_type3A_376, %mul3A_15 : vector<16xi32>
      %add3A_378 = arith.constant 18382 : i32
      %add3A_379 = vector.broadcast %add3A_378 : i32 to vector<16xi32>
      %add3A_380 = arith.addi %add3A_377, %add3A_379 : vector<16xi32>
      tpu.vector_store_idx %arg7[%add3A_371], %broadcast_in_dim3A_18 : memref<42016xf32, #tpu.memory_space<vmem>>[vector<16xi32>], vector<16xf32>,
      tpu.vector_store_idx %arg7[%add3A_380], %broadcast_in_dim3A_18 masked %lt3A_17 : memref<42016xf32, #tpu.memory_space<vmem>>[vector<16xi32>], vector<16xf32>, vector<16xi1>
      %mul3A_381 = arith.constant 16 : i32
      %mul3A_382 = arith.muli %add3A_43, %mul3A_381 : i32
      %add3A_383 = arith.constant 8 : i32
      %add3A_384 = arith.addi %mul3A_382, %add3A_383 : i32
      %mul3A_385 = arith.constant 32 : i32
      %mul3A_386 = arith.muli %add3A_384, %mul3A_385 : i32
      %get3A_387 = arith.index_cast %mul3A_386 : i32 to index
      %get3A_388 = tpu.vector_load %arg5[%get3A_387] {strides = array<i32>} : memref<16384xf32, #tpu.memory_space<vmem>>, vector<16xf32>,
      %mul3A_389 = arith.constant 32 : i32
      %mul3A_390 = arith.muli %add3A_384, %mul3A_389 : i32
      %get3A_391 = arith.index_cast %mul3A_390 : i32 to index
      %get3A_392 = tpu.vector_load %arg6[%get3A_391] {strides = array<i32>} : memref<16384xf32, #tpu.memory_space<vmem>>, vector<16xf32>,
      %mul3A_393 = arith.constant 32 : i32
      %mul3A_394 = arith.muli %add3A_384, %mul3A_393 : i32
      %add3A_395 = arith.constant 16 : i32
      %add3A_396 = arith.addi %mul3A_394, %add3A_395 : i32
      %get3A_397 = arith.index_cast %add3A_396 : i32 to index
      %get3A_398 = tpu.vector_load %arg5[%get3A_397] {strides = array<i32>} : memref<16384xf32, #tpu.memory_space<vmem>>, vector<16xf32>,
      %mul3A_399 = arith.constant 32 : i32
      %mul3A_400 = arith.muli %add3A_384, %mul3A_399 : i32
      %add3A_401 = arith.constant 16 : i32
      %add3A_402 = arith.addi %mul3A_400, %add3A_401 : i32
      %get3A_403 = arith.index_cast %add3A_402 : i32 to index
      %get3A_404 = tpu.vector_load %arg6[%get3A_403] {strides = array<i32>} : memref<16384xf32, #tpu.memory_space<vmem>>, vector<16xf32>,
      %add3A_405 = arith.constant 1.000000e+00 : f32
      %add3A_406 = vector.broadcast %add3A_405 : f32 to vector<16xf32>
      %add3A_407 = arith.addf %get3A_388, %add3A_406 : vector<16xf32>
      %mul3A_408 = arith.mulf %add3A_407, %get3A_392 : vector<16xf32>
      %convert_element_type3A_409 = arith.fptosi %mul3A_408 : vector<16xf32> to vector<16xi32>
      %add3A_410 = arith.addi %convert_element_type3A_409, %mul3A_9 : vector<16xi32>
      %add3A_411 = arith.constant 21008 : i32
      %add3A_412 = vector.broadcast %add3A_411 : i32 to vector<16xi32>
      %add3A_413 = arith.addi %add3A_410, %add3A_412 : vector<16xi32>
      %add3A_414 = arith.constant 1.000000e+00 : f32
      %add3A_415 = vector.broadcast %add3A_414 : f32 to vector<16xf32>
      %add3A_416 = arith.addf %get3A_398, %add3A_415 : vector<16xf32>
      %mul3A_417 = arith.mulf %add3A_416, %get3A_404 : vector<16xf32>
      %convert_element_type3A_418 = arith.fptosi %mul3A_417 : vector<16xf32> to vector<16xi32>
      %add3A_419 = arith.addi %convert_element_type3A_418, %mul3A_15 : vector<16xi32>
      %add3A_420 = arith.constant 21008 : i32
      %add3A_421 = vector.broadcast %add3A_420 : i32 to vector<16xi32>
      %add3A_422 = arith.addi %add3A_419, %add3A_421 : vector<16xi32>
      tpu.vector_store_idx %arg7[%add3A_413], %broadcast_in_dim3A_18 : memref<42016xf32, #tpu.memory_space<vmem>>[vector<16xi32>], vector<16xf32>,
      tpu.vector_store_idx %arg7[%add3A_422], %broadcast_in_dim3A_18 masked %lt3A_17 : memref<42016xf32, #tpu.memory_space<vmem>>[vector<16xi32>], vector<16xf32>, vector<16xi1>
      %mul3A_423 = arith.constant 16 : i32
      %mul3A_424 = arith.muli %add3A_43, %mul3A_423 : i32
      %add3A_425 = arith.constant 9 : i32
      %add3A_426 = arith.addi %mul3A_424, %add3A_425 : i32
      %mul3A_427 = arith.constant 32 : i32
      %mul3A_428 = arith.muli %add3A_426, %mul3A_427 : i32
      %get3A_429 = arith.index_cast %mul3A_428 : i32 to index
      %get3A_430 = tpu.vector_load %arg5[%get3A_429] {strides = array<i32>} : memref<16384xf32, #tpu.memory_space<vmem>>, vector<16xf32>,
      %mul3A_431 = arith.constant 32 : i32
      %mul3A_432 = arith.muli %add3A_426, %mul3A_431 : i32
      %get3A_433 = arith.index_cast %mul3A_432 : i32 to index
      %get3A_434 = tpu.vector_load %arg6[%get3A_433] {strides = array<i32>} : memref<16384xf32, #tpu.memory_space<vmem>>, vector<16xf32>,
      %mul3A_435 = arith.constant 32 : i32
      %mul3A_436 = arith.muli %add3A_426, %mul3A_435 : i32
      %add3A_437 = arith.constant 16 : i32
      %add3A_438 = arith.addi %mul3A_436, %add3A_437 : i32
      %get3A_439 = arith.index_cast %add3A_438 : i32 to index
      %get3A_440 = tpu.vector_load %arg5[%get3A_439] {strides = array<i32>} : memref<16384xf32, #tpu.memory_space<vmem>>, vector<16xf32>,
      %mul3A_441 = arith.constant 32 : i32
      %mul3A_442 = arith.muli %add3A_426, %mul3A_441 : i32
      %add3A_443 = arith.constant 16 : i32
      %add3A_444 = arith.addi %mul3A_442, %add3A_443 : i32
      %get3A_445 = arith.index_cast %add3A_444 : i32 to index
      %get3A_446 = tpu.vector_load %arg6[%get3A_445] {strides = array<i32>} : memref<16384xf32, #tpu.memory_space<vmem>>, vector<16xf32>,
      %add3A_447 = arith.constant 1.000000e+00 : f32
      %add3A_448 = vector.broadcast %add3A_447 : f32 to vector<16xf32>
      %add3A_449 = arith.addf %get3A_430, %add3A_448 : vector<16xf32>
      %mul3A_450 = arith.mulf %add3A_449, %get3A_434 : vector<16xf32>
      %convert_element_type3A_451 = arith.fptosi %mul3A_450 : vector<16xf32> to vector<16xi32>
      %add3A_452 = arith.addi %convert_element_type3A_451, %mul3A_9 : vector<16xi32>
      %add3A_453 = arith.constant 23634 : i32
      %add3A_454 = vector.broadcast %add3A_453 : i32 to vector<16xi32>
      %add3A_455 = arith.addi %add3A_452, %add3A_454 : vector<16xi32>
      %add3A_456 = arith.constant 1.000000e+00 : f32
      %add3A_457 = vector.broadcast %add3A_456 : f32 to vector<16xf32>
      %add3A_458 = arith.addf %get3A_440, %add3A_457 : vector<16xf32>
      %mul3A_459 = arith.mulf %add3A_458, %get3A_446 : vector<16xf32>
      %convert_element_type3A_460 = arith.fptosi %mul3A_459 : vector<16xf32> to vector<16xi32>
      %add3A_461 = arith.addi %convert_element_type3A_460, %mul3A_15 : vector<16xi32>
      %add3A_462 = arith.constant 23634 : i32
      %add3A_463 = vector.broadcast %add3A_462 : i32 to vector<16xi32>
      %add3A_464 = arith.addi %add3A_461, %add3A_463 : vector<16xi32>
      tpu.vector_store_idx %arg7[%add3A_455], %broadcast_in_dim3A_18 : memref<42016xf32, #tpu.memory_space<vmem>>[vector<16xi32>], vector<16xf32>,
      tpu.vector_store_idx %arg7[%add3A_464], %broadcast_in_dim3A_18 masked %lt3A_17 : memref<42016xf32, #tpu.memory_space<vmem>>[vector<16xi32>], vector<16xf32>, vector<16xi1>
      %mul3A_465 = arith.constant 16 : i32
      %mul3A_466 = arith.muli %add3A_43, %mul3A_465 : i32
      %add3A_467 = arith.constant 10 : i32
      %add3A_468 = arith.addi %mul3A_466, %add3A_467 : i32
      %mul3A_469 = arith.constant 32 : i32
      %mul3A_470 = arith.muli %add3A_468, %mul3A_469 : i32
      %get3A_471 = arith.index_cast %mul3A_470 : i32 to index
      %get3A_472 = tpu.vector_load %arg5[%get3A_471] {strides = array<i32>} : memref<16384xf32, #tpu.memory_space<vmem>>, vector<16xf32>,
      %mul3A_473 = arith.constant 32 : i32
      %mul3A_474 = arith.muli %add3A_468, %mul3A_473 : i32
      %get3A_475 = arith.index_cast %mul3A_474 : i32 to index
      %get3A_476 = tpu.vector_load %arg6[%get3A_475] {strides = array<i32>} : memref<16384xf32, #tpu.memory_space<vmem>>, vector<16xf32>,
      %mul3A_477 = arith.constant 32 : i32
      %mul3A_478 = arith.muli %add3A_468, %mul3A_477 : i32
      %add3A_479 = arith.constant 16 : i32
      %add3A_480 = arith.addi %mul3A_478, %add3A_479 : i32
      %get3A_481 = arith.index_cast %add3A_480 : i32 to index
      %get3A_482 = tpu.vector_load %arg5[%get3A_481] {strides = array<i32>} : memref<16384xf32, #tpu.memory_space<vmem>>, vector<16xf32>,
      %mul3A_483 = arith.constant 32 : i32
      %mul3A_484 = arith.muli %add3A_468, %mul3A_483 : i32
      %add3A_485 = arith.constant 16 : i32
      %add3A_486 = arith.addi %mul3A_484, %add3A_485 : i32
      %get3A_487 = arith.index_cast %add3A_486 : i32 to index
      %get3A_488 = tpu.vector_load %arg6[%get3A_487] {strides = array<i32>} : memref<16384xf32, #tpu.memory_space<vmem>>, vector<16xf32>,
      %add3A_489 = arith.constant 1.000000e+00 : f32
      %add3A_490 = vector.broadcast %add3A_489 : f32 to vector<16xf32>
      %add3A_491 = arith.addf %get3A_472, %add3A_490 : vector<16xf32>
      %mul3A_492 = arith.mulf %add3A_491, %get3A_476 : vector<16xf32>
      %convert_element_type3A_493 = arith.fptosi %mul3A_492 : vector<16xf32> to vector<16xi32>
      %add3A_494 = arith.addi %convert_element_type3A_493, %mul3A_9 : vector<16xi32>
      %add3A_495 = arith.constant 26260 : i32
      %add3A_496 = vector.broadcast %add3A_495 : i32 to vector<16xi32>
      %add3A_497 = arith.addi %add3A_494, %add3A_496 : vector<16xi32>
      %add3A_498 = arith.constant 1.000000e+00 : f32
      %add3A_499 = vector.broadcast %add3A_498 : f32 to vector<16xf32>
      %add3A_500 = arith.addf %get3A_482, %add3A_499 : vector<16xf32>
      %mul3A_501 = arith.mulf %add3A_500, %get3A_488 : vector<16xf32>
      %convert_element_type3A_502 = arith.fptosi %mul3A_501 : vector<16xf32> to vector<16xi32>
      %add3A_503 = arith.addi %convert_element_type3A_502, %mul3A_15 : vector<16xi32>
      %add3A_504 = arith.constant 26260 : i32
      %add3A_505 = vector.broadcast %add3A_504 : i32 to vector<16xi32>
      %add3A_506 = arith.addi %add3A_503, %add3A_505 : vector<16xi32>
      tpu.vector_store_idx %arg7[%add3A_497], %broadcast_in_dim3A_18 : memref<42016xf32, #tpu.memory_space<vmem>>[vector<16xi32>], vector<16xf32>,
      tpu.vector_store_idx %arg7[%add3A_506], %broadcast_in_dim3A_18 masked %lt3A_17 : memref<42016xf32, #tpu.memory_space<vmem>>[vector<16xi32>], vector<16xf32>, vector<16xi1>
      %mul3A_507 = arith.constant 16 : i32
      %mul3A_508 = arith.muli %add3A_43, %mul3A_507 : i32
      %add3A_509 = arith.constant 11 : i32
      %add3A_510 = arith.addi %mul3A_508, %add3A_509 : i32
      %mul3A_511 = arith.constant 32 : i32
      %mul3A_512 = arith.muli %add3A_510, %mul3A_511 : i32
      %get3A_513 = arith.index_cast %mul3A_512 : i32 to index
      %get3A_514 = tpu.vector_load %arg5[%get3A_513] {strides = array<i32>} : memref<16384xf32, #tpu.memory_space<vmem>>, vector<16xf32>,
      %mul3A_515 = arith.constant 32 : i32
      %mul3A_516 = arith.muli %add3A_510, %mul3A_515 : i32
      %get3A_517 = arith.index_cast %mul3A_516 : i32 to index
      %get3A_518 = tpu.vector_load %arg6[%get3A_517] {strides = array<i32>} : memref<16384xf32, #tpu.memory_space<vmem>>, vector<16xf32>,
      %mul3A_519 = arith.constant 32 : i32
      %mul3A_520 = arith.muli %add3A_510, %mul3A_519 : i32
      %add3A_521 = arith.constant 16 : i32
      %add3A_522 = arith.addi %mul3A_520, %add3A_521 : i32
      %get3A_523 = arith.index_cast %add3A_522 : i32 to index
      %get3A_524 = tpu.vector_load %arg5[%get3A_523] {strides = array<i32>} : memref<16384xf32, #tpu.memory_space<vmem>>, vector<16xf32>,
      %mul3A_525 = arith.constant 32 : i32
      %mul3A_526 = arith.muli %add3A_510, %mul3A_525 : i32
      %add3A_527 = arith.constant 16 : i32
      %add3A_528 = arith.addi %mul3A_526, %add3A_527 : i32
      %get3A_529 = arith.index_cast %add3A_528 : i32 to index
      %get3A_530 = tpu.vector_load %arg6[%get3A_529] {strides = array<i32>} : memref<16384xf32, #tpu.memory_space<vmem>>, vector<16xf32>,
      %add3A_531 = arith.constant 1.000000e+00 : f32
      %add3A_532 = vector.broadcast %add3A_531 : f32 to vector<16xf32>
      %add3A_533 = arith.addf %get3A_514, %add3A_532 : vector<16xf32>
      %mul3A_534 = arith.mulf %add3A_533, %get3A_518 : vector<16xf32>
      %convert_element_type3A_535 = arith.fptosi %mul3A_534 : vector<16xf32> to vector<16xi32>
      %add3A_536 = arith.addi %convert_element_type3A_535, %mul3A_9 : vector<16xi32>
      %add3A_537 = arith.constant 28886 : i32
      %add3A_538 = vector.broadcast %add3A_537 : i32 to vector<16xi32>
      %add3A_539 = arith.addi %add3A_536, %add3A_538 : vector<16xi32>
      %add3A_540 = arith.constant 1.000000e+00 : f32
      %add3A_541 = vector.broadcast %add3A_540 : f32 to vector<16xf32>
      %add3A_542 = arith.addf %get3A_524, %add3A_541 : vector<16xf32>
      %mul3A_543 = arith.mulf %add3A_542, %get3A_530 : vector<16xf32>
      %convert_element_type3A_544 = arith.fptosi %mul3A_543 : vector<16xf32> to vector<16xi32>
      %add3A_545 = arith.addi %convert_element_type3A_544, %mul3A_15 : vector<16xi32>
      %add3A_546 = arith.constant 28886 : i32
      %add3A_547 = vector.broadcast %add3A_546 : i32 to vector<16xi32>
      %add3A_548 = arith.addi %add3A_545, %add3A_547 : vector<16xi32>
      tpu.vector_store_idx %arg7[%add3A_539], %broadcast_in_dim3A_18 : memref<42016xf32, #tpu.memory_space<vmem>>[vector<16xi32>], vector<16xf32>,
      tpu.vector_store_idx %arg7[%add3A_548], %broadcast_in_dim3A_18 masked %lt3A_17 : memref<42016xf32, #tpu.memory_space<vmem>>[vector<16xi32>], vector<16xf32>, vector<16xi1>
      %mul3A_549 = arith.constant 16 : i32
      %mul3A_550 = arith.muli %add3A_43, %mul3A_549 : i32
      %add3A_551 = arith.constant 12 : i32
      %add3A_552 = arith.addi %mul3A_550, %add3A_551 : i32
      %mul3A_553 = arith.constant 32 : i32
      %mul3A_554 = arith.muli %add3A_552, %mul3A_553 : i32
      %get3A_555 = arith.index_cast %mul3A_554 : i32 to index
      %get3A_556 = tpu.vector_load %arg5[%get3A_555] {strides = array<i32>} : memref<16384xf32, #tpu.memory_space<vmem>>, vector<16xf32>,
      %mul3A_557 = arith.constant 32 : i32
      %mul3A_558 = arith.muli %add3A_552, %mul3A_557 : i32
      %get3A_559 = arith.index_cast %mul3A_558 : i32 to index
      %get3A_560 = tpu.vector_load %arg6[%get3A_559] {strides = array<i32>} : memref<16384xf32, #tpu.memory_space<vmem>>, vector<16xf32>,
      %mul3A_561 = arith.constant 32 : i32
      %mul3A_562 = arith.muli %add3A_552, %mul3A_561 : i32
      %add3A_563 = arith.constant 16 : i32
      %add3A_564 = arith.addi %mul3A_562, %add3A_563 : i32
      %get3A_565 = arith.index_cast %add3A_564 : i32 to index
      %get3A_566 = tpu.vector_load %arg5[%get3A_565] {strides = array<i32>} : memref<16384xf32, #tpu.memory_space<vmem>>, vector<16xf32>,
      %mul3A_567 = arith.constant 32 : i32
      %mul3A_568 = arith.muli %add3A_552, %mul3A_567 : i32
      %add3A_569 = arith.constant 16 : i32
      %add3A_570 = arith.addi %mul3A_568, %add3A_569 : i32
      %get3A_571 = arith.index_cast %add3A_570 : i32 to index
      %get3A_572 = tpu.vector_load %arg6[%get3A_571] {strides = array<i32>} : memref<16384xf32, #tpu.memory_space<vmem>>, vector<16xf32>,
      %add3A_573 = arith.constant 1.000000e+00 : f32
      %add3A_574 = vector.broadcast %add3A_573 : f32 to vector<16xf32>
      %add3A_575 = arith.addf %get3A_556, %add3A_574 : vector<16xf32>
      %mul3A_576 = arith.mulf %add3A_575, %get3A_560 : vector<16xf32>
      %convert_element_type3A_577 = arith.fptosi %mul3A_576 : vector<16xf32> to vector<16xi32>
      %add3A_578 = arith.addi %convert_element_type3A_577, %mul3A_9 : vector<16xi32>
      %add3A_579 = arith.constant 31512 : i32
      %add3A_580 = vector.broadcast %add3A_579 : i32 to vector<16xi32>
      %add3A_581 = arith.addi %add3A_578, %add3A_580 : vector<16xi32>
      %add3A_582 = arith.constant 1.000000e+00 : f32
      %add3A_583 = vector.broadcast %add3A_582 : f32 to vector<16xf32>
      %add3A_584 = arith.addf %get3A_566, %add3A_583 : vector<16xf32>
      %mul3A_585 = arith.mulf %add3A_584, %get3A_572 : vector<16xf32>
      %convert_element_type3A_586 = arith.fptosi %mul3A_585 : vector<16xf32> to vector<16xi32>
      %add3A_587 = arith.addi %convert_element_type3A_586, %mul3A_15 : vector<16xi32>
      %add3A_588 = arith.constant 31512 : i32
      %add3A_589 = vector.broadcast %add3A_588 : i32 to vector<16xi32>
      %add3A_590 = arith.addi %add3A_587, %add3A_589 : vector<16xi32>
      tpu.vector_store_idx %arg7[%add3A_581], %broadcast_in_dim3A_18 : memref<42016xf32, #tpu.memory_space<vmem>>[vector<16xi32>], vector<16xf32>,
      tpu.vector_store_idx %arg7[%add3A_590], %broadcast_in_dim3A_18 masked %lt3A_17 : memref<42016xf32, #tpu.memory_space<vmem>>[vector<16xi32>], vector<16xf32>, vector<16xi1>
      %mul3A_591 = arith.constant 16 : i32
      %mul3A_592 = arith.muli %add3A_43, %mul3A_591 : i32
      %add3A_593 = arith.constant 13 : i32
      %add3A_594 = arith.addi %mul3A_592, %add3A_593 : i32
      %mul3A_595 = arith.constant 32 : i32
      %mul3A_596 = arith.muli %add3A_594, %mul3A_595 : i32
      %get3A_597 = arith.index_cast %mul3A_596 : i32 to index
      %get3A_598 = tpu.vector_load %arg5[%get3A_597] {strides = array<i32>} : memref<16384xf32, #tpu.memory_space<vmem>>, vector<16xf32>,
      %mul3A_599 = arith.constant 32 : i32
      %mul3A_600 = arith.muli %add3A_594, %mul3A_599 : i32
      %get3A_601 = arith.index_cast %mul3A_600 : i32 to index
      %get3A_602 = tpu.vector_load %arg6[%get3A_601] {strides = array<i32>} : memref<16384xf32, #tpu.memory_space<vmem>>, vector<16xf32>,
      %mul3A_603 = arith.constant 32 : i32
      %mul3A_604 = arith.muli %add3A_594, %mul3A_603 : i32
      %add3A_605 = arith.constant 16 : i32
      %add3A_606 = arith.addi %mul3A_604, %add3A_605 : i32
      %get3A_607 = arith.index_cast %add3A_606 : i32 to index
      %get3A_608 = tpu.vector_load %arg5[%get3A_607] {strides = array<i32>} : memref<16384xf32, #tpu.memory_space<vmem>>, vector<16xf32>,
      %mul3A_609 = arith.constant 32 : i32
      %mul3A_610 = arith.muli %add3A_594, %mul3A_609 : i32
      %add3A_611 = arith.constant 16 : i32
      %add3A_612 = arith.addi %mul3A_610, %add3A_611 : i32
      %get3A_613 = arith.index_cast %add3A_612 : i32 to index
      %get3A_614 = tpu.vector_load %arg6[%get3A_613] {strides = array<i32>} : memref<16384xf32, #tpu.memory_space<vmem>>, vector<16xf32>,
      %add3A_615 = arith.constant 1.000000e+00 : f32
      %add3A_616 = vector.broadcast %add3A_615 : f32 to vector<16xf32>
      %add3A_617 = arith.addf %get3A_598, %add3A_616 : vector<16xf32>
      %mul3A_618 = arith.mulf %add3A_617, %get3A_602 : vector<16xf32>
      %convert_element_type3A_619 = arith.fptosi %mul3A_618 : vector<16xf32> to vector<16xi32>
      %add3A_620 = arith.addi %convert_element_type3A_619, %mul3A_9 : vector<16xi32>
      %add3A_621 = arith.constant 34138 : i32
      %add3A_622 = vector.broadcast %add3A_621 : i32 to vector<16xi32>
      %add3A_623 = arith.addi %add3A_620, %add3A_622 : vector<16xi32>
      %add3A_624 = arith.constant 1.000000e+00 : f32
      %add3A_625 = vector.broadcast %add3A_624 : f32 to vector<16xf32>
      %add3A_626 = arith.addf %get3A_608, %add3A_625 : vector<16xf32>
      %mul3A_627 = arith.mulf %add3A_626, %get3A_614 : vector<16xf32>
      %convert_element_type3A_628 = arith.fptosi %mul3A_627 : vector<16xf32> to vector<16xi32>
      %add3A_629 = arith.addi %convert_element_type3A_628, %mul3A_15 : vector<16xi32>
      %add3A_630 = arith.constant 34138 : i32
      %add3A_631 = vector.broadcast %add3A_630 : i32 to vector<16xi32>
      %add3A_632 = arith.addi %add3A_629, %add3A_631 : vector<16xi32>
      tpu.vector_store_idx %arg7[%add3A_623], %broadcast_in_dim3A_18 : memref<42016xf32, #tpu.memory_space<vmem>>[vector<16xi32>], vector<16xf32>,
      tpu.vector_store_idx %arg7[%add3A_632], %broadcast_in_dim3A_18 masked %lt3A_17 : memref<42016xf32, #tpu.memory_space<vmem>>[vector<16xi32>], vector<16xf32>, vector<16xi1>
      %mul3A_633 = arith.constant 16 : i32
      %mul3A_634 = arith.muli %add3A_43, %mul3A_633 : i32
      %add3A_635 = arith.constant 14 : i32
      %add3A_636 = arith.addi %mul3A_634, %add3A_635 : i32
      %mul3A_637 = arith.constant 32 : i32
      %mul3A_638 = arith.muli %add3A_636, %mul3A_637 : i32
      %get3A_639 = arith.index_cast %mul3A_638 : i32 to index
      %get3A_640 = tpu.vector_load %arg5[%get3A_639] {strides = array<i32>} : memref<16384xf32, #tpu.memory_space<vmem>>, vector<16xf32>,
      %mul3A_641 = arith.constant 32 : i32
      %mul3A_642 = arith.muli %add3A_636, %mul3A_641 : i32
      %get3A_643 = arith.index_cast %mul3A_642 : i32 to index
      %get3A_644 = tpu.vector_load %arg6[%get3A_643] {strides = array<i32>} : memref<16384xf32, #tpu.memory_space<vmem>>, vector<16xf32>,
      %mul3A_645 = arith.constant 32 : i32
      %mul3A_646 = arith.muli %add3A_636, %mul3A_645 : i32
      %add3A_647 = arith.constant 16 : i32
      %add3A_648 = arith.addi %mul3A_646, %add3A_647 : i32
      %get3A_649 = arith.index_cast %add3A_648 : i32 to index
      %get3A_650 = tpu.vector_load %arg5[%get3A_649] {strides = array<i32>} : memref<16384xf32, #tpu.memory_space<vmem>>, vector<16xf32>,
      %mul3A_651 = arith.constant 32 : i32
      %mul3A_652 = arith.muli %add3A_636, %mul3A_651 : i32
      %add3A_653 = arith.constant 16 : i32
      %add3A_654 = arith.addi %mul3A_652, %add3A_653 : i32
      %get3A_655 = arith.index_cast %add3A_654 : i32 to index
      %get3A_656 = tpu.vector_load %arg6[%get3A_655] {strides = array<i32>} : memref<16384xf32, #tpu.memory_space<vmem>>, vector<16xf32>,
      %add3A_657 = arith.constant 1.000000e+00 : f32
      %add3A_658 = vector.broadcast %add3A_657 : f32 to vector<16xf32>
      %add3A_659 = arith.addf %get3A_640, %add3A_658 : vector<16xf32>
      %mul3A_660 = arith.mulf %add3A_659, %get3A_644 : vector<16xf32>
      %convert_element_type3A_661 = arith.fptosi %mul3A_660 : vector<16xf32> to vector<16xi32>
      %add3A_662 = arith.addi %convert_element_type3A_661, %mul3A_9 : vector<16xi32>
      %add3A_663 = arith.constant 36764 : i32
      %add3A_664 = vector.broadcast %add3A_663 : i32 to vector<16xi32>
      %add3A_665 = arith.addi %add3A_662, %add3A_664 : vector<16xi32>
      %add3A_666 = arith.constant 1.000000e+00 : f32
      %add3A_667 = vector.broadcast %add3A_666 : f32 to vector<16xf32>
      %add3A_668 = arith.addf %get3A_650, %add3A_667 : vector<16xf32>
      %mul3A_669 = arith.mulf %add3A_668, %get3A_656 : vector<16xf32>
      %convert_element_type3A_670 = arith.fptosi %mul3A_669 : vector<16xf32> to vector<16xi32>
      %add3A_671 = arith.addi %convert_element_type3A_670, %mul3A_15 : vector<16xi32>
      %add3A_672 = arith.constant 36764 : i32
      %add3A_673 = vector.broadcast %add3A_672 : i32 to vector<16xi32>
      %add3A_674 = arith.addi %add3A_671, %add3A_673 : vector<16xi32>
      tpu.vector_store_idx %arg7[%add3A_665], %broadcast_in_dim3A_18 : memref<42016xf32, #tpu.memory_space<vmem>>[vector<16xi32>], vector<16xf32>,
      tpu.vector_store_idx %arg7[%add3A_674], %broadcast_in_dim3A_18 masked %lt3A_17 : memref<42016xf32, #tpu.memory_space<vmem>>[vector<16xi32>], vector<16xf32>, vector<16xi1>
      %mul3A_675 = arith.constant 16 : i32
      %mul3A_676 = arith.muli %add3A_43, %mul3A_675 : i32
      %add3A_677 = arith.constant 15 : i32
      %add3A_678 = arith.addi %mul3A_676, %add3A_677 : i32
      %mul3A_679 = arith.constant 32 : i32
      %mul3A_680 = arith.muli %add3A_678, %mul3A_679 : i32
      %get3A_681 = arith.index_cast %mul3A_680 : i32 to index
      %get3A_682 = tpu.vector_load %arg5[%get3A_681] {strides = array<i32>} : memref<16384xf32, #tpu.memory_space<vmem>>, vector<16xf32>,
      %mul3A_683 = arith.constant 32 : i32
      %mul3A_684 = arith.muli %add3A_678, %mul3A_683 : i32
      %get3A_685 = arith.index_cast %mul3A_684 : i32 to index
      %get3A_686 = tpu.vector_load %arg6[%get3A_685] {strides = array<i32>} : memref<16384xf32, #tpu.memory_space<vmem>>, vector<16xf32>,
      %mul3A_687 = arith.constant 32 : i32
      %mul3A_688 = arith.muli %add3A_678, %mul3A_687 : i32
      %add3A_689 = arith.constant 16 : i32
      %add3A_690 = arith.addi %mul3A_688, %add3A_689 : i32
      %get3A_691 = arith.index_cast %add3A_690 : i32 to index
      %get3A_692 = tpu.vector_load %arg5[%get3A_691] {strides = array<i32>} : memref<16384xf32, #tpu.memory_space<vmem>>, vector<16xf32>,
      %mul3A_693 = arith.constant 32 : i32
      %mul3A_694 = arith.muli %add3A_678, %mul3A_693 : i32
      %add3A_695 = arith.constant 16 : i32
      %add3A_696 = arith.addi %mul3A_694, %add3A_695 : i32
      %get3A_697 = arith.index_cast %add3A_696 : i32 to index
      %get3A_698 = tpu.vector_load %arg6[%get3A_697] {strides = array<i32>} : memref<16384xf32, #tpu.memory_space<vmem>>, vector<16xf32>,
      %add3A_699 = arith.constant 1.000000e+00 : f32
      %add3A_700 = vector.broadcast %add3A_699 : f32 to vector<16xf32>
      %add3A_701 = arith.addf %get3A_682, %add3A_700 : vector<16xf32>
      %mul3A_702 = arith.mulf %add3A_701, %get3A_686 : vector<16xf32>
      %convert_element_type3A_703 = arith.fptosi %mul3A_702 : vector<16xf32> to vector<16xi32>
      %add3A_704 = arith.addi %convert_element_type3A_703, %mul3A_9 : vector<16xi32>
      %add3A_705 = arith.constant 39390 : i32
      %add3A_706 = vector.broadcast %add3A_705 : i32 to vector<16xi32>
      %add3A_707 = arith.addi %add3A_704, %add3A_706 : vector<16xi32>
      %add3A_708 = arith.constant 1.000000e+00 : f32
      %add3A_709 = vector.broadcast %add3A_708 : f32 to vector<16xf32>
      %add3A_710 = arith.addf %get3A_692, %add3A_709 : vector<16xf32>
      %mul3A_711 = arith.mulf %add3A_710, %get3A_698 : vector<16xf32>
      %convert_element_type3A_712 = arith.fptosi %mul3A_711 : vector<16xf32> to vector<16xi32>
      %add3A_713 = arith.addi %convert_element_type3A_712, %mul3A_15 : vector<16xi32>
      %add3A_714 = arith.constant 39390 : i32
      %add3A_715 = vector.broadcast %add3A_714 : i32 to vector<16xi32>
      %add3A_716 = arith.addi %add3A_713, %add3A_715 : vector<16xi32>
      tpu.vector_store_idx %arg7[%add3A_707], %broadcast_in_dim3A_18 : memref<42016xf32, #tpu.memory_space<vmem>>[vector<16xi32>], vector<16xf32>,
      tpu.vector_store_idx %arg7[%add3A_716], %broadcast_in_dim3A_18 masked %lt3A_17 : memref<42016xf32, #tpu.memory_space<vmem>>[vector<16xi32>], vector<16xf32>, vector<16xi1>
      %mul3A_717 = arith.constant 16 : i32
      %mul3A_718 = arith.muli %add3A_43, %mul3A_717 : i32
      %add3A_719 = arith.addi %mul3A_2, %mul3A_718 : i32
      %mul3A_720 = arith.constant 2626 : i32
      %mul3A_721 = arith.muli %add3A_719, %mul3A_720 : i32
      %dma_start3A = tpu.memref_slice %arg4[%mul3A_721] : memref<43024384xf32, #tpu.memory_space<hbm>> -> memref<42016xf32, #tpu.memory_space<hbm>>
      %dma_start3A_722 = tpu.memref_slice %arg4[%mul3A_721] : memref<43024384xf32, #tpu.memory_space<hbm>> -> memref<42016xf32, #tpu.memory_space<hbm>>
      tpu.enqueue_dma source(%arg7 : memref<42016xf32, #tpu.memory_space<vmem>>) target(%dma_start3A_722 : memref<42016xf32, #tpu.memory_space<hbm>>) target_semaphore(%arg9 : memref<!tpu.dma_semaphore, #tpu.memory_space<semaphore_mem>>)
      %mul3A_723 = arith.constant 2 : i32
      %mul3A_724 = arith.muli %scan3A_39, %mul3A_723 : i32
      %add3A_725 = arith.constant 1 : i32
      %add3A_726 = arith.addi %mul3A_724, %add3A_725 : i32
      %gt3A_727 = arith.constant 0 : i32
      %gt3A_728 = arith.cmpi sgt, %scan3A_39, %gt3A_727 : i32
      %convert_element_type3A_729 = arith.extui %gt3A_728 : i1 to i32
      %cond3A_730 = arith.constant 0 : i32
      %cond3A_731 = arith.cmpi ne, %convert_element_type3A_729, %cond3A_730 : i32
      scf.if %cond3A_731 {
        %dma_wait3A_1411 = arith.constant 0 : i32
        %dma_wait3A_1412 = tpu.memref_slice %arg4[%dma_wait3A_1411] : memref<43024384xf32, #tpu.memory_space<hbm>> -> memref<42016xf32, #tpu.memory_space<hbm>>
        %dma_wait3A_1413 = arith.constant 0 : i32
        %dma_wait3A_1414 = tpu.memref_slice %arg4[%dma_wait3A_1413] : memref<43024384xf32, #tpu.memory_space<hbm>> -> memref<42016xf32, #tpu.memory_space<hbm>>
        tpu.wait_dma2 semaphore(%arg10 : memref<!tpu.dma_semaphore, #tpu.memory_space<semaphore_mem>>) src(%dma_wait3A_1414 : memref<42016xf32, #tpu.memory_space<hbm>>) dst(%arg8 : memref<42016xf32, #tpu.memory_space<vmem>>)
        %sub3A = arith.constant 2 : i32
        %sub3A_1415 = arith.subi %add3A_726, %sub3A : i32
        %mul3A_1416 = arith.constant 16 : i32
        %mul3A_1417 = arith.muli %sub3A_1415, %mul3A_1416 : i32
        %add3A_1418 = arith.constant 0 : i32
        %add3A_1419 = arith.addi %mul3A_1417, %add3A_1418 : i32
        %mul3A_1420 = arith.constant 32 : i32
        %mul3A_1421 = arith.muli %add3A_1419, %mul3A_1420 : i32
        %get3A_1422 = arith.index_cast %mul3A_1421 : i32 to index
        %get3A_1423 = tpu.vector_load %arg5[%get3A_1422] {strides = array<i32>} : memref<16384xf32, #tpu.memory_space<vmem>>, vector<16xf32>,
        %mul3A_1424 = arith.constant 32 : i32
        %mul3A_1425 = arith.muli %add3A_1419, %mul3A_1424 : i32
        %get3A_1426 = arith.index_cast %mul3A_1425 : i32 to index
        %get3A_1427 = tpu.vector_load %arg6[%get3A_1426] {strides = array<i32>} : memref<16384xf32, #tpu.memory_space<vmem>>, vector<16xf32>,
        %mul3A_1428 = arith.constant 32 : i32
        %mul3A_1429 = arith.muli %add3A_1419, %mul3A_1428 : i32
        %add3A_1430 = arith.constant 16 : i32
        %add3A_1431 = arith.addi %mul3A_1429, %add3A_1430 : i32
        %get3A_1432 = arith.index_cast %add3A_1431 : i32 to index
        %get3A_1433 = tpu.vector_load %arg5[%get3A_1432] {strides = array<i32>} : memref<16384xf32, #tpu.memory_space<vmem>>, vector<16xf32>,
        %mul3A_1434 = arith.constant 32 : i32
        %mul3A_1435 = arith.muli %add3A_1419, %mul3A_1434 : i32
        %add3A_1436 = arith.constant 16 : i32
        %add3A_1437 = arith.addi %mul3A_1435, %add3A_1436 : i32
        %get3A_1438 = arith.index_cast %add3A_1437 : i32 to index
        %get3A_1439 = tpu.vector_load %arg6[%get3A_1438] {strides = array<i32>} : memref<16384xf32, #tpu.memory_space<vmem>>, vector<16xf32>,
        %add3A_1440 = arith.constant 1.000000e+00 : f32
        %add3A_1441 = vector.broadcast %add3A_1440 : f32 to vector<16xf32>
        %add3A_1442 = arith.addf %get3A_1423, %add3A_1441 : vector<16xf32>
        %mul3A_1443 = arith.mulf %add3A_1442, %get3A_1427 : vector<16xf32>
        %convert_element_type3A_1444 = arith.fptosi %mul3A_1443 : vector<16xf32> to vector<16xi32>
        %add3A_1445 = arith.addi %convert_element_type3A_1444, %mul3A_9 : vector<16xi32>
        %add3A_1446 = arith.constant 0 : i32
        %add3A_1447 = vector.broadcast %add3A_1446 : i32 to vector<16xi32>
        %add3A_1448 = arith.addi %add3A_1445, %add3A_1447 : vector<16xi32>
        %add3A_1449 = arith.constant 1.000000e+00 : f32
        %add3A_1450 = vector.broadcast %add3A_1449 : f32 to vector<16xf32>
        %add3A_1451 = arith.addf %get3A_1433, %add3A_1450 : vector<16xf32>
        %mul3A_1452 = arith.mulf %add3A_1451, %get3A_1439 : vector<16xf32>
        %convert_element_type3A_1453 = arith.fptosi %mul3A_1452 : vector<16xf32> to vector<16xi32>
        %add3A_1454 = arith.addi %convert_element_type3A_1453, %mul3A_15 : vector<16xi32>
        %add3A_1455 = arith.constant 0 : i32
        %add3A_1456 = vector.broadcast %add3A_1455 : i32 to vector<16xi32>
        %add3A_1457 = arith.addi %add3A_1454, %add3A_1456 : vector<16xi32>
        tpu.vector_store_idx %arg8[%add3A_1448], %broadcast_in_dim3A_20 : memref<42016xf32, #tpu.memory_space<vmem>>[vector<16xi32>], vector<16xf32>,
        tpu.vector_store_idx %arg8[%add3A_1457], %broadcast_in_dim3A_20 masked %lt3A_17 : memref<42016xf32, #tpu.memory_space<vmem>>[vector<16xi32>], vector<16xf32>, vector<16xi1>
        %mul3A_1458 = arith.constant 16 : i32
        %mul3A_1459 = arith.muli %sub3A_1415, %mul3A_1458 : i32
        %add3A_1460 = arith.constant 1 : i32
        %add3A_1461 = arith.addi %mul3A_1459, %add3A_1460 : i32
        %mul3A_1462 = arith.constant 32 : i32
        %mul3A_1463 = arith.muli %add3A_1461, %mul3A_1462 : i32
        %get3A_1464 = arith.index_cast %mul3A_1463 : i32 to index
        %get3A_1465 = tpu.vector_load %arg5[%get3A_1464] {strides = array<i32>} : memref<16384xf32, #tpu.memory_space<vmem>>, vector<16xf32>,
        %mul3A_1466 = arith.constant 32 : i32
        %mul3A_1467 = arith.muli %add3A_1461, %mul3A_1466 : i32
        %get3A_1468 = arith.index_cast %mul3A_1467 : i32 to index
        %get3A_1469 = tpu.vector_load %arg6[%get3A_1468] {strides = array<i32>} : memref<16384xf32, #tpu.memory_space<vmem>>, vector<16xf32>,
        %mul3A_1470 = arith.constant 32 : i32
        %mul3A_1471 = arith.muli %add3A_1461, %mul3A_1470 : i32
        %add3A_1472 = arith.constant 16 : i32
        %add3A_1473 = arith.addi %mul3A_1471, %add3A_1472 : i32
        %get3A_1474 = arith.index_cast %add3A_1473 : i32 to index
        %get3A_1475 = tpu.vector_load %arg5[%get3A_1474] {strides = array<i32>} : memref<16384xf32, #tpu.memory_space<vmem>>, vector<16xf32>,
        %mul3A_1476 = arith.constant 32 : i32
        %mul3A_1477 = arith.muli %add3A_1461, %mul3A_1476 : i32
        %add3A_1478 = arith.constant 16 : i32
        %add3A_1479 = arith.addi %mul3A_1477, %add3A_1478 : i32
        %get3A_1480 = arith.index_cast %add3A_1479 : i32 to index
        %get3A_1481 = tpu.vector_load %arg6[%get3A_1480] {strides = array<i32>} : memref<16384xf32, #tpu.memory_space<vmem>>, vector<16xf32>,
        %add3A_1482 = arith.constant 1.000000e+00 : f32
        %add3A_1483 = vector.broadcast %add3A_1482 : f32 to vector<16xf32>
        %add3A_1484 = arith.addf %get3A_1465, %add3A_1483 : vector<16xf32>
        %mul3A_1485 = arith.mulf %add3A_1484, %get3A_1469 : vector<16xf32>
        %convert_element_type3A_1486 = arith.fptosi %mul3A_1485 : vector<16xf32> to vector<16xi32>
        %add3A_1487 = arith.addi %convert_element_type3A_1486, %mul3A_9 : vector<16xi32>
        %add3A_1488 = arith.constant 2626 : i32
        %add3A_1489 = vector.broadcast %add3A_1488 : i32 to vector<16xi32>
        %add3A_1490 = arith.addi %add3A_1487, %add3A_1489 : vector<16xi32>
        %add3A_1491 = arith.constant 1.000000e+00 : f32
        %add3A_1492 = vector.broadcast %add3A_1491 : f32 to vector<16xf32>
        %add3A_1493 = arith.addf %get3A_1475, %add3A_1492 : vector<16xf32>
        %mul3A_1494 = arith.mulf %add3A_1493, %get3A_1481 : vector<16xf32>
        %convert_element_type3A_1495 = arith.fptosi %mul3A_1494 : vector<16xf32> to vector<16xi32>
        %add3A_1496 = arith.addi %convert_element_type3A_1495, %mul3A_15 : vector<16xi32>
        %add3A_1497 = arith.constant 2626 : i32
        %add3A_1498 = vector.broadcast %add3A_1497 : i32 to vector<16xi32>
        %add3A_1499 = arith.addi %add3A_1496, %add3A_1498 : vector<16xi32>
        tpu.vector_store_idx %arg8[%add3A_1490], %broadcast_in_dim3A_20 : memref<42016xf32, #tpu.memory_space<vmem>>[vector<16xi32>], vector<16xf32>,
        tpu.vector_store_idx %arg8[%add3A_1499], %broadcast_in_dim3A_20 masked %lt3A_17 : memref<42016xf32, #tpu.memory_space<vmem>>[vector<16xi32>], vector<16xf32>, vector<16xi1>
        %mul3A_1500 = arith.constant 16 : i32
        %mul3A_1501 = arith.muli %sub3A_1415, %mul3A_1500 : i32
        %add3A_1502 = arith.constant 2 : i32
        %add3A_1503 = arith.addi %mul3A_1501, %add3A_1502 : i32
        %mul3A_1504 = arith.constant 32 : i32
        %mul3A_1505 = arith.muli %add3A_1503, %mul3A_1504 : i32
        %get3A_1506 = arith.index_cast %mul3A_1505 : i32 to index
        %get3A_1507 = tpu.vector_load %arg5[%get3A_1506] {strides = array<i32>} : memref<16384xf32, #tpu.memory_space<vmem>>, vector<16xf32>,
        %mul3A_1508 = arith.constant 32 : i32
        %mul3A_1509 = arith.muli %add3A_1503, %mul3A_1508 : i32
        %get3A_1510 = arith.index_cast %mul3A_1509 : i32 to index
        %get3A_1511 = tpu.vector_load %arg6[%get3A_1510] {strides = array<i32>} : memref<16384xf32, #tpu.memory_space<vmem>>, vector<16xf32>,
        %mul3A_1512 = arith.constant 32 : i32
        %mul3A_1513 = arith.muli %add3A_1503, %mul3A_1512 : i32
        %add3A_1514 = arith.constant 16 : i32
        %add3A_1515 = arith.addi %mul3A_1513, %add3A_1514 : i32
        %get3A_1516 = arith.index_cast %add3A_1515 : i32 to index
        %get3A_1517 = tpu.vector_load %arg5[%get3A_1516] {strides = array<i32>} : memref<16384xf32, #tpu.memory_space<vmem>>, vector<16xf32>,
        %mul3A_1518 = arith.constant 32 : i32
        %mul3A_1519 = arith.muli %add3A_1503, %mul3A_1518 : i32
        %add3A_1520 = arith.constant 16 : i32
        %add3A_1521 = arith.addi %mul3A_1519, %add3A_1520 : i32
        %get3A_1522 = arith.index_cast %add3A_1521 : i32 to index
        %get3A_1523 = tpu.vector_load %arg6[%get3A_1522] {strides = array<i32>} : memref<16384xf32, #tpu.memory_space<vmem>>, vector<16xf32>,
        %add3A_1524 = arith.constant 1.000000e+00 : f32
        %add3A_1525 = vector.broadcast %add3A_1524 : f32 to vector<16xf32>
        %add3A_1526 = arith.addf %get3A_1507, %add3A_1525 : vector<16xf32>
        %mul3A_1527 = arith.mulf %add3A_1526, %get3A_1511 : vector<16xf32>
        %convert_element_type3A_1528 = arith.fptosi %mul3A_1527 : vector<16xf32> to vector<16xi32>
        %add3A_1529 = arith.addi %convert_element_type3A_1528, %mul3A_9 : vector<16xi32>
        %add3A_1530 = arith.constant 5252 : i32
        %add3A_1531 = vector.broadcast %add3A_1530 : i32 to vector<16xi32>
        %add3A_1532 = arith.addi %add3A_1529, %add3A_1531 : vector<16xi32>
        %add3A_1533 = arith.constant 1.000000e+00 : f32
        %add3A_1534 = vector.broadcast %add3A_1533 : f32 to vector<16xf32>
        %add3A_1535 = arith.addf %get3A_1517, %add3A_1534 : vector<16xf32>
        %mul3A_1536 = arith.mulf %add3A_1535, %get3A_1523 : vector<16xf32>
        %convert_element_type3A_1537 = arith.fptosi %mul3A_1536 : vector<16xf32> to vector<16xi32>
        %add3A_1538 = arith.addi %convert_element_type3A_1537, %mul3A_15 : vector<16xi32>
        %add3A_1539 = arith.constant 5252 : i32
        %add3A_1540 = vector.broadcast %add3A_1539 : i32 to vector<16xi32>
        %add3A_1541 = arith.addi %add3A_1538, %add3A_1540 : vector<16xi32>
        tpu.vector_store_idx %arg8[%add3A_1532], %broadcast_in_dim3A_20 : memref<42016xf32, #tpu.memory_space<vmem>>[vector<16xi32>], vector<16xf32>,
        tpu.vector_store_idx %arg8[%add3A_1541], %broadcast_in_dim3A_20 masked %lt3A_17 : memref<42016xf32, #tpu.memory_space<vmem>>[vector<16xi32>], vector<16xf32>, vector<16xi1>
        %mul3A_1542 = arith.constant 16 : i32
        %mul3A_1543 = arith.muli %sub3A_1415, %mul3A_1542 : i32
        %add3A_1544 = arith.constant 3 : i32
        %add3A_1545 = arith.addi %mul3A_1543, %add3A_1544 : i32
        %mul3A_1546 = arith.constant 32 : i32
        %mul3A_1547 = arith.muli %add3A_1545, %mul3A_1546 : i32
        %get3A_1548 = arith.index_cast %mul3A_1547 : i32 to index
        %get3A_1549 = tpu.vector_load %arg5[%get3A_1548] {strides = array<i32>} : memref<16384xf32, #tpu.memory_space<vmem>>, vector<16xf32>,
        %mul3A_1550 = arith.constant 32 : i32
        %mul3A_1551 = arith.muli %add3A_1545, %mul3A_1550 : i32
        %get3A_1552 = arith.index_cast %mul3A_1551 : i32 to index
        %get3A_1553 = tpu.vector_load %arg6[%get3A_1552] {strides = array<i32>} : memref<16384xf32, #tpu.memory_space<vmem>>, vector<16xf32>,
        %mul3A_1554 = arith.constant 32 : i32
        %mul3A_1555 = arith.muli %add3A_1545, %mul3A_1554 : i32
        %add3A_1556 = arith.constant 16 : i32
        %add3A_1557 = arith.addi %mul3A_1555, %add3A_1556 : i32
        %get3A_1558 = arith.index_cast %add3A_1557 : i32 to index
        %get3A_1559 = tpu.vector_load %arg5[%get3A_1558] {strides = array<i32>} : memref<16384xf32, #tpu.memory_space<vmem>>, vector<16xf32>,
        %mul3A_1560 = arith.constant 32 : i32
        %mul3A_1561 = arith.muli %add3A_1545, %mul3A_1560 : i32
        %add3A_1562 = arith.constant 16 : i32
        %add3A_1563 = arith.addi %mul3A_1561, %add3A_1562 : i32
        %get3A_1564 = arith.index_cast %add3A_1563 : i32 to index
        %get3A_1565 = tpu.vector_load %arg6[%get3A_1564] {strides = array<i32>} : memref<16384xf32, #tpu.memory_space<vmem>>, vector<16xf32>,
        %add3A_1566 = arith.constant 1.000000e+00 : f32
        %add3A_1567 = vector.broadcast %add3A_1566 : f32 to vector<16xf32>
        %add3A_1568 = arith.addf %get3A_1549, %add3A_1567 : vector<16xf32>
        %mul3A_1569 = arith.mulf %add3A_1568, %get3A_1553 : vector<16xf32>
        %convert_element_type3A_1570 = arith.fptosi %mul3A_1569 : vector<16xf32> to vector<16xi32>
        %add3A_1571 = arith.addi %convert_element_type3A_1570, %mul3A_9 : vector<16xi32>
        %add3A_1572 = arith.constant 7878 : i32
        %add3A_1573 = vector.broadcast %add3A_1572 : i32 to vector<16xi32>
        %add3A_1574 = arith.addi %add3A_1571, %add3A_1573 : vector<16xi32>
        %add3A_1575 = arith.constant 1.000000e+00 : f32
        %add3A_1576 = vector.broadcast %add3A_1575 : f32 to vector<16xf32>
        %add3A_1577 = arith.addf %get3A_1559, %add3A_1576 : vector<16xf32>
        %mul3A_1578 = arith.mulf %add3A_1577, %get3A_1565 : vector<16xf32>
        %convert_element_type3A_1579 = arith.fptosi %mul3A_1578 : vector<16xf32> to vector<16xi32>
        %add3A_1580 = arith.addi %convert_element_type3A_1579, %mul3A_15 : vector<16xi32>
        %add3A_1581 = arith.constant 7878 : i32
        %add3A_1582 = vector.broadcast %add3A_1581 : i32 to vector<16xi32>
        %add3A_1583 = arith.addi %add3A_1580, %add3A_1582 : vector<16xi32>
        tpu.vector_store_idx %arg8[%add3A_1574], %broadcast_in_dim3A_20 : memref<42016xf32, #tpu.memory_space<vmem>>[vector<16xi32>], vector<16xf32>,
        tpu.vector_store_idx %arg8[%add3A_1583], %broadcast_in_dim3A_20 masked %lt3A_17 : memref<42016xf32, #tpu.memory_space<vmem>>[vector<16xi32>], vector<16xf32>, vector<16xi1>
        %mul3A_1584 = arith.constant 16 : i32
        %mul3A_1585 = arith.muli %sub3A_1415, %mul3A_1584 : i32
        %add3A_1586 = arith.constant 4 : i32
        %add3A_1587 = arith.addi %mul3A_1585, %add3A_1586 : i32
        %mul3A_1588 = arith.constant 32 : i32
        %mul3A_1589 = arith.muli %add3A_1587, %mul3A_1588 : i32
        %get3A_1590 = arith.index_cast %mul3A_1589 : i32 to index
        %get3A_1591 = tpu.vector_load %arg5[%get3A_1590] {strides = array<i32>} : memref<16384xf32, #tpu.memory_space<vmem>>, vector<16xf32>,
        %mul3A_1592 = arith.constant 32 : i32
        %mul3A_1593 = arith.muli %add3A_1587, %mul3A_1592 : i32
        %get3A_1594 = arith.index_cast %mul3A_1593 : i32 to index
        %get3A_1595 = tpu.vector_load %arg6[%get3A_1594] {strides = array<i32>} : memref<16384xf32, #tpu.memory_space<vmem>>, vector<16xf32>,
        %mul3A_1596 = arith.constant 32 : i32
        %mul3A_1597 = arith.muli %add3A_1587, %mul3A_1596 : i32
        %add3A_1598 = arith.constant 16 : i32
        %add3A_1599 = arith.addi %mul3A_1597, %add3A_1598 : i32
        %get3A_1600 = arith.index_cast %add3A_1599 : i32 to index
        %get3A_1601 = tpu.vector_load %arg5[%get3A_1600] {strides = array<i32>} : memref<16384xf32, #tpu.memory_space<vmem>>, vector<16xf32>,
        %mul3A_1602 = arith.constant 32 : i32
        %mul3A_1603 = arith.muli %add3A_1587, %mul3A_1602 : i32
        %add3A_1604 = arith.constant 16 : i32
        %add3A_1605 = arith.addi %mul3A_1603, %add3A_1604 : i32
        %get3A_1606 = arith.index_cast %add3A_1605 : i32 to index
        %get3A_1607 = tpu.vector_load %arg6[%get3A_1606] {strides = array<i32>} : memref<16384xf32, #tpu.memory_space<vmem>>, vector<16xf32>,
        %add3A_1608 = arith.constant 1.000000e+00 : f32
        %add3A_1609 = vector.broadcast %add3A_1608 : f32 to vector<16xf32>
        %add3A_1610 = arith.addf %get3A_1591, %add3A_1609 : vector<16xf32>
        %mul3A_1611 = arith.mulf %add3A_1610, %get3A_1595 : vector<16xf32>
        %convert_element_type3A_1612 = arith.fptosi %mul3A_1611 : vector<16xf32> to vector<16xi32>
        %add3A_1613 = arith.addi %convert_element_type3A_1612, %mul3A_9 : vector<16xi32>
        %add3A_1614 = arith.constant 10504 : i32
        %add3A_1615 = vector.broadcast %add3A_1614 : i32 to vector<16xi32>
        %add3A_1616 = arith.addi %add3A_1613, %add3A_1615 : vector<16xi32>
        %add3A_1617 = arith.constant 1.000000e+00 : f32
        %add3A_1618 = vector.broadcast %add3A_1617 : f32 to vector<16xf32>
        %add3A_1619 = arith.addf %get3A_1601, %add3A_1618 : vector<16xf32>
        %mul3A_1620 = arith.mulf %add3A_1619, %get3A_1607 : vector<16xf32>
        %convert_element_type3A_1621 = arith.fptosi %mul3A_1620 : vector<16xf32> to vector<16xi32>
        %add3A_1622 = arith.addi %convert_element_type3A_1621, %mul3A_15 : vector<16xi32>
        %add3A_1623 = arith.constant 10504 : i32
        %add3A_1624 = vector.broadcast %add3A_1623 : i32 to vector<16xi32>
        %add3A_1625 = arith.addi %add3A_1622, %add3A_1624 : vector<16xi32>
        tpu.vector_store_idx %arg8[%add3A_1616], %broadcast_in_dim3A_20 : memref<42016xf32, #tpu.memory_space<vmem>>[vector<16xi32>], vector<16xf32>,
        tpu.vector_store_idx %arg8[%add3A_1625], %broadcast_in_dim3A_20 masked %lt3A_17 : memref<42016xf32, #tpu.memory_space<vmem>>[vector<16xi32>], vector<16xf32>, vector<16xi1>
        %mul3A_1626 = arith.constant 16 : i32
        %mul3A_1627 = arith.muli %sub3A_1415, %mul3A_1626 : i32
        %add3A_1628 = arith.constant 5 : i32
        %add3A_1629 = arith.addi %mul3A_1627, %add3A_1628 : i32
        %mul3A_1630 = arith.constant 32 : i32
        %mul3A_1631 = arith.muli %add3A_1629, %mul3A_1630 : i32
        %get3A_1632 = arith.index_cast %mul3A_1631 : i32 to index
        %get3A_1633 = tpu.vector_load %arg5[%get3A_1632] {strides = array<i32>} : memref<16384xf32, #tpu.memory_space<vmem>>, vector<16xf32>,
        %mul3A_1634 = arith.constant 32 : i32
        %mul3A_1635 = arith.muli %add3A_1629, %mul3A_1634 : i32
        %get3A_1636 = arith.index_cast %mul3A_1635 : i32 to index
        %get3A_1637 = tpu.vector_load %arg6[%get3A_1636] {strides = array<i32>} : memref<16384xf32, #tpu.memory_space<vmem>>, vector<16xf32>,
        %mul3A_1638 = arith.constant 32 : i32
        %mul3A_1639 = arith.muli %add3A_1629, %mul3A_1638 : i32
        %add3A_1640 = arith.constant 16 : i32
        %add3A_1641 = arith.addi %mul3A_1639, %add3A_1640 : i32
        %get3A_1642 = arith.index_cast %add3A_1641 : i32 to index
        %get3A_1643 = tpu.vector_load %arg5[%get3A_1642] {strides = array<i32>} : memref<16384xf32, #tpu.memory_space<vmem>>, vector<16xf32>,
        %mul3A_1644 = arith.constant 32 : i32
        %mul3A_1645 = arith.muli %add3A_1629, %mul3A_1644 : i32
        %add3A_1646 = arith.constant 16 : i32
        %add3A_1647 = arith.addi %mul3A_1645, %add3A_1646 : i32
        %get3A_1648 = arith.index_cast %add3A_1647 : i32 to index
        %get3A_1649 = tpu.vector_load %arg6[%get3A_1648] {strides = array<i32>} : memref<16384xf32, #tpu.memory_space<vmem>>, vector<16xf32>,
        %add3A_1650 = arith.constant 1.000000e+00 : f32
        %add3A_1651 = vector.broadcast %add3A_1650 : f32 to vector<16xf32>
        %add3A_1652 = arith.addf %get3A_1633, %add3A_1651 : vector<16xf32>
        %mul3A_1653 = arith.mulf %add3A_1652, %get3A_1637 : vector<16xf32>
        %convert_element_type3A_1654 = arith.fptosi %mul3A_1653 : vector<16xf32> to vector<16xi32>
        %add3A_1655 = arith.addi %convert_element_type3A_1654, %mul3A_9 : vector<16xi32>
        %add3A_1656 = arith.constant 13130 : i32
        %add3A_1657 = vector.broadcast %add3A_1656 : i32 to vector<16xi32>
        %add3A_1658 = arith.addi %add3A_1655, %add3A_1657 : vector<16xi32>
        %add3A_1659 = arith.constant 1.000000e+00 : f32
        %add3A_1660 = vector.broadcast %add3A_1659 : f32 to vector<16xf32>
        %add3A_1661 = arith.addf %get3A_1643, %add3A_1660 : vector<16xf32>
        %mul3A_1662 = arith.mulf %add3A_1661, %get3A_1649 : vector<16xf32>
        %convert_element_type3A_1663 = arith.fptosi %mul3A_1662 : vector<16xf32> to vector<16xi32>
        %add3A_1664 = arith.addi %convert_element_type3A_1663, %mul3A_15 : vector<16xi32>
        %add3A_1665 = arith.constant 13130 : i32
        %add3A_1666 = vector.broadcast %add3A_1665 : i32 to vector<16xi32>
        %add3A_1667 = arith.addi %add3A_1664, %add3A_1666 : vector<16xi32>
        tpu.vector_store_idx %arg8[%add3A_1658], %broadcast_in_dim3A_20 : memref<42016xf32, #tpu.memory_space<vmem>>[vector<16xi32>], vector<16xf32>,
        tpu.vector_store_idx %arg8[%add3A_1667], %broadcast_in_dim3A_20 masked %lt3A_17 : memref<42016xf32, #tpu.memory_space<vmem>>[vector<16xi32>], vector<16xf32>, vector<16xi1>
        %mul3A_1668 = arith.constant 16 : i32
        %mul3A_1669 = arith.muli %sub3A_1415, %mul3A_1668 : i32
        %add3A_1670 = arith.constant 6 : i32
        %add3A_1671 = arith.addi %mul3A_1669, %add3A_1670 : i32
        %mul3A_1672 = arith.constant 32 : i32
        %mul3A_1673 = arith.muli %add3A_1671, %mul3A_1672 : i32
        %get3A_1674 = arith.index_cast %mul3A_1673 : i32 to index
        %get3A_1675 = tpu.vector_load %arg5[%get3A_1674] {strides = array<i32>} : memref<16384xf32, #tpu.memory_space<vmem>>, vector<16xf32>,
        %mul3A_1676 = arith.constant 32 : i32
        %mul3A_1677 = arith.muli %add3A_1671, %mul3A_1676 : i32
        %get3A_1678 = arith.index_cast %mul3A_1677 : i32 to index
        %get3A_1679 = tpu.vector_load %arg6[%get3A_1678] {strides = array<i32>} : memref<16384xf32, #tpu.memory_space<vmem>>, vector<16xf32>,
        %mul3A_1680 = arith.constant 32 : i32
        %mul3A_1681 = arith.muli %add3A_1671, %mul3A_1680 : i32
        %add3A_1682 = arith.constant 16 : i32
        %add3A_1683 = arith.addi %mul3A_1681, %add3A_1682 : i32
        %get3A_1684 = arith.index_cast %add3A_1683 : i32 to index
        %get3A_1685 = tpu.vector_load %arg5[%get3A_1684] {strides = array<i32>} : memref<16384xf32, #tpu.memory_space<vmem>>, vector<16xf32>,
        %mul3A_1686 = arith.constant 32 : i32
        %mul3A_1687 = arith.muli %add3A_1671, %mul3A_1686 : i32
        %add3A_1688 = arith.constant 16 : i32
        %add3A_1689 = arith.addi %mul3A_1687, %add3A_1688 : i32
        %get3A_1690 = arith.index_cast %add3A_1689 : i32 to index
        %get3A_1691 = tpu.vector_load %arg6[%get3A_1690] {strides = array<i32>} : memref<16384xf32, #tpu.memory_space<vmem>>, vector<16xf32>,
        %add3A_1692 = arith.constant 1.000000e+00 : f32
        %add3A_1693 = vector.broadcast %add3A_1692 : f32 to vector<16xf32>
        %add3A_1694 = arith.addf %get3A_1675, %add3A_1693 : vector<16xf32>
        %mul3A_1695 = arith.mulf %add3A_1694, %get3A_1679 : vector<16xf32>
        %convert_element_type3A_1696 = arith.fptosi %mul3A_1695 : vector<16xf32> to vector<16xi32>
        %add3A_1697 = arith.addi %convert_element_type3A_1696, %mul3A_9 : vector<16xi32>
        %add3A_1698 = arith.constant 15756 : i32
        %add3A_1699 = vector.broadcast %add3A_1698 : i32 to vector<16xi32>
        %add3A_1700 = arith.addi %add3A_1697, %add3A_1699 : vector<16xi32>
        %add3A_1701 = arith.constant 1.000000e+00 : f32
        %add3A_1702 = vector.broadcast %add3A_1701 : f32 to vector<16xf32>
        %add3A_1703 = arith.addf %get3A_1685, %add3A_1702 : vector<16xf32>
        %mul3A_1704 = arith.mulf %add3A_1703, %get3A_1691 : vector<16xf32>
        %convert_element_type3A_1705 = arith.fptosi %mul3A_1704 : vector<16xf32> to vector<16xi32>
        %add3A_1706 = arith.addi %convert_element_type3A_1705, %mul3A_15 : vector<16xi32>
        %add3A_1707 = arith.constant 15756 : i32
        %add3A_1708 = vector.broadcast %add3A_1707 : i32 to vector<16xi32>
        %add3A_1709 = arith.addi %add3A_1706, %add3A_1708 : vector<16xi32>
        tpu.vector_store_idx %arg8[%add3A_1700], %broadcast_in_dim3A_20 : memref<42016xf32, #tpu.memory_space<vmem>>[vector<16xi32>], vector<16xf32>,
        tpu.vector_store_idx %arg8[%add3A_1709], %broadcast_in_dim3A_20 masked %lt3A_17 : memref<42016xf32, #tpu.memory_space<vmem>>[vector<16xi32>], vector<16xf32>, vector<16xi1>
        %mul3A_1710 = arith.constant 16 : i32
        %mul3A_1711 = arith.muli %sub3A_1415, %mul3A_1710 : i32
        %add3A_1712 = arith.constant 7 : i32
        %add3A_1713 = arith.addi %mul3A_1711, %add3A_1712 : i32
        %mul3A_1714 = arith.constant 32 : i32
        %mul3A_1715 = arith.muli %add3A_1713, %mul3A_1714 : i32
        %get3A_1716 = arith.index_cast %mul3A_1715 : i32 to index
        %get3A_1717 = tpu.vector_load %arg5[%get3A_1716] {strides = array<i32>} : memref<16384xf32, #tpu.memory_space<vmem>>, vector<16xf32>,
        %mul3A_1718 = arith.constant 32 : i32
        %mul3A_1719 = arith.muli %add3A_1713, %mul3A_1718 : i32
        %get3A_1720 = arith.index_cast %mul3A_1719 : i32 to index
        %get3A_1721 = tpu.vector_load %arg6[%get3A_1720] {strides = array<i32>} : memref<16384xf32, #tpu.memory_space<vmem>>, vector<16xf32>,
        %mul3A_1722 = arith.constant 32 : i32
        %mul3A_1723 = arith.muli %add3A_1713, %mul3A_1722 : i32
        %add3A_1724 = arith.constant 16 : i32
        %add3A_1725 = arith.addi %mul3A_1723, %add3A_1724 : i32
        %get3A_1726 = arith.index_cast %add3A_1725 : i32 to index
        %get3A_1727 = tpu.vector_load %arg5[%get3A_1726] {strides = array<i32>} : memref<16384xf32, #tpu.memory_space<vmem>>, vector<16xf32>,
        %mul3A_1728 = arith.constant 32 : i32
        %mul3A_1729 = arith.muli %add3A_1713, %mul3A_1728 : i32
        %add3A_1730 = arith.constant 16 : i32
        %add3A_1731 = arith.addi %mul3A_1729, %add3A_1730 : i32
        %get3A_1732 = arith.index_cast %add3A_1731 : i32 to index
        %get3A_1733 = tpu.vector_load %arg6[%get3A_1732] {strides = array<i32>} : memref<16384xf32, #tpu.memory_space<vmem>>, vector<16xf32>,
        %add3A_1734 = arith.constant 1.000000e+00 : f32
        %add3A_1735 = vector.broadcast %add3A_1734 : f32 to vector<16xf32>
        %add3A_1736 = arith.addf %get3A_1717, %add3A_1735 : vector<16xf32>
        %mul3A_1737 = arith.mulf %add3A_1736, %get3A_1721 : vector<16xf32>
        %convert_element_type3A_1738 = arith.fptosi %mul3A_1737 : vector<16xf32> to vector<16xi32>
        %add3A_1739 = arith.addi %convert_element_type3A_1738, %mul3A_9 : vector<16xi32>
        %add3A_1740 = arith.constant 18382 : i32
        %add3A_1741 = vector.broadcast %add3A_1740 : i32 to vector<16xi32>
        %add3A_1742 = arith.addi %add3A_1739, %add3A_1741 : vector<16xi32>
        %add3A_1743 = arith.constant 1.000000e+00 : f32
        %add3A_1744 = vector.broadcast %add3A_1743 : f32 to vector<16xf32>
        %add3A_1745 = arith.addf %get3A_1727, %add3A_1744 : vector<16xf32>
        %mul3A_1746 = arith.mulf %add3A_1745, %get3A_1733 : vector<16xf32>
        %convert_element_type3A_1747 = arith.fptosi %mul3A_1746 : vector<16xf32> to vector<16xi32>
        %add3A_1748 = arith.addi %convert_element_type3A_1747, %mul3A_15 : vector<16xi32>
        %add3A_1749 = arith.constant 18382 : i32
        %add3A_1750 = vector.broadcast %add3A_1749 : i32 to vector<16xi32>
        %add3A_1751 = arith.addi %add3A_1748, %add3A_1750 : vector<16xi32>
        tpu.vector_store_idx %arg8[%add3A_1742], %broadcast_in_dim3A_20 : memref<42016xf32, #tpu.memory_space<vmem>>[vector<16xi32>], vector<16xf32>,
        tpu.vector_store_idx %arg8[%add3A_1751], %broadcast_in_dim3A_20 masked %lt3A_17 : memref<42016xf32, #tpu.memory_space<vmem>>[vector<16xi32>], vector<16xf32>, vector<16xi1>
        %mul3A_1752 = arith.constant 16 : i32
        %mul3A_1753 = arith.muli %sub3A_1415, %mul3A_1752 : i32
        %add3A_1754 = arith.constant 8 : i32
        %add3A_1755 = arith.addi %mul3A_1753, %add3A_1754 : i32
        %mul3A_1756 = arith.constant 32 : i32
        %mul3A_1757 = arith.muli %add3A_1755, %mul3A_1756 : i32
        %get3A_1758 = arith.index_cast %mul3A_1757 : i32 to index
        %get3A_1759 = tpu.vector_load %arg5[%get3A_1758] {strides = array<i32>} : memref<16384xf32, #tpu.memory_space<vmem>>, vector<16xf32>,
        %mul3A_1760 = arith.constant 32 : i32
        %mul3A_1761 = arith.muli %add3A_1755, %mul3A_1760 : i32
        %get3A_1762 = arith.index_cast %mul3A_1761 : i32 to index
        %get3A_1763 = tpu.vector_load %arg6[%get3A_1762] {strides = array<i32>} : memref<16384xf32, #tpu.memory_space<vmem>>, vector<16xf32>,
        %mul3A_1764 = arith.constant 32 : i32
        %mul3A_1765 = arith.muli %add3A_1755, %mul3A_1764 : i32
        %add3A_1766 = arith.constant 16 : i32
        %add3A_1767 = arith.addi %mul3A_1765, %add3A_1766 : i32
        %get3A_1768 = arith.index_cast %add3A_1767 : i32 to index
        %get3A_1769 = tpu.vector_load %arg5[%get3A_1768] {strides = array<i32>} : memref<16384xf32, #tpu.memory_space<vmem>>, vector<16xf32>,
        %mul3A_1770 = arith.constant 32 : i32
        %mul3A_1771 = arith.muli %add3A_1755, %mul3A_1770 : i32
        %add3A_1772 = arith.constant 16 : i32
        %add3A_1773 = arith.addi %mul3A_1771, %add3A_1772 : i32
        %get3A_1774 = arith.index_cast %add3A_1773 : i32 to index
        %get3A_1775 = tpu.vector_load %arg6[%get3A_1774] {strides = array<i32>} : memref<16384xf32, #tpu.memory_space<vmem>>, vector<16xf32>,
        %add3A_1776 = arith.constant 1.000000e+00 : f32
        %add3A_1777 = vector.broadcast %add3A_1776 : f32 to vector<16xf32>
        %add3A_1778 = arith.addf %get3A_1759, %add3A_1777 : vector<16xf32>
        %mul3A_1779 = arith.mulf %add3A_1778, %get3A_1763 : vector<16xf32>
        %convert_element_type3A_1780 = arith.fptosi %mul3A_1779 : vector<16xf32> to vector<16xi32>
        %add3A_1781 = arith.addi %convert_element_type3A_1780, %mul3A_9 : vector<16xi32>
        %add3A_1782 = arith.constant 21008 : i32
        %add3A_1783 = vector.broadcast %add3A_1782 : i32 to vector<16xi32>
        %add3A_1784 = arith.addi %add3A_1781, %add3A_1783 : vector<16xi32>
        %add3A_1785 = arith.constant 1.000000e+00 : f32
        %add3A_1786 = vector.broadcast %add3A_1785 : f32 to vector<16xf32>
        %add3A_1787 = arith.addf %get3A_1769, %add3A_1786 : vector<16xf32>
        %mul3A_1788 = arith.mulf %add3A_1787, %get3A_1775 : vector<16xf32>
        %convert_element_type3A_1789 = arith.fptosi %mul3A_1788 : vector<16xf32> to vector<16xi32>
        %add3A_1790 = arith.addi %convert_element_type3A_1789, %mul3A_15 : vector<16xi32>
        %add3A_1791 = arith.constant 21008 : i32
        %add3A_1792 = vector.broadcast %add3A_1791 : i32 to vector<16xi32>
        %add3A_1793 = arith.addi %add3A_1790, %add3A_1792 : vector<16xi32>
        tpu.vector_store_idx %arg8[%add3A_1784], %broadcast_in_dim3A_20 : memref<42016xf32, #tpu.memory_space<vmem>>[vector<16xi32>], vector<16xf32>,
        tpu.vector_store_idx %arg8[%add3A_1793], %broadcast_in_dim3A_20 masked %lt3A_17 : memref<42016xf32, #tpu.memory_space<vmem>>[vector<16xi32>], vector<16xf32>, vector<16xi1>
        %mul3A_1794 = arith.constant 16 : i32
        %mul3A_1795 = arith.muli %sub3A_1415, %mul3A_1794 : i32
        %add3A_1796 = arith.constant 9 : i32
        %add3A_1797 = arith.addi %mul3A_1795, %add3A_1796 : i32
        %mul3A_1798 = arith.constant 32 : i32
        %mul3A_1799 = arith.muli %add3A_1797, %mul3A_1798 : i32
        %get3A_1800 = arith.index_cast %mul3A_1799 : i32 to index
        %get3A_1801 = tpu.vector_load %arg5[%get3A_1800] {strides = array<i32>} : memref<16384xf32, #tpu.memory_space<vmem>>, vector<16xf32>,
        %mul3A_1802 = arith.constant 32 : i32
        %mul3A_1803 = arith.muli %add3A_1797, %mul3A_1802 : i32
        %get3A_1804 = arith.index_cast %mul3A_1803 : i32 to index
        %get3A_1805 = tpu.vector_load %arg6[%get3A_1804] {strides = array<i32>} : memref<16384xf32, #tpu.memory_space<vmem>>, vector<16xf32>,
        %mul3A_1806 = arith.constant 32 : i32
        %mul3A_1807 = arith.muli %add3A_1797, %mul3A_1806 : i32
        %add3A_1808 = arith.constant 16 : i32
        %add3A_1809 = arith.addi %mul3A_1807, %add3A_1808 : i32
        %get3A_1810 = arith.index_cast %add3A_1809 : i32 to index
        %get3A_1811 = tpu.vector_load %arg5[%get3A_1810] {strides = array<i32>} : memref<16384xf32, #tpu.memory_space<vmem>>, vector<16xf32>,
        %mul3A_1812 = arith.constant 32 : i32
        %mul3A_1813 = arith.muli %add3A_1797, %mul3A_1812 : i32
        %add3A_1814 = arith.constant 16 : i32
        %add3A_1815 = arith.addi %mul3A_1813, %add3A_1814 : i32
        %get3A_1816 = arith.index_cast %add3A_1815 : i32 to index
        %get3A_1817 = tpu.vector_load %arg6[%get3A_1816] {strides = array<i32>} : memref<16384xf32, #tpu.memory_space<vmem>>, vector<16xf32>,
        %add3A_1818 = arith.constant 1.000000e+00 : f32
        %add3A_1819 = vector.broadcast %add3A_1818 : f32 to vector<16xf32>
        %add3A_1820 = arith.addf %get3A_1801, %add3A_1819 : vector<16xf32>
        %mul3A_1821 = arith.mulf %add3A_1820, %get3A_1805 : vector<16xf32>
        %convert_element_type3A_1822 = arith.fptosi %mul3A_1821 : vector<16xf32> to vector<16xi32>
        %add3A_1823 = arith.addi %convert_element_type3A_1822, %mul3A_9 : vector<16xi32>
        %add3A_1824 = arith.constant 23634 : i32
        %add3A_1825 = vector.broadcast %add3A_1824 : i32 to vector<16xi32>
        %add3A_1826 = arith.addi %add3A_1823, %add3A_1825 : vector<16xi32>
        %add3A_1827 = arith.constant 1.000000e+00 : f32
        %add3A_1828 = vector.broadcast %add3A_1827 : f32 to vector<16xf32>
        %add3A_1829 = arith.addf %get3A_1811, %add3A_1828 : vector<16xf32>
        %mul3A_1830 = arith.mulf %add3A_1829, %get3A_1817 : vector<16xf32>
        %convert_element_type3A_1831 = arith.fptosi %mul3A_1830 : vector<16xf32> to vector<16xi32>
        %add3A_1832 = arith.addi %convert_element_type3A_1831, %mul3A_15 : vector<16xi32>
        %add3A_1833 = arith.constant 23634 : i32
        %add3A_1834 = vector.broadcast %add3A_1833 : i32 to vector<16xi32>
        %add3A_1835 = arith.addi %add3A_1832, %add3A_1834 : vector<16xi32>
        tpu.vector_store_idx %arg8[%add3A_1826], %broadcast_in_dim3A_20 : memref<42016xf32, #tpu.memory_space<vmem>>[vector<16xi32>], vector<16xf32>,
        tpu.vector_store_idx %arg8[%add3A_1835], %broadcast_in_dim3A_20 masked %lt3A_17 : memref<42016xf32, #tpu.memory_space<vmem>>[vector<16xi32>], vector<16xf32>, vector<16xi1>
        %mul3A_1836 = arith.constant 16 : i32
        %mul3A_1837 = arith.muli %sub3A_1415, %mul3A_1836 : i32
        %add3A_1838 = arith.constant 10 : i32
        %add3A_1839 = arith.addi %mul3A_1837, %add3A_1838 : i32
        %mul3A_1840 = arith.constant 32 : i32
        %mul3A_1841 = arith.muli %add3A_1839, %mul3A_1840 : i32
        %get3A_1842 = arith.index_cast %mul3A_1841 : i32 to index
        %get3A_1843 = tpu.vector_load %arg5[%get3A_1842] {strides = array<i32>} : memref<16384xf32, #tpu.memory_space<vmem>>, vector<16xf32>,
        %mul3A_1844 = arith.constant 32 : i32
        %mul3A_1845 = arith.muli %add3A_1839, %mul3A_1844 : i32
        %get3A_1846 = arith.index_cast %mul3A_1845 : i32 to index
        %get3A_1847 = tpu.vector_load %arg6[%get3A_1846] {strides = array<i32>} : memref<16384xf32, #tpu.memory_space<vmem>>, vector<16xf32>,
        %mul3A_1848 = arith.constant 32 : i32
        %mul3A_1849 = arith.muli %add3A_1839, %mul3A_1848 : i32
        %add3A_1850 = arith.constant 16 : i32
        %add3A_1851 = arith.addi %mul3A_1849, %add3A_1850 : i32
        %get3A_1852 = arith.index_cast %add3A_1851 : i32 to index
        %get3A_1853 = tpu.vector_load %arg5[%get3A_1852] {strides = array<i32>} : memref<16384xf32, #tpu.memory_space<vmem>>, vector<16xf32>,
        %mul3A_1854 = arith.constant 32 : i32
        %mul3A_1855 = arith.muli %add3A_1839, %mul3A_1854 : i32
        %add3A_1856 = arith.constant 16 : i32
        %add3A_1857 = arith.addi %mul3A_1855, %add3A_1856 : i32
        %get3A_1858 = arith.index_cast %add3A_1857 : i32 to index
        %get3A_1859 = tpu.vector_load %arg6[%get3A_1858] {strides = array<i32>} : memref<16384xf32, #tpu.memory_space<vmem>>, vector<16xf32>,
        %add3A_1860 = arith.constant 1.000000e+00 : f32
        %add3A_1861 = vector.broadcast %add3A_1860 : f32 to vector<16xf32>
        %add3A_1862 = arith.addf %get3A_1843, %add3A_1861 : vector<16xf32>
        %mul3A_1863 = arith.mulf %add3A_1862, %get3A_1847 : vector<16xf32>
        %convert_element_type3A_1864 = arith.fptosi %mul3A_1863 : vector<16xf32> to vector<16xi32>
        %add3A_1865 = arith.addi %convert_element_type3A_1864, %mul3A_9 : vector<16xi32>
        %add3A_1866 = arith.constant 26260 : i32
        %add3A_1867 = vector.broadcast %add3A_1866 : i32 to vector<16xi32>
        %add3A_1868 = arith.addi %add3A_1865, %add3A_1867 : vector<16xi32>
        %add3A_1869 = arith.constant 1.000000e+00 : f32
        %add3A_1870 = vector.broadcast %add3A_1869 : f32 to vector<16xf32>
        %add3A_1871 = arith.addf %get3A_1853, %add3A_1870 : vector<16xf32>
        %mul3A_1872 = arith.mulf %add3A_1871, %get3A_1859 : vector<16xf32>
        %convert_element_type3A_1873 = arith.fptosi %mul3A_1872 : vector<16xf32> to vector<16xi32>
        %add3A_1874 = arith.addi %convert_element_type3A_1873, %mul3A_15 : vector<16xi32>
        %add3A_1875 = arith.constant 26260 : i32
        %add3A_1876 = vector.broadcast %add3A_1875 : i32 to vector<16xi32>
        %add3A_1877 = arith.addi %add3A_1874, %add3A_1876 : vector<16xi32>
        tpu.vector_store_idx %arg8[%add3A_1868], %broadcast_in_dim3A_20 : memref<42016xf32, #tpu.memory_space<vmem>>[vector<16xi32>], vector<16xf32>,
        tpu.vector_store_idx %arg8[%add3A_1877], %broadcast_in_dim3A_20 masked %lt3A_17 : memref<42016xf32, #tpu.memory_space<vmem>>[vector<16xi32>], vector<16xf32>, vector<16xi1>
        %mul3A_1878 = arith.constant 16 : i32
        %mul3A_1879 = arith.muli %sub3A_1415, %mul3A_1878 : i32
        %add3A_1880 = arith.constant 11 : i32
        %add3A_1881 = arith.addi %mul3A_1879, %add3A_1880 : i32
        %mul3A_1882 = arith.constant 32 : i32
        %mul3A_1883 = arith.muli %add3A_1881, %mul3A_1882 : i32
        %get3A_1884 = arith.index_cast %mul3A_1883 : i32 to index
        %get3A_1885 = tpu.vector_load %arg5[%get3A_1884] {strides = array<i32>} : memref<16384xf32, #tpu.memory_space<vmem>>, vector<16xf32>,
        %mul3A_1886 = arith.constant 32 : i32
        %mul3A_1887 = arith.muli %add3A_1881, %mul3A_1886 : i32
        %get3A_1888 = arith.index_cast %mul3A_1887 : i32 to index
        %get3A_1889 = tpu.vector_load %arg6[%get3A_1888] {strides = array<i32>} : memref<16384xf32, #tpu.memory_space<vmem>>, vector<16xf32>,
        %mul3A_1890 = arith.constant 32 : i32
        %mul3A_1891 = arith.muli %add3A_1881, %mul3A_1890 : i32
        %add3A_1892 = arith.constant 16 : i32
        %add3A_1893 = arith.addi %mul3A_1891, %add3A_1892 : i32
        %get3A_1894 = arith.index_cast %add3A_1893 : i32 to index
        %get3A_1895 = tpu.vector_load %arg5[%get3A_1894] {strides = array<i32>} : memref<16384xf32, #tpu.memory_space<vmem>>, vector<16xf32>,
        %mul3A_1896 = arith.constant 32 : i32
        %mul3A_1897 = arith.muli %add3A_1881, %mul3A_1896 : i32
        %add3A_1898 = arith.constant 16 : i32
        %add3A_1899 = arith.addi %mul3A_1897, %add3A_1898 : i32
        %get3A_1900 = arith.index_cast %add3A_1899 : i32 to index
        %get3A_1901 = tpu.vector_load %arg6[%get3A_1900] {strides = array<i32>} : memref<16384xf32, #tpu.memory_space<vmem>>, vector<16xf32>,
        %add3A_1902 = arith.constant 1.000000e+00 : f32
        %add3A_1903 = vector.broadcast %add3A_1902 : f32 to vector<16xf32>
        %add3A_1904 = arith.addf %get3A_1885, %add3A_1903 : vector<16xf32>
        %mul3A_1905 = arith.mulf %add3A_1904, %get3A_1889 : vector<16xf32>
        %convert_element_type3A_1906 = arith.fptosi %mul3A_1905 : vector<16xf32> to vector<16xi32>
        %add3A_1907 = arith.addi %convert_element_type3A_1906, %mul3A_9 : vector<16xi32>
        %add3A_1908 = arith.constant 28886 : i32
        %add3A_1909 = vector.broadcast %add3A_1908 : i32 to vector<16xi32>
        %add3A_1910 = arith.addi %add3A_1907, %add3A_1909 : vector<16xi32>
        %add3A_1911 = arith.constant 1.000000e+00 : f32
        %add3A_1912 = vector.broadcast %add3A_1911 : f32 to vector<16xf32>
        %add3A_1913 = arith.addf %get3A_1895, %add3A_1912 : vector<16xf32>
        %mul3A_1914 = arith.mulf %add3A_1913, %get3A_1901 : vector<16xf32>
        %convert_element_type3A_1915 = arith.fptosi %mul3A_1914 : vector<16xf32> to vector<16xi32>
        %add3A_1916 = arith.addi %convert_element_type3A_1915, %mul3A_15 : vector<16xi32>
        %add3A_1917 = arith.constant 28886 : i32
        %add3A_1918 = vector.broadcast %add3A_1917 : i32 to vector<16xi32>
        %add3A_1919 = arith.addi %add3A_1916, %add3A_1918 : vector<16xi32>
        tpu.vector_store_idx %arg8[%add3A_1910], %broadcast_in_dim3A_20 : memref<42016xf32, #tpu.memory_space<vmem>>[vector<16xi32>], vector<16xf32>,
        tpu.vector_store_idx %arg8[%add3A_1919], %broadcast_in_dim3A_20 masked %lt3A_17 : memref<42016xf32, #tpu.memory_space<vmem>>[vector<16xi32>], vector<16xf32>, vector<16xi1>
        %mul3A_1920 = arith.constant 16 : i32
        %mul3A_1921 = arith.muli %sub3A_1415, %mul3A_1920 : i32
        %add3A_1922 = arith.constant 12 : i32
        %add3A_1923 = arith.addi %mul3A_1921, %add3A_1922 : i32
        %mul3A_1924 = arith.constant 32 : i32
        %mul3A_1925 = arith.muli %add3A_1923, %mul3A_1924 : i32
        %get3A_1926 = arith.index_cast %mul3A_1925 : i32 to index
        %get3A_1927 = tpu.vector_load %arg5[%get3A_1926] {strides = array<i32>} : memref<16384xf32, #tpu.memory_space<vmem>>, vector<16xf32>,
        %mul3A_1928 = arith.constant 32 : i32
        %mul3A_1929 = arith.muli %add3A_1923, %mul3A_1928 : i32
        %get3A_1930 = arith.index_cast %mul3A_1929 : i32 to index
        %get3A_1931 = tpu.vector_load %arg6[%get3A_1930] {strides = array<i32>} : memref<16384xf32, #tpu.memory_space<vmem>>, vector<16xf32>,
        %mul3A_1932 = arith.constant 32 : i32
        %mul3A_1933 = arith.muli %add3A_1923, %mul3A_1932 : i32
        %add3A_1934 = arith.constant 16 : i32
        %add3A_1935 = arith.addi %mul3A_1933, %add3A_1934 : i32
        %get3A_1936 = arith.index_cast %add3A_1935 : i32 to index
        %get3A_1937 = tpu.vector_load %arg5[%get3A_1936] {strides = array<i32>} : memref<16384xf32, #tpu.memory_space<vmem>>, vector<16xf32>,
        %mul3A_1938 = arith.constant 32 : i32
        %mul3A_1939 = arith.muli %add3A_1923, %mul3A_1938 : i32
        %add3A_1940 = arith.constant 16 : i32
        %add3A_1941 = arith.addi %mul3A_1939, %add3A_1940 : i32
        %get3A_1942 = arith.index_cast %add3A_1941 : i32 to index
        %get3A_1943 = tpu.vector_load %arg6[%get3A_1942] {strides = array<i32>} : memref<16384xf32, #tpu.memory_space<vmem>>, vector<16xf32>,
        %add3A_1944 = arith.constant 1.000000e+00 : f32
        %add3A_1945 = vector.broadcast %add3A_1944 : f32 to vector<16xf32>
        %add3A_1946 = arith.addf %get3A_1927, %add3A_1945 : vector<16xf32>
        %mul3A_1947 = arith.mulf %add3A_1946, %get3A_1931 : vector<16xf32>
        %convert_element_type3A_1948 = arith.fptosi %mul3A_1947 : vector<16xf32> to vector<16xi32>
        %add3A_1949 = arith.addi %convert_element_type3A_1948, %mul3A_9 : vector<16xi32>
        %add3A_1950 = arith.constant 31512 : i32
        %add3A_1951 = vector.broadcast %add3A_1950 : i32 to vector<16xi32>
        %add3A_1952 = arith.addi %add3A_1949, %add3A_1951 : vector<16xi32>
        %add3A_1953 = arith.constant 1.000000e+00 : f32
        %add3A_1954 = vector.broadcast %add3A_1953 : f32 to vector<16xf32>
        %add3A_1955 = arith.addf %get3A_1937, %add3A_1954 : vector<16xf32>
        %mul3A_1956 = arith.mulf %add3A_1955, %get3A_1943 : vector<16xf32>
        %convert_element_type3A_1957 = arith.fptosi %mul3A_1956 : vector<16xf32> to vector<16xi32>
        %add3A_1958 = arith.addi %convert_element_type3A_1957, %mul3A_15 : vector<16xi32>
        %add3A_1959 = arith.constant 31512 : i32
        %add3A_1960 = vector.broadcast %add3A_1959 : i32 to vector<16xi32>
        %add3A_1961 = arith.addi %add3A_1958, %add3A_1960 : vector<16xi32>
        tpu.vector_store_idx %arg8[%add3A_1952], %broadcast_in_dim3A_20 : memref<42016xf32, #tpu.memory_space<vmem>>[vector<16xi32>], vector<16xf32>,
        tpu.vector_store_idx %arg8[%add3A_1961], %broadcast_in_dim3A_20 masked %lt3A_17 : memref<42016xf32, #tpu.memory_space<vmem>>[vector<16xi32>], vector<16xf32>, vector<16xi1>
        %mul3A_1962 = arith.constant 16 : i32
        %mul3A_1963 = arith.muli %sub3A_1415, %mul3A_1962 : i32
        %add3A_1964 = arith.constant 13 : i32
        %add3A_1965 = arith.addi %mul3A_1963, %add3A_1964 : i32
        %mul3A_1966 = arith.constant 32 : i32
        %mul3A_1967 = arith.muli %add3A_1965, %mul3A_1966 : i32
        %get3A_1968 = arith.index_cast %mul3A_1967 : i32 to index
        %get3A_1969 = tpu.vector_load %arg5[%get3A_1968] {strides = array<i32>} : memref<16384xf32, #tpu.memory_space<vmem>>, vector<16xf32>,
        %mul3A_1970 = arith.constant 32 : i32
        %mul3A_1971 = arith.muli %add3A_1965, %mul3A_1970 : i32
        %get3A_1972 = arith.index_cast %mul3A_1971 : i32 to index
        %get3A_1973 = tpu.vector_load %arg6[%get3A_1972] {strides = array<i32>} : memref<16384xf32, #tpu.memory_space<vmem>>, vector<16xf32>,
        %mul3A_1974 = arith.constant 32 : i32
        %mul3A_1975 = arith.muli %add3A_1965, %mul3A_1974 : i32
        %add3A_1976 = arith.constant 16 : i32
        %add3A_1977 = arith.addi %mul3A_1975, %add3A_1976 : i32
        %get3A_1978 = arith.index_cast %add3A_1977 : i32 to index
        %get3A_1979 = tpu.vector_load %arg5[%get3A_1978] {strides = array<i32>} : memref<16384xf32, #tpu.memory_space<vmem>>, vector<16xf32>,
        %mul3A_1980 = arith.constant 32 : i32
        %mul3A_1981 = arith.muli %add3A_1965, %mul3A_1980 : i32
        %add3A_1982 = arith.constant 16 : i32
        %add3A_1983 = arith.addi %mul3A_1981, %add3A_1982 : i32
        %get3A_1984 = arith.index_cast %add3A_1983 : i32 to index
        %get3A_1985 = tpu.vector_load %arg6[%get3A_1984] {strides = array<i32>} : memref<16384xf32, #tpu.memory_space<vmem>>, vector<16xf32>,
        %add3A_1986 = arith.constant 1.000000e+00 : f32
        %add3A_1987 = vector.broadcast %add3A_1986 : f32 to vector<16xf32>
        %add3A_1988 = arith.addf %get3A_1969, %add3A_1987 : vector<16xf32>
        %mul3A_1989 = arith.mulf %add3A_1988, %get3A_1973 : vector<16xf32>
        %convert_element_type3A_1990 = arith.fptosi %mul3A_1989 : vector<16xf32> to vector<16xi32>
        %add3A_1991 = arith.addi %convert_element_type3A_1990, %mul3A_9 : vector<16xi32>
        %add3A_1992 = arith.constant 34138 : i32
        %add3A_1993 = vector.broadcast %add3A_1992 : i32 to vector<16xi32>
        %add3A_1994 = arith.addi %add3A_1991, %add3A_1993 : vector<16xi32>
        %add3A_1995 = arith.constant 1.000000e+00 : f32
        %add3A_1996 = vector.broadcast %add3A_1995 : f32 to vector<16xf32>
        %add3A_1997 = arith.addf %get3A_1979, %add3A_1996 : vector<16xf32>
        %mul3A_1998 = arith.mulf %add3A_1997, %get3A_1985 : vector<16xf32>
        %convert_element_type3A_1999 = arith.fptosi %mul3A_1998 : vector<16xf32> to vector<16xi32>
        %add3A_2000 = arith.addi %convert_element_type3A_1999, %mul3A_15 : vector<16xi32>
        %add3A_2001 = arith.constant 34138 : i32
        %add3A_2002 = vector.broadcast %add3A_2001 : i32 to vector<16xi32>
        %add3A_2003 = arith.addi %add3A_2000, %add3A_2002 : vector<16xi32>
        tpu.vector_store_idx %arg8[%add3A_1994], %broadcast_in_dim3A_20 : memref<42016xf32, #tpu.memory_space<vmem>>[vector<16xi32>], vector<16xf32>,
        tpu.vector_store_idx %arg8[%add3A_2003], %broadcast_in_dim3A_20 masked %lt3A_17 : memref<42016xf32, #tpu.memory_space<vmem>>[vector<16xi32>], vector<16xf32>, vector<16xi1>
        %mul3A_2004 = arith.constant 16 : i32
        %mul3A_2005 = arith.muli %sub3A_1415, %mul3A_2004 : i32
        %add3A_2006 = arith.constant 14 : i32
        %add3A_2007 = arith.addi %mul3A_2005, %add3A_2006 : i32
        %mul3A_2008 = arith.constant 32 : i32
        %mul3A_2009 = arith.muli %add3A_2007, %mul3A_2008 : i32
        %get3A_2010 = arith.index_cast %mul3A_2009 : i32 to index
        %get3A_2011 = tpu.vector_load %arg5[%get3A_2010] {strides = array<i32>} : memref<16384xf32, #tpu.memory_space<vmem>>, vector<16xf32>,
        %mul3A_2012 = arith.constant 32 : i32
        %mul3A_2013 = arith.muli %add3A_2007, %mul3A_2012 : i32
        %get3A_2014 = arith.index_cast %mul3A_2013 : i32 to index
        %get3A_2015 = tpu.vector_load %arg6[%get3A_2014] {strides = array<i32>} : memref<16384xf32, #tpu.memory_space<vmem>>, vector<16xf32>,
        %mul3A_2016 = arith.constant 32 : i32
        %mul3A_2017 = arith.muli %add3A_2007, %mul3A_2016 : i32
        %add3A_2018 = arith.constant 16 : i32
        %add3A_2019 = arith.addi %mul3A_2017, %add3A_2018 : i32
        %get3A_2020 = arith.index_cast %add3A_2019 : i32 to index
        %get3A_2021 = tpu.vector_load %arg5[%get3A_2020] {strides = array<i32>} : memref<16384xf32, #tpu.memory_space<vmem>>, vector<16xf32>,
        %mul3A_2022 = arith.constant 32 : i32
        %mul3A_2023 = arith.muli %add3A_2007, %mul3A_2022 : i32
        %add3A_2024 = arith.constant 16 : i32
        %add3A_2025 = arith.addi %mul3A_2023, %add3A_2024 : i32
        %get3A_2026 = arith.index_cast %add3A_2025 : i32 to index
        %get3A_2027 = tpu.vector_load %arg6[%get3A_2026] {strides = array<i32>} : memref<16384xf32, #tpu.memory_space<vmem>>, vector<16xf32>,
        %add3A_2028 = arith.constant 1.000000e+00 : f32
        %add3A_2029 = vector.broadcast %add3A_2028 : f32 to vector<16xf32>
        %add3A_2030 = arith.addf %get3A_2011, %add3A_2029 : vector<16xf32>
        %mul3A_2031 = arith.mulf %add3A_2030, %get3A_2015 : vector<16xf32>
        %convert_element_type3A_2032 = arith.fptosi %mul3A_2031 : vector<16xf32> to vector<16xi32>
        %add3A_2033 = arith.addi %convert_element_type3A_2032, %mul3A_9 : vector<16xi32>
        %add3A_2034 = arith.constant 36764 : i32
        %add3A_2035 = vector.broadcast %add3A_2034 : i32 to vector<16xi32>
        %add3A_2036 = arith.addi %add3A_2033, %add3A_2035 : vector<16xi32>
        %add3A_2037 = arith.constant 1.000000e+00 : f32
        %add3A_2038 = vector.broadcast %add3A_2037 : f32 to vector<16xf32>
        %add3A_2039 = arith.addf %get3A_2021, %add3A_2038 : vector<16xf32>
        %mul3A_2040 = arith.mulf %add3A_2039, %get3A_2027 : vector<16xf32>
        %convert_element_type3A_2041 = arith.fptosi %mul3A_2040 : vector<16xf32> to vector<16xi32>
        %add3A_2042 = arith.addi %convert_element_type3A_2041, %mul3A_15 : vector<16xi32>
        %add3A_2043 = arith.constant 36764 : i32
        %add3A_2044 = vector.broadcast %add3A_2043 : i32 to vector<16xi32>
        %add3A_2045 = arith.addi %add3A_2042, %add3A_2044 : vector<16xi32>
        tpu.vector_store_idx %arg8[%add3A_2036], %broadcast_in_dim3A_20 : memref<42016xf32, #tpu.memory_space<vmem>>[vector<16xi32>], vector<16xf32>,
        tpu.vector_store_idx %arg8[%add3A_2045], %broadcast_in_dim3A_20 masked %lt3A_17 : memref<42016xf32, #tpu.memory_space<vmem>>[vector<16xi32>], vector<16xf32>, vector<16xi1>
        %mul3A_2046 = arith.constant 16 : i32
        %mul3A_2047 = arith.muli %sub3A_1415, %mul3A_2046 : i32
        %add3A_2048 = arith.constant 15 : i32
        %add3A_2049 = arith.addi %mul3A_2047, %add3A_2048 : i32
        %mul3A_2050 = arith.constant 32 : i32
        %mul3A_2051 = arith.muli %add3A_2049, %mul3A_2050 : i32
        %get3A_2052 = arith.index_cast %mul3A_2051 : i32 to index
        %get3A_2053 = tpu.vector_load %arg5[%get3A_2052] {strides = array<i32>} : memref<16384xf32, #tpu.memory_space<vmem>>, vector<16xf32>,
        %mul3A_2054 = arith.constant 32 : i32
        %mul3A_2055 = arith.muli %add3A_2049, %mul3A_2054 : i32
        %get3A_2056 = arith.index_cast %mul3A_2055 : i32 to index
        %get3A_2057 = tpu.vector_load %arg6[%get3A_2056] {strides = array<i32>} : memref<16384xf32, #tpu.memory_space<vmem>>, vector<16xf32>,
        %mul3A_2058 = arith.constant 32 : i32
        %mul3A_2059 = arith.muli %add3A_2049, %mul3A_2058 : i32
        %add3A_2060 = arith.constant 16 : i32
        %add3A_2061 = arith.addi %mul3A_2059, %add3A_2060 : i32
        %get3A_2062 = arith.index_cast %add3A_2061 : i32 to index
        %get3A_2063 = tpu.vector_load %arg5[%get3A_2062] {strides = array<i32>} : memref<16384xf32, #tpu.memory_space<vmem>>, vector<16xf32>,
        %mul3A_2064 = arith.constant 32 : i32
        %mul3A_2065 = arith.muli %add3A_2049, %mul3A_2064 : i32
        %add3A_2066 = arith.constant 16 : i32
        %add3A_2067 = arith.addi %mul3A_2065, %add3A_2066 : i32
        %get3A_2068 = arith.index_cast %add3A_2067 : i32 to index
        %get3A_2069 = tpu.vector_load %arg6[%get3A_2068] {strides = array<i32>} : memref<16384xf32, #tpu.memory_space<vmem>>, vector<16xf32>,
        %add3A_2070 = arith.constant 1.000000e+00 : f32
        %add3A_2071 = vector.broadcast %add3A_2070 : f32 to vector<16xf32>
        %add3A_2072 = arith.addf %get3A_2053, %add3A_2071 : vector<16xf32>
        %mul3A_2073 = arith.mulf %add3A_2072, %get3A_2057 : vector<16xf32>
        %convert_element_type3A_2074 = arith.fptosi %mul3A_2073 : vector<16xf32> to vector<16xi32>
        %add3A_2075 = arith.addi %convert_element_type3A_2074, %mul3A_9 : vector<16xi32>
        %add3A_2076 = arith.constant 39390 : i32
        %add3A_2077 = vector.broadcast %add3A_2076 : i32 to vector<16xi32>
        %add3A_2078 = arith.addi %add3A_2075, %add3A_2077 : vector<16xi32>
        %add3A_2079 = arith.constant 1.000000e+00 : f32
        %add3A_2080 = vector.broadcast %add3A_2079 : f32 to vector<16xf32>
        %add3A_2081 = arith.addf %get3A_2063, %add3A_2080 : vector<16xf32>
        %mul3A_2082 = arith.mulf %add3A_2081, %get3A_2069 : vector<16xf32>
        %convert_element_type3A_2083 = arith.fptosi %mul3A_2082 : vector<16xf32> to vector<16xi32>
        %add3A_2084 = arith.addi %convert_element_type3A_2083, %mul3A_15 : vector<16xi32>
        %add3A_2085 = arith.constant 39390 : i32
        %add3A_2086 = vector.broadcast %add3A_2085 : i32 to vector<16xi32>
        %add3A_2087 = arith.addi %add3A_2084, %add3A_2086 : vector<16xi32>
        tpu.vector_store_idx %arg8[%add3A_2078], %broadcast_in_dim3A_20 : memref<42016xf32, #tpu.memory_space<vmem>>[vector<16xi32>], vector<16xf32>,
        tpu.vector_store_idx %arg8[%add3A_2087], %broadcast_in_dim3A_20 masked %lt3A_17 : memref<42016xf32, #tpu.memory_space<vmem>>[vector<16xi32>], vector<16xf32>, vector<16xi1>
      } else {
      }
      %mul3A_732 = arith.constant 16 : i32
      %mul3A_733 = arith.muli %add3A_726, %mul3A_732 : i32
      %add3A_734 = arith.constant 0 : i32
      %add3A_735 = arith.addi %mul3A_733, %add3A_734 : i32
      %mul3A_736 = arith.constant 32 : i32
      %mul3A_737 = arith.muli %add3A_735, %mul3A_736 : i32
      %get3A_738 = arith.index_cast %mul3A_737 : i32 to index
      %get3A_739 = tpu.vector_load %arg5[%get3A_738] {strides = array<i32>} : memref<16384xf32, #tpu.memory_space<vmem>>, vector<16xf32>,
      %mul3A_740 = arith.constant 32 : i32
      %mul3A_741 = arith.muli %add3A_735, %mul3A_740 : i32
      %get3A_742 = arith.index_cast %mul3A_741 : i32 to index
      %get3A_743 = tpu.vector_load %arg6[%get3A_742] {strides = array<i32>} : memref<16384xf32, #tpu.memory_space<vmem>>, vector<16xf32>,
      %mul3A_744 = arith.constant 32 : i32
      %mul3A_745 = arith.muli %add3A_735, %mul3A_744 : i32
      %add3A_746 = arith.constant 16 : i32
      %add3A_747 = arith.addi %mul3A_745, %add3A_746 : i32
      %get3A_748 = arith.index_cast %add3A_747 : i32 to index
      %get3A_749 = tpu.vector_load %arg5[%get3A_748] {strides = array<i32>} : memref<16384xf32, #tpu.memory_space<vmem>>, vector<16xf32>,
      %mul3A_750 = arith.constant 32 : i32
      %mul3A_751 = arith.muli %add3A_735, %mul3A_750 : i32
      %add3A_752 = arith.constant 16 : i32
      %add3A_753 = arith.addi %mul3A_751, %add3A_752 : i32
      %get3A_754 = arith.index_cast %add3A_753 : i32 to index
      %get3A_755 = tpu.vector_load %arg6[%get3A_754] {strides = array<i32>} : memref<16384xf32, #tpu.memory_space<vmem>>, vector<16xf32>,
      %add3A_756 = arith.constant 1.000000e+00 : f32
      %add3A_757 = vector.broadcast %add3A_756 : f32 to vector<16xf32>
      %add3A_758 = arith.addf %get3A_739, %add3A_757 : vector<16xf32>
      %mul3A_759 = arith.mulf %add3A_758, %get3A_743 : vector<16xf32>
      %convert_element_type3A_760 = arith.fptosi %mul3A_759 : vector<16xf32> to vector<16xi32>
      %add3A_761 = arith.addi %convert_element_type3A_760, %mul3A_9 : vector<16xi32>
      %add3A_762 = arith.constant 0 : i32
      %add3A_763 = vector.broadcast %add3A_762 : i32 to vector<16xi32>
      %add3A_764 = arith.addi %add3A_761, %add3A_763 : vector<16xi32>
      %add3A_765 = arith.constant 1.000000e+00 : f32
      %add3A_766 = vector.broadcast %add3A_765 : f32 to vector<16xf32>
      %add3A_767 = arith.addf %get3A_749, %add3A_766 : vector<16xf32>
      %mul3A_768 = arith.mulf %add3A_767, %get3A_755 : vector<16xf32>
      %convert_element_type3A_769 = arith.fptosi %mul3A_768 : vector<16xf32> to vector<16xi32>
      %add3A_770 = arith.addi %convert_element_type3A_769, %mul3A_15 : vector<16xi32>
      %add3A_771 = arith.constant 0 : i32
      %add3A_772 = vector.broadcast %add3A_771 : i32 to vector<16xi32>
      %add3A_773 = arith.addi %add3A_770, %add3A_772 : vector<16xi32>
      tpu.vector_store_idx %arg8[%add3A_764], %broadcast_in_dim3A_18 : memref<42016xf32, #tpu.memory_space<vmem>>[vector<16xi32>], vector<16xf32>,
      tpu.vector_store_idx %arg8[%add3A_773], %broadcast_in_dim3A_18 masked %lt3A_17 : memref<42016xf32, #tpu.memory_space<vmem>>[vector<16xi32>], vector<16xf32>, vector<16xi1>
      %mul3A_774 = arith.constant 16 : i32
      %mul3A_775 = arith.muli %add3A_726, %mul3A_774 : i32
      %add3A_776 = arith.constant 1 : i32
      %add3A_777 = arith.addi %mul3A_775, %add3A_776 : i32
      %mul3A_778 = arith.constant 32 : i32
      %mul3A_779 = arith.muli %add3A_777, %mul3A_778 : i32
      %get3A_780 = arith.index_cast %mul3A_779 : i32 to index
      %get3A_781 = tpu.vector_load %arg5[%get3A_780] {strides = array<i32>} : memref<16384xf32, #tpu.memory_space<vmem>>, vector<16xf32>,
      %mul3A_782 = arith.constant 32 : i32
      %mul3A_783 = arith.muli %add3A_777, %mul3A_782 : i32
      %get3A_784 = arith.index_cast %mul3A_783 : i32 to index
      %get3A_785 = tpu.vector_load %arg6[%get3A_784] {strides = array<i32>} : memref<16384xf32, #tpu.memory_space<vmem>>, vector<16xf32>,
      %mul3A_786 = arith.constant 32 : i32
      %mul3A_787 = arith.muli %add3A_777, %mul3A_786 : i32
      %add3A_788 = arith.constant 16 : i32
      %add3A_789 = arith.addi %mul3A_787, %add3A_788 : i32
      %get3A_790 = arith.index_cast %add3A_789 : i32 to index
      %get3A_791 = tpu.vector_load %arg5[%get3A_790] {strides = array<i32>} : memref<16384xf32, #tpu.memory_space<vmem>>, vector<16xf32>,
      %mul3A_792 = arith.constant 32 : i32
      %mul3A_793 = arith.muli %add3A_777, %mul3A_792 : i32
      %add3A_794 = arith.constant 16 : i32
      %add3A_795 = arith.addi %mul3A_793, %add3A_794 : i32
      %get3A_796 = arith.index_cast %add3A_795 : i32 to index
      %get3A_797 = tpu.vector_load %arg6[%get3A_796] {strides = array<i32>} : memref<16384xf32, #tpu.memory_space<vmem>>, vector<16xf32>,
      %add3A_798 = arith.constant 1.000000e+00 : f32
      %add3A_799 = vector.broadcast %add3A_798 : f32 to vector<16xf32>
      %add3A_800 = arith.addf %get3A_781, %add3A_799 : vector<16xf32>
      %mul3A_801 = arith.mulf %add3A_800, %get3A_785 : vector<16xf32>
      %convert_element_type3A_802 = arith.fptosi %mul3A_801 : vector<16xf32> to vector<16xi32>
      %add3A_803 = arith.addi %convert_element_type3A_802, %mul3A_9 : vector<16xi32>
      %add3A_804 = arith.constant 2626 : i32
      %add3A_805 = vector.broadcast %add3A_804 : i32 to vector<16xi32>
      %add3A_806 = arith.addi %add3A_803, %add3A_805 : vector<16xi32>
      %add3A_807 = arith.constant 1.000000e+00 : f32
      %add3A_808 = vector.broadcast %add3A_807 : f32 to vector<16xf32>
      %add3A_809 = arith.addf %get3A_791, %add3A_808 : vector<16xf32>
      %mul3A_810 = arith.mulf %add3A_809, %get3A_797 : vector<16xf32>
      %convert_element_type3A_811 = arith.fptosi %mul3A_810 : vector<16xf32> to vector<16xi32>
      %add3A_812 = arith.addi %convert_element_type3A_811, %mul3A_15 : vector<16xi32>
      %add3A_813 = arith.constant 2626 : i32
      %add3A_814 = vector.broadcast %add3A_813 : i32 to vector<16xi32>
      %add3A_815 = arith.addi %add3A_812, %add3A_814 : vector<16xi32>
      tpu.vector_store_idx %arg8[%add3A_806], %broadcast_in_dim3A_18 : memref<42016xf32, #tpu.memory_space<vmem>>[vector<16xi32>], vector<16xf32>,
      tpu.vector_store_idx %arg8[%add3A_815], %broadcast_in_dim3A_18 masked %lt3A_17 : memref<42016xf32, #tpu.memory_space<vmem>>[vector<16xi32>], vector<16xf32>, vector<16xi1>
      %mul3A_816 = arith.constant 16 : i32
      %mul3A_817 = arith.muli %add3A_726, %mul3A_816 : i32
      %add3A_818 = arith.constant 2 : i32
      %add3A_819 = arith.addi %mul3A_817, %add3A_818 : i32
      %mul3A_820 = arith.constant 32 : i32
      %mul3A_821 = arith.muli %add3A_819, %mul3A_820 : i32
      %get3A_822 = arith.index_cast %mul3A_821 : i32 to index
      %get3A_823 = tpu.vector_load %arg5[%get3A_822] {strides = array<i32>} : memref<16384xf32, #tpu.memory_space<vmem>>, vector<16xf32>,
      %mul3A_824 = arith.constant 32 : i32
      %mul3A_825 = arith.muli %add3A_819, %mul3A_824 : i32
      %get3A_826 = arith.index_cast %mul3A_825 : i32 to index
      %get3A_827 = tpu.vector_load %arg6[%get3A_826] {strides = array<i32>} : memref<16384xf32, #tpu.memory_space<vmem>>, vector<16xf32>,
      %mul3A_828 = arith.constant 32 : i32
      %mul3A_829 = arith.muli %add3A_819, %mul3A_828 : i32
      %add3A_830 = arith.constant 16 : i32
      %add3A_831 = arith.addi %mul3A_829, %add3A_830 : i32
      %get3A_832 = arith.index_cast %add3A_831 : i32 to index
      %get3A_833 = tpu.vector_load %arg5[%get3A_832] {strides = array<i32>} : memref<16384xf32, #tpu.memory_space<vmem>>, vector<16xf32>,
      %mul3A_834 = arith.constant 32 : i32
      %mul3A_835 = arith.muli %add3A_819, %mul3A_834 : i32
      %add3A_836 = arith.constant 16 : i32
      %add3A_837 = arith.addi %mul3A_835, %add3A_836 : i32
      %get3A_838 = arith.index_cast %add3A_837 : i32 to index
      %get3A_839 = tpu.vector_load %arg6[%get3A_838] {strides = array<i32>} : memref<16384xf32, #tpu.memory_space<vmem>>, vector<16xf32>,
      %add3A_840 = arith.constant 1.000000e+00 : f32
      %add3A_841 = vector.broadcast %add3A_840 : f32 to vector<16xf32>
      %add3A_842 = arith.addf %get3A_823, %add3A_841 : vector<16xf32>
      %mul3A_843 = arith.mulf %add3A_842, %get3A_827 : vector<16xf32>
      %convert_element_type3A_844 = arith.fptosi %mul3A_843 : vector<16xf32> to vector<16xi32>
      %add3A_845 = arith.addi %convert_element_type3A_844, %mul3A_9 : vector<16xi32>
      %add3A_846 = arith.constant 5252 : i32
      %add3A_847 = vector.broadcast %add3A_846 : i32 to vector<16xi32>
      %add3A_848 = arith.addi %add3A_845, %add3A_847 : vector<16xi32>
      %add3A_849 = arith.constant 1.000000e+00 : f32
      %add3A_850 = vector.broadcast %add3A_849 : f32 to vector<16xf32>
      %add3A_851 = arith.addf %get3A_833, %add3A_850 : vector<16xf32>
      %mul3A_852 = arith.mulf %add3A_851, %get3A_839 : vector<16xf32>
      %convert_element_type3A_853 = arith.fptosi %mul3A_852 : vector<16xf32> to vector<16xi32>
      %add3A_854 = arith.addi %convert_element_type3A_853, %mul3A_15 : vector<16xi32>
      %add3A_855 = arith.constant 5252 : i32
      %add3A_856 = vector.broadcast %add3A_855 : i32 to vector<16xi32>
      %add3A_857 = arith.addi %add3A_854, %add3A_856 : vector<16xi32>
      tpu.vector_store_idx %arg8[%add3A_848], %broadcast_in_dim3A_18 : memref<42016xf32, #tpu.memory_space<vmem>>[vector<16xi32>], vector<16xf32>,
      tpu.vector_store_idx %arg8[%add3A_857], %broadcast_in_dim3A_18 masked %lt3A_17 : memref<42016xf32, #tpu.memory_space<vmem>>[vector<16xi32>], vector<16xf32>, vector<16xi1>
      %mul3A_858 = arith.constant 16 : i32
      %mul3A_859 = arith.muli %add3A_726, %mul3A_858 : i32
      %add3A_860 = arith.constant 3 : i32
      %add3A_861 = arith.addi %mul3A_859, %add3A_860 : i32
      %mul3A_862 = arith.constant 32 : i32
      %mul3A_863 = arith.muli %add3A_861, %mul3A_862 : i32
      %get3A_864 = arith.index_cast %mul3A_863 : i32 to index
      %get3A_865 = tpu.vector_load %arg5[%get3A_864] {strides = array<i32>} : memref<16384xf32, #tpu.memory_space<vmem>>, vector<16xf32>,
      %mul3A_866 = arith.constant 32 : i32
      %mul3A_867 = arith.muli %add3A_861, %mul3A_866 : i32
      %get3A_868 = arith.index_cast %mul3A_867 : i32 to index
      %get3A_869 = tpu.vector_load %arg6[%get3A_868] {strides = array<i32>} : memref<16384xf32, #tpu.memory_space<vmem>>, vector<16xf32>,
      %mul3A_870 = arith.constant 32 : i32
      %mul3A_871 = arith.muli %add3A_861, %mul3A_870 : i32
      %add3A_872 = arith.constant 16 : i32
      %add3A_873 = arith.addi %mul3A_871, %add3A_872 : i32
      %get3A_874 = arith.index_cast %add3A_873 : i32 to index
      %get3A_875 = tpu.vector_load %arg5[%get3A_874] {strides = array<i32>} : memref<16384xf32, #tpu.memory_space<vmem>>, vector<16xf32>,
      %mul3A_876 = arith.constant 32 : i32
      %mul3A_877 = arith.muli %add3A_861, %mul3A_876 : i32
      %add3A_878 = arith.constant 16 : i32
      %add3A_879 = arith.addi %mul3A_877, %add3A_878 : i32
      %get3A_880 = arith.index_cast %add3A_879 : i32 to index
      %get3A_881 = tpu.vector_load %arg6[%get3A_880] {strides = array<i32>} : memref<16384xf32, #tpu.memory_space<vmem>>, vector<16xf32>,
      %add3A_882 = arith.constant 1.000000e+00 : f32
      %add3A_883 = vector.broadcast %add3A_882 : f32 to vector<16xf32>
      %add3A_884 = arith.addf %get3A_865, %add3A_883 : vector<16xf32>
      %mul3A_885 = arith.mulf %add3A_884, %get3A_869 : vector<16xf32>
      %convert_element_type3A_886 = arith.fptosi %mul3A_885 : vector<16xf32> to vector<16xi32>
      %add3A_887 = arith.addi %convert_element_type3A_886, %mul3A_9 : vector<16xi32>
      %add3A_888 = arith.constant 7878 : i32
      %add3A_889 = vector.broadcast %add3A_888 : i32 to vector<16xi32>
      %add3A_890 = arith.addi %add3A_887, %add3A_889 : vector<16xi32>
      %add3A_891 = arith.constant 1.000000e+00 : f32
      %add3A_892 = vector.broadcast %add3A_891 : f32 to vector<16xf32>
      %add3A_893 = arith.addf %get3A_875, %add3A_892 : vector<16xf32>
      %mul3A_894 = arith.mulf %add3A_893, %get3A_881 : vector<16xf32>
      %convert_element_type3A_895 = arith.fptosi %mul3A_894 : vector<16xf32> to vector<16xi32>
      %add3A_896 = arith.addi %convert_element_type3A_895, %mul3A_15 : vector<16xi32>
      %add3A_897 = arith.constant 7878 : i32
      %add3A_898 = vector.broadcast %add3A_897 : i32 to vector<16xi32>
      %add3A_899 = arith.addi %add3A_896, %add3A_898 : vector<16xi32>
      tpu.vector_store_idx %arg8[%add3A_890], %broadcast_in_dim3A_18 : memref<42016xf32, #tpu.memory_space<vmem>>[vector<16xi32>], vector<16xf32>,
      tpu.vector_store_idx %arg8[%add3A_899], %broadcast_in_dim3A_18 masked %lt3A_17 : memref<42016xf32, #tpu.memory_space<vmem>>[vector<16xi32>], vector<16xf32>, vector<16xi1>
      %mul3A_900 = arith.constant 16 : i32
      %mul3A_901 = arith.muli %add3A_726, %mul3A_900 : i32
      %add3A_902 = arith.constant 4 : i32
      %add3A_903 = arith.addi %mul3A_901, %add3A_902 : i32
      %mul3A_904 = arith.constant 32 : i32
      %mul3A_905 = arith.muli %add3A_903, %mul3A_904 : i32
      %get3A_906 = arith.index_cast %mul3A_905 : i32 to index
      %get3A_907 = tpu.vector_load %arg5[%get3A_906] {strides = array<i32>} : memref<16384xf32, #tpu.memory_space<vmem>>, vector<16xf32>,
      %mul3A_908 = arith.constant 32 : i32
      %mul3A_909 = arith.muli %add3A_903, %mul3A_908 : i32
      %get3A_910 = arith.index_cast %mul3A_909 : i32 to index
      %get3A_911 = tpu.vector_load %arg6[%get3A_910] {strides = array<i32>} : memref<16384xf32, #tpu.memory_space<vmem>>, vector<16xf32>,
      %mul3A_912 = arith.constant 32 : i32
      %mul3A_913 = arith.muli %add3A_903, %mul3A_912 : i32
      %add3A_914 = arith.constant 16 : i32
      %add3A_915 = arith.addi %mul3A_913, %add3A_914 : i32
      %get3A_916 = arith.index_cast %add3A_915 : i32 to index
      %get3A_917 = tpu.vector_load %arg5[%get3A_916] {strides = array<i32>} : memref<16384xf32, #tpu.memory_space<vmem>>, vector<16xf32>,
      %mul3A_918 = arith.constant 32 : i32
      %mul3A_919 = arith.muli %add3A_903, %mul3A_918 : i32
      %add3A_920 = arith.constant 16 : i32
      %add3A_921 = arith.addi %mul3A_919, %add3A_920 : i32
      %get3A_922 = arith.index_cast %add3A_921 : i32 to index
      %get3A_923 = tpu.vector_load %arg6[%get3A_922] {strides = array<i32>} : memref<16384xf32, #tpu.memory_space<vmem>>, vector<16xf32>,
      %add3A_924 = arith.constant 1.000000e+00 : f32
      %add3A_925 = vector.broadcast %add3A_924 : f32 to vector<16xf32>
      %add3A_926 = arith.addf %get3A_907, %add3A_925 : vector<16xf32>
      %mul3A_927 = arith.mulf %add3A_926, %get3A_911 : vector<16xf32>
      %convert_element_type3A_928 = arith.fptosi %mul3A_927 : vector<16xf32> to vector<16xi32>
      %add3A_929 = arith.addi %convert_element_type3A_928, %mul3A_9 : vector<16xi32>
      %add3A_930 = arith.constant 10504 : i32
      %add3A_931 = vector.broadcast %add3A_930 : i32 to vector<16xi32>
      %add3A_932 = arith.addi %add3A_929, %add3A_931 : vector<16xi32>
      %add3A_933 = arith.constant 1.000000e+00 : f32
      %add3A_934 = vector.broadcast %add3A_933 : f32 to vector<16xf32>
      %add3A_935 = arith.addf %get3A_917, %add3A_934 : vector<16xf32>
      %mul3A_936 = arith.mulf %add3A_935, %get3A_923 : vector<16xf32>
      %convert_element_type3A_937 = arith.fptosi %mul3A_936 : vector<16xf32> to vector<16xi32>
      %add3A_938 = arith.addi %convert_element_type3A_937, %mul3A_15 : vector<16xi32>
      %add3A_939 = arith.constant 10504 : i32
      %add3A_940 = vector.broadcast %add3A_939 : i32 to vector<16xi32>
      %add3A_941 = arith.addi %add3A_938, %add3A_940 : vector<16xi32>
      tpu.vector_store_idx %arg8[%add3A_932], %broadcast_in_dim3A_18 : memref<42016xf32, #tpu.memory_space<vmem>>[vector<16xi32>], vector<16xf32>,
      tpu.vector_store_idx %arg8[%add3A_941], %broadcast_in_dim3A_18 masked %lt3A_17 : memref<42016xf32, #tpu.memory_space<vmem>>[vector<16xi32>], vector<16xf32>, vector<16xi1>
      %mul3A_942 = arith.constant 16 : i32
      %mul3A_943 = arith.muli %add3A_726, %mul3A_942 : i32
      %add3A_944 = arith.constant 5 : i32
      %add3A_945 = arith.addi %mul3A_943, %add3A_944 : i32
      %mul3A_946 = arith.constant 32 : i32
      %mul3A_947 = arith.muli %add3A_945, %mul3A_946 : i32
      %get3A_948 = arith.index_cast %mul3A_947 : i32 to index
      %get3A_949 = tpu.vector_load %arg5[%get3A_948] {strides = array<i32>} : memref<16384xf32, #tpu.memory_space<vmem>>, vector<16xf32>,
      %mul3A_950 = arith.constant 32 : i32
      %mul3A_951 = arith.muli %add3A_945, %mul3A_950 : i32
      %get3A_952 = arith.index_cast %mul3A_951 : i32 to index
      %get3A_953 = tpu.vector_load %arg6[%get3A_952] {strides = array<i32>} : memref<16384xf32, #tpu.memory_space<vmem>>, vector<16xf32>,
      %mul3A_954 = arith.constant 32 : i32
      %mul3A_955 = arith.muli %add3A_945, %mul3A_954 : i32
      %add3A_956 = arith.constant 16 : i32
      %add3A_957 = arith.addi %mul3A_955, %add3A_956 : i32
      %get3A_958 = arith.index_cast %add3A_957 : i32 to index
      %get3A_959 = tpu.vector_load %arg5[%get3A_958] {strides = array<i32>} : memref<16384xf32, #tpu.memory_space<vmem>>, vector<16xf32>,
      %mul3A_960 = arith.constant 32 : i32
      %mul3A_961 = arith.muli %add3A_945, %mul3A_960 : i32
      %add3A_962 = arith.constant 16 : i32
      %add3A_963 = arith.addi %mul3A_961, %add3A_962 : i32
      %get3A_964 = arith.index_cast %add3A_963 : i32 to index
      %get3A_965 = tpu.vector_load %arg6[%get3A_964] {strides = array<i32>} : memref<16384xf32, #tpu.memory_space<vmem>>, vector<16xf32>,
      %add3A_966 = arith.constant 1.000000e+00 : f32
      %add3A_967 = vector.broadcast %add3A_966 : f32 to vector<16xf32>
      %add3A_968 = arith.addf %get3A_949, %add3A_967 : vector<16xf32>
      %mul3A_969 = arith.mulf %add3A_968, %get3A_953 : vector<16xf32>
      %convert_element_type3A_970 = arith.fptosi %mul3A_969 : vector<16xf32> to vector<16xi32>
      %add3A_971 = arith.addi %convert_element_type3A_970, %mul3A_9 : vector<16xi32>
      %add3A_972 = arith.constant 13130 : i32
      %add3A_973 = vector.broadcast %add3A_972 : i32 to vector<16xi32>
      %add3A_974 = arith.addi %add3A_971, %add3A_973 : vector<16xi32>
      %add3A_975 = arith.constant 1.000000e+00 : f32
      %add3A_976 = vector.broadcast %add3A_975 : f32 to vector<16xf32>
      %add3A_977 = arith.addf %get3A_959, %add3A_976 : vector<16xf32>
      %mul3A_978 = arith.mulf %add3A_977, %get3A_965 : vector<16xf32>
      %convert_element_type3A_979 = arith.fptosi %mul3A_978 : vector<16xf32> to vector<16xi32>
      %add3A_980 = arith.addi %convert_element_type3A_979, %mul3A_15 : vector<16xi32>
      %add3A_981 = arith.constant 13130 : i32
      %add3A_982 = vector.broadcast %add3A_981 : i32 to vector<16xi32>
      %add3A_983 = arith.addi %add3A_980, %add3A_982 : vector<16xi32>
      tpu.vector_store_idx %arg8[%add3A_974], %broadcast_in_dim3A_18 : memref<42016xf32, #tpu.memory_space<vmem>>[vector<16xi32>], vector<16xf32>,
      tpu.vector_store_idx %arg8[%add3A_983], %broadcast_in_dim3A_18 masked %lt3A_17 : memref<42016xf32, #tpu.memory_space<vmem>>[vector<16xi32>], vector<16xf32>, vector<16xi1>
      %mul3A_984 = arith.constant 16 : i32
      %mul3A_985 = arith.muli %add3A_726, %mul3A_984 : i32
      %add3A_986 = arith.constant 6 : i32
      %add3A_987 = arith.addi %mul3A_985, %add3A_986 : i32
      %mul3A_988 = arith.constant 32 : i32
      %mul3A_989 = arith.muli %add3A_987, %mul3A_988 : i32
      %get3A_990 = arith.index_cast %mul3A_989 : i32 to index
      %get3A_991 = tpu.vector_load %arg5[%get3A_990] {strides = array<i32>} : memref<16384xf32, #tpu.memory_space<vmem>>, vector<16xf32>,
      %mul3A_992 = arith.constant 32 : i32
      %mul3A_993 = arith.muli %add3A_987, %mul3A_992 : i32
      %get3A_994 = arith.index_cast %mul3A_993 : i32 to index
      %get3A_995 = tpu.vector_load %arg6[%get3A_994] {strides = array<i32>} : memref<16384xf32, #tpu.memory_space<vmem>>, vector<16xf32>,
      %mul3A_996 = arith.constant 32 : i32
      %mul3A_997 = arith.muli %add3A_987, %mul3A_996 : i32
      %add3A_998 = arith.constant 16 : i32
      %add3A_999 = arith.addi %mul3A_997, %add3A_998 : i32
      %get3A_1000 = arith.index_cast %add3A_999 : i32 to index
      %get3A_1001 = tpu.vector_load %arg5[%get3A_1000] {strides = array<i32>} : memref<16384xf32, #tpu.memory_space<vmem>>, vector<16xf32>,
      %mul3A_1002 = arith.constant 32 : i32
      %mul3A_1003 = arith.muli %add3A_987, %mul3A_1002 : i32
      %add3A_1004 = arith.constant 16 : i32
      %add3A_1005 = arith.addi %mul3A_1003, %add3A_1004 : i32
      %get3A_1006 = arith.index_cast %add3A_1005 : i32 to index
      %get3A_1007 = tpu.vector_load %arg6[%get3A_1006] {strides = array<i32>} : memref<16384xf32, #tpu.memory_space<vmem>>, vector<16xf32>,
      %add3A_1008 = arith.constant 1.000000e+00 : f32
      %add3A_1009 = vector.broadcast %add3A_1008 : f32 to vector<16xf32>
      %add3A_1010 = arith.addf %get3A_991, %add3A_1009 : vector<16xf32>
      %mul3A_1011 = arith.mulf %add3A_1010, %get3A_995 : vector<16xf32>
      %convert_element_type3A_1012 = arith.fptosi %mul3A_1011 : vector<16xf32> to vector<16xi32>
      %add3A_1013 = arith.addi %convert_element_type3A_1012, %mul3A_9 : vector<16xi32>
      %add3A_1014 = arith.constant 15756 : i32
      %add3A_1015 = vector.broadcast %add3A_1014 : i32 to vector<16xi32>
      %add3A_1016 = arith.addi %add3A_1013, %add3A_1015 : vector<16xi32>
      %add3A_1017 = arith.constant 1.000000e+00 : f32
      %add3A_1018 = vector.broadcast %add3A_1017 : f32 to vector<16xf32>
      %add3A_1019 = arith.addf %get3A_1001, %add3A_1018 : vector<16xf32>
      %mul3A_1020 = arith.mulf %add3A_1019, %get3A_1007 : vector<16xf32>
      %convert_element_type3A_1021 = arith.fptosi %mul3A_1020 : vector<16xf32> to vector<16xi32>
      %add3A_1022 = arith.addi %convert_element_type3A_1021, %mul3A_15 : vector<16xi32>
      %add3A_1023 = arith.constant 15756 : i32
      %add3A_1024 = vector.broadcast %add3A_1023 : i32 to vector<16xi32>
      %add3A_1025 = arith.addi %add3A_1022, %add3A_1024 : vector<16xi32>
      tpu.vector_store_idx %arg8[%add3A_1016], %broadcast_in_dim3A_18 : memref<42016xf32, #tpu.memory_space<vmem>>[vector<16xi32>], vector<16xf32>,
      tpu.vector_store_idx %arg8[%add3A_1025], %broadcast_in_dim3A_18 masked %lt3A_17 : memref<42016xf32, #tpu.memory_space<vmem>>[vector<16xi32>], vector<16xf32>, vector<16xi1>
      %mul3A_1026 = arith.constant 16 : i32
      %mul3A_1027 = arith.muli %add3A_726, %mul3A_1026 : i32
      %add3A_1028 = arith.constant 7 : i32
      %add3A_1029 = arith.addi %mul3A_1027, %add3A_1028 : i32
      %mul3A_1030 = arith.constant 32 : i32
      %mul3A_1031 = arith.muli %add3A_1029, %mul3A_1030 : i32
      %get3A_1032 = arith.index_cast %mul3A_1031 : i32 to index
      %get3A_1033 = tpu.vector_load %arg5[%get3A_1032] {strides = array<i32>} : memref<16384xf32, #tpu.memory_space<vmem>>, vector<16xf32>,
      %mul3A_1034 = arith.constant 32 : i32
      %mul3A_1035 = arith.muli %add3A_1029, %mul3A_1034 : i32
      %get3A_1036 = arith.index_cast %mul3A_1035 : i32 to index
      %get3A_1037 = tpu.vector_load %arg6[%get3A_1036] {strides = array<i32>} : memref<16384xf32, #tpu.memory_space<vmem>>, vector<16xf32>,
      %mul3A_1038 = arith.constant 32 : i32
      %mul3A_1039 = arith.muli %add3A_1029, %mul3A_1038 : i32
      %add3A_1040 = arith.constant 16 : i32
      %add3A_1041 = arith.addi %mul3A_1039, %add3A_1040 : i32
      %get3A_1042 = arith.index_cast %add3A_1041 : i32 to index
      %get3A_1043 = tpu.vector_load %arg5[%get3A_1042] {strides = array<i32>} : memref<16384xf32, #tpu.memory_space<vmem>>, vector<16xf32>,
      %mul3A_1044 = arith.constant 32 : i32
      %mul3A_1045 = arith.muli %add3A_1029, %mul3A_1044 : i32
      %add3A_1046 = arith.constant 16 : i32
      %add3A_1047 = arith.addi %mul3A_1045, %add3A_1046 : i32
      %get3A_1048 = arith.index_cast %add3A_1047 : i32 to index
      %get3A_1049 = tpu.vector_load %arg6[%get3A_1048] {strides = array<i32>} : memref<16384xf32, #tpu.memory_space<vmem>>, vector<16xf32>,
      %add3A_1050 = arith.constant 1.000000e+00 : f32
      %add3A_1051 = vector.broadcast %add3A_1050 : f32 to vector<16xf32>
      %add3A_1052 = arith.addf %get3A_1033, %add3A_1051 : vector<16xf32>
      %mul3A_1053 = arith.mulf %add3A_1052, %get3A_1037 : vector<16xf32>
      %convert_element_type3A_1054 = arith.fptosi %mul3A_1053 : vector<16xf32> to vector<16xi32>
      %add3A_1055 = arith.addi %convert_element_type3A_1054, %mul3A_9 : vector<16xi32>
      %add3A_1056 = arith.constant 18382 : i32
      %add3A_1057 = vector.broadcast %add3A_1056 : i32 to vector<16xi32>
      %add3A_1058 = arith.addi %add3A_1055, %add3A_1057 : vector<16xi32>
      %add3A_1059 = arith.constant 1.000000e+00 : f32
      %add3A_1060 = vector.broadcast %add3A_1059 : f32 to vector<16xf32>
      %add3A_1061 = arith.addf %get3A_1043, %add3A_1060 : vector<16xf32>
      %mul3A_1062 = arith.mulf %add3A_1061, %get3A_1049 : vector<16xf32>
      %convert_element_type3A_1063 = arith.fptosi %mul3A_1062 : vector<16xf32> to vector<16xi32>
      %add3A_1064 = arith.addi %convert_element_type3A_1063, %mul3A_15 : vector<16xi32>
      %add3A_1065 = arith.constant 18382 : i32
      %add3A_1066 = vector.broadcast %add3A_1065 : i32 to vector<16xi32>
      %add3A_1067 = arith.addi %add3A_1064, %add3A_1066 : vector<16xi32>
      tpu.vector_store_idx %arg8[%add3A_1058], %broadcast_in_dim3A_18 : memref<42016xf32, #tpu.memory_space<vmem>>[vector<16xi32>], vector<16xf32>,
      tpu.vector_store_idx %arg8[%add3A_1067], %broadcast_in_dim3A_18 masked %lt3A_17 : memref<42016xf32, #tpu.memory_space<vmem>>[vector<16xi32>], vector<16xf32>, vector<16xi1>
      %mul3A_1068 = arith.constant 16 : i32
      %mul3A_1069 = arith.muli %add3A_726, %mul3A_1068 : i32
      %add3A_1070 = arith.constant 8 : i32
      %add3A_1071 = arith.addi %mul3A_1069, %add3A_1070 : i32
      %mul3A_1072 = arith.constant 32 : i32
      %mul3A_1073 = arith.muli %add3A_1071, %mul3A_1072 : i32
      %get3A_1074 = arith.index_cast %mul3A_1073 : i32 to index
      %get3A_1075 = tpu.vector_load %arg5[%get3A_1074] {strides = array<i32>} : memref<16384xf32, #tpu.memory_space<vmem>>, vector<16xf32>,
      %mul3A_1076 = arith.constant 32 : i32
      %mul3A_1077 = arith.muli %add3A_1071, %mul3A_1076 : i32
      %get3A_1078 = arith.index_cast %mul3A_1077 : i32 to index
      %get3A_1079 = tpu.vector_load %arg6[%get3A_1078] {strides = array<i32>} : memref<16384xf32, #tpu.memory_space<vmem>>, vector<16xf32>,
      %mul3A_1080 = arith.constant 32 : i32
      %mul3A_1081 = arith.muli %add3A_1071, %mul3A_1080 : i32
      %add3A_1082 = arith.constant 16 : i32
      %add3A_1083 = arith.addi %mul3A_1081, %add3A_1082 : i32
      %get3A_1084 = arith.index_cast %add3A_1083 : i32 to index
      %get3A_1085 = tpu.vector_load %arg5[%get3A_1084] {strides = array<i32>} : memref<16384xf32, #tpu.memory_space<vmem>>, vector<16xf32>,
      %mul3A_1086 = arith.constant 32 : i32
      %mul3A_1087 = arith.muli %add3A_1071, %mul3A_1086 : i32
      %add3A_1088 = arith.constant 16 : i32
      %add3A_1089 = arith.addi %mul3A_1087, %add3A_1088 : i32
      %get3A_1090 = arith.index_cast %add3A_1089 : i32 to index
      %get3A_1091 = tpu.vector_load %arg6[%get3A_1090] {strides = array<i32>} : memref<16384xf32, #tpu.memory_space<vmem>>, vector<16xf32>,
      %add3A_1092 = arith.constant 1.000000e+00 : f32
      %add3A_1093 = vector.broadcast %add3A_1092 : f32 to vector<16xf32>
      %add3A_1094 = arith.addf %get3A_1075, %add3A_1093 : vector<16xf32>
      %mul3A_1095 = arith.mulf %add3A_1094, %get3A_1079 : vector<16xf32>
      %convert_element_type3A_1096 = arith.fptosi %mul3A_1095 : vector<16xf32> to vector<16xi32>
      %add3A_1097 = arith.addi %convert_element_type3A_1096, %mul3A_9 : vector<16xi32>
      %add3A_1098 = arith.constant 21008 : i32
      %add3A_1099 = vector.broadcast %add3A_1098 : i32 to vector<16xi32>
      %add3A_1100 = arith.addi %add3A_1097, %add3A_1099 : vector<16xi32>
      %add3A_1101 = arith.constant 1.000000e+00 : f32
      %add3A_1102 = vector.broadcast %add3A_1101 : f32 to vector<16xf32>
      %add3A_1103 = arith.addf %get3A_1085, %add3A_1102 : vector<16xf32>
      %mul3A_1104 = arith.mulf %add3A_1103, %get3A_1091 : vector<16xf32>
      %convert_element_type3A_1105 = arith.fptosi %mul3A_1104 : vector<16xf32> to vector<16xi32>
      %add3A_1106 = arith.addi %convert_element_type3A_1105, %mul3A_15 : vector<16xi32>
      %add3A_1107 = arith.constant 21008 : i32
      %add3A_1108 = vector.broadcast %add3A_1107 : i32 to vector<16xi32>
      %add3A_1109 = arith.addi %add3A_1106, %add3A_1108 : vector<16xi32>
      tpu.vector_store_idx %arg8[%add3A_1100], %broadcast_in_dim3A_18 : memref<42016xf32, #tpu.memory_space<vmem>>[vector<16xi32>], vector<16xf32>,
      tpu.vector_store_idx %arg8[%add3A_1109], %broadcast_in_dim3A_18 masked %lt3A_17 : memref<42016xf32, #tpu.memory_space<vmem>>[vector<16xi32>], vector<16xf32>, vector<16xi1>
      %mul3A_1110 = arith.constant 16 : i32
      %mul3A_1111 = arith.muli %add3A_726, %mul3A_1110 : i32
      %add3A_1112 = arith.constant 9 : i32
      %add3A_1113 = arith.addi %mul3A_1111, %add3A_1112 : i32
      %mul3A_1114 = arith.constant 32 : i32
      %mul3A_1115 = arith.muli %add3A_1113, %mul3A_1114 : i32
      %get3A_1116 = arith.index_cast %mul3A_1115 : i32 to index
      %get3A_1117 = tpu.vector_load %arg5[%get3A_1116] {strides = array<i32>} : memref<16384xf32, #tpu.memory_space<vmem>>, vector<16xf32>,
      %mul3A_1118 = arith.constant 32 : i32
      %mul3A_1119 = arith.muli %add3A_1113, %mul3A_1118 : i32
      %get3A_1120 = arith.index_cast %mul3A_1119 : i32 to index
      %get3A_1121 = tpu.vector_load %arg6[%get3A_1120] {strides = array<i32>} : memref<16384xf32, #tpu.memory_space<vmem>>, vector<16xf32>,
      %mul3A_1122 = arith.constant 32 : i32
      %mul3A_1123 = arith.muli %add3A_1113, %mul3A_1122 : i32
      %add3A_1124 = arith.constant 16 : i32
      %add3A_1125 = arith.addi %mul3A_1123, %add3A_1124 : i32
      %get3A_1126 = arith.index_cast %add3A_1125 : i32 to index
      %get3A_1127 = tpu.vector_load %arg5[%get3A_1126] {strides = array<i32>} : memref<16384xf32, #tpu.memory_space<vmem>>, vector<16xf32>,
      %mul3A_1128 = arith.constant 32 : i32
      %mul3A_1129 = arith.muli %add3A_1113, %mul3A_1128 : i32
      %add3A_1130 = arith.constant 16 : i32
      %add3A_1131 = arith.addi %mul3A_1129, %add3A_1130 : i32
      %get3A_1132 = arith.index_cast %add3A_1131 : i32 to index
      %get3A_1133 = tpu.vector_load %arg6[%get3A_1132] {strides = array<i32>} : memref<16384xf32, #tpu.memory_space<vmem>>, vector<16xf32>,
      %add3A_1134 = arith.constant 1.000000e+00 : f32
      %add3A_1135 = vector.broadcast %add3A_1134 : f32 to vector<16xf32>
      %add3A_1136 = arith.addf %get3A_1117, %add3A_1135 : vector<16xf32>
      %mul3A_1137 = arith.mulf %add3A_1136, %get3A_1121 : vector<16xf32>
      %convert_element_type3A_1138 = arith.fptosi %mul3A_1137 : vector<16xf32> to vector<16xi32>
      %add3A_1139 = arith.addi %convert_element_type3A_1138, %mul3A_9 : vector<16xi32>
      %add3A_1140 = arith.constant 23634 : i32
      %add3A_1141 = vector.broadcast %add3A_1140 : i32 to vector<16xi32>
      %add3A_1142 = arith.addi %add3A_1139, %add3A_1141 : vector<16xi32>
      %add3A_1143 = arith.constant 1.000000e+00 : f32
      %add3A_1144 = vector.broadcast %add3A_1143 : f32 to vector<16xf32>
      %add3A_1145 = arith.addf %get3A_1127, %add3A_1144 : vector<16xf32>
      %mul3A_1146 = arith.mulf %add3A_1145, %get3A_1133 : vector<16xf32>
      %convert_element_type3A_1147 = arith.fptosi %mul3A_1146 : vector<16xf32> to vector<16xi32>
      %add3A_1148 = arith.addi %convert_element_type3A_1147, %mul3A_15 : vector<16xi32>
      %add3A_1149 = arith.constant 23634 : i32
      %add3A_1150 = vector.broadcast %add3A_1149 : i32 to vector<16xi32>
      %add3A_1151 = arith.addi %add3A_1148, %add3A_1150 : vector<16xi32>
      tpu.vector_store_idx %arg8[%add3A_1142], %broadcast_in_dim3A_18 : memref<42016xf32, #tpu.memory_space<vmem>>[vector<16xi32>], vector<16xf32>,
      tpu.vector_store_idx %arg8[%add3A_1151], %broadcast_in_dim3A_18 masked %lt3A_17 : memref<42016xf32, #tpu.memory_space<vmem>>[vector<16xi32>], vector<16xf32>, vector<16xi1>
      %mul3A_1152 = arith.constant 16 : i32
      %mul3A_1153 = arith.muli %add3A_726, %mul3A_1152 : i32
      %add3A_1154 = arith.constant 10 : i32
      %add3A_1155 = arith.addi %mul3A_1153, %add3A_1154 : i32
      %mul3A_1156 = arith.constant 32 : i32
      %mul3A_1157 = arith.muli %add3A_1155, %mul3A_1156 : i32
      %get3A_1158 = arith.index_cast %mul3A_1157 : i32 to index
      %get3A_1159 = tpu.vector_load %arg5[%get3A_1158] {strides = array<i32>} : memref<16384xf32, #tpu.memory_space<vmem>>, vector<16xf32>,
      %mul3A_1160 = arith.constant 32 : i32
      %mul3A_1161 = arith.muli %add3A_1155, %mul3A_1160 : i32
      %get3A_1162 = arith.index_cast %mul3A_1161 : i32 to index
      %get3A_1163 = tpu.vector_load %arg6[%get3A_1162] {strides = array<i32>} : memref<16384xf32, #tpu.memory_space<vmem>>, vector<16xf32>,
      %mul3A_1164 = arith.constant 32 : i32
      %mul3A_1165 = arith.muli %add3A_1155, %mul3A_1164 : i32
      %add3A_1166 = arith.constant 16 : i32
      %add3A_1167 = arith.addi %mul3A_1165, %add3A_1166 : i32
      %get3A_1168 = arith.index_cast %add3A_1167 : i32 to index
      %get3A_1169 = tpu.vector_load %arg5[%get3A_1168] {strides = array<i32>} : memref<16384xf32, #tpu.memory_space<vmem>>, vector<16xf32>,
      %mul3A_1170 = arith.constant 32 : i32
      %mul3A_1171 = arith.muli %add3A_1155, %mul3A_1170 : i32
      %add3A_1172 = arith.constant 16 : i32
      %add3A_1173 = arith.addi %mul3A_1171, %add3A_1172 : i32
      %get3A_1174 = arith.index_cast %add3A_1173 : i32 to index
      %get3A_1175 = tpu.vector_load %arg6[%get3A_1174] {strides = array<i32>} : memref<16384xf32, #tpu.memory_space<vmem>>, vector<16xf32>,
      %add3A_1176 = arith.constant 1.000000e+00 : f32
      %add3A_1177 = vector.broadcast %add3A_1176 : f32 to vector<16xf32>
      %add3A_1178 = arith.addf %get3A_1159, %add3A_1177 : vector<16xf32>
      %mul3A_1179 = arith.mulf %add3A_1178, %get3A_1163 : vector<16xf32>
      %convert_element_type3A_1180 = arith.fptosi %mul3A_1179 : vector<16xf32> to vector<16xi32>
      %add3A_1181 = arith.addi %convert_element_type3A_1180, %mul3A_9 : vector<16xi32>
      %add3A_1182 = arith.constant 26260 : i32
      %add3A_1183 = vector.broadcast %add3A_1182 : i32 to vector<16xi32>
      %add3A_1184 = arith.addi %add3A_1181, %add3A_1183 : vector<16xi32>
      %add3A_1185 = arith.constant 1.000000e+00 : f32
      %add3A_1186 = vector.broadcast %add3A_1185 : f32 to vector<16xf32>
      %add3A_1187 = arith.addf %get3A_1169, %add3A_1186 : vector<16xf32>
      %mul3A_1188 = arith.mulf %add3A_1187, %get3A_1175 : vector<16xf32>
      %convert_element_type3A_1189 = arith.fptosi %mul3A_1188 : vector<16xf32> to vector<16xi32>
      %add3A_1190 = arith.addi %convert_element_type3A_1189, %mul3A_15 : vector<16xi32>
      %add3A_1191 = arith.constant 26260 : i32
      %add3A_1192 = vector.broadcast %add3A_1191 : i32 to vector<16xi32>
      %add3A_1193 = arith.addi %add3A_1190, %add3A_1192 : vector<16xi32>
      tpu.vector_store_idx %arg8[%add3A_1184], %broadcast_in_dim3A_18 : memref<42016xf32, #tpu.memory_space<vmem>>[vector<16xi32>], vector<16xf32>,
      tpu.vector_store_idx %arg8[%add3A_1193], %broadcast_in_dim3A_18 masked %lt3A_17 : memref<42016xf32, #tpu.memory_space<vmem>>[vector<16xi32>], vector<16xf32>, vector<16xi1>
      %mul3A_1194 = arith.constant 16 : i32
      %mul3A_1195 = arith.muli %add3A_726, %mul3A_1194 : i32
      %add3A_1196 = arith.constant 11 : i32
      %add3A_1197 = arith.addi %mul3A_1195, %add3A_1196 : i32
      %mul3A_1198 = arith.constant 32 : i32
      %mul3A_1199 = arith.muli %add3A_1197, %mul3A_1198 : i32
      %get3A_1200 = arith.index_cast %mul3A_1199 : i32 to index
      %get3A_1201 = tpu.vector_load %arg5[%get3A_1200] {strides = array<i32>} : memref<16384xf32, #tpu.memory_space<vmem>>, vector<16xf32>,
      %mul3A_1202 = arith.constant 32 : i32
      %mul3A_1203 = arith.muli %add3A_1197, %mul3A_1202 : i32
      %get3A_1204 = arith.index_cast %mul3A_1203 : i32 to index
      %get3A_1205 = tpu.vector_load %arg6[%get3A_1204] {strides = array<i32>} : memref<16384xf32, #tpu.memory_space<vmem>>, vector<16xf32>,
      %mul3A_1206 = arith.constant 32 : i32
      %mul3A_1207 = arith.muli %add3A_1197, %mul3A_1206 : i32
      %add3A_1208 = arith.constant 16 : i32
      %add3A_1209 = arith.addi %mul3A_1207, %add3A_1208 : i32
      %get3A_1210 = arith.index_cast %add3A_1209 : i32 to index
      %get3A_1211 = tpu.vector_load %arg5[%get3A_1210] {strides = array<i32>} : memref<16384xf32, #tpu.memory_space<vmem>>, vector<16xf32>,
      %mul3A_1212 = arith.constant 32 : i32
      %mul3A_1213 = arith.muli %add3A_1197, %mul3A_1212 : i32
      %add3A_1214 = arith.constant 16 : i32
      %add3A_1215 = arith.addi %mul3A_1213, %add3A_1214 : i32
      %get3A_1216 = arith.index_cast %add3A_1215 : i32 to index
      %get3A_1217 = tpu.vector_load %arg6[%get3A_1216] {strides = array<i32>} : memref<16384xf32, #tpu.memory_space<vmem>>, vector<16xf32>,
      %add3A_1218 = arith.constant 1.000000e+00 : f32
      %add3A_1219 = vector.broadcast %add3A_1218 : f32 to vector<16xf32>
      %add3A_1220 = arith.addf %get3A_1201, %add3A_1219 : vector<16xf32>
      %mul3A_1221 = arith.mulf %add3A_1220, %get3A_1205 : vector<16xf32>
      %convert_element_type3A_1222 = arith.fptosi %mul3A_1221 : vector<16xf32> to vector<16xi32>
      %add3A_1223 = arith.addi %convert_element_type3A_1222, %mul3A_9 : vector<16xi32>
      %add3A_1224 = arith.constant 28886 : i32
      %add3A_1225 = vector.broadcast %add3A_1224 : i32 to vector<16xi32>
      %add3A_1226 = arith.addi %add3A_1223, %add3A_1225 : vector<16xi32>
      %add3A_1227 = arith.constant 1.000000e+00 : f32
      %add3A_1228 = vector.broadcast %add3A_1227 : f32 to vector<16xf32>
      %add3A_1229 = arith.addf %get3A_1211, %add3A_1228 : vector<16xf32>
      %mul3A_1230 = arith.mulf %add3A_1229, %get3A_1217 : vector<16xf32>
      %convert_element_type3A_1231 = arith.fptosi %mul3A_1230 : vector<16xf32> to vector<16xi32>
      %add3A_1232 = arith.addi %convert_element_type3A_1231, %mul3A_15 : vector<16xi32>
      %add3A_1233 = arith.constant 28886 : i32
      %add3A_1234 = vector.broadcast %add3A_1233 : i32 to vector<16xi32>
      %add3A_1235 = arith.addi %add3A_1232, %add3A_1234 : vector<16xi32>
      tpu.vector_store_idx %arg8[%add3A_1226], %broadcast_in_dim3A_18 : memref<42016xf32, #tpu.memory_space<vmem>>[vector<16xi32>], vector<16xf32>,
      tpu.vector_store_idx %arg8[%add3A_1235], %broadcast_in_dim3A_18 masked %lt3A_17 : memref<42016xf32, #tpu.memory_space<vmem>>[vector<16xi32>], vector<16xf32>, vector<16xi1>
      %mul3A_1236 = arith.constant 16 : i32
      %mul3A_1237 = arith.muli %add3A_726, %mul3A_1236 : i32
      %add3A_1238 = arith.constant 12 : i32
      %add3A_1239 = arith.addi %mul3A_1237, %add3A_1238 : i32
      %mul3A_1240 = arith.constant 32 : i32
      %mul3A_1241 = arith.muli %add3A_1239, %mul3A_1240 : i32
      %get3A_1242 = arith.index_cast %mul3A_1241 : i32 to index
      %get3A_1243 = tpu.vector_load %arg5[%get3A_1242] {strides = array<i32>} : memref<16384xf32, #tpu.memory_space<vmem>>, vector<16xf32>,
      %mul3A_1244 = arith.constant 32 : i32
      %mul3A_1245 = arith.muli %add3A_1239, %mul3A_1244 : i32
      %get3A_1246 = arith.index_cast %mul3A_1245 : i32 to index
      %get3A_1247 = tpu.vector_load %arg6[%get3A_1246] {strides = array<i32>} : memref<16384xf32, #tpu.memory_space<vmem>>, vector<16xf32>,
      %mul3A_1248 = arith.constant 32 : i32
      %mul3A_1249 = arith.muli %add3A_1239, %mul3A_1248 : i32
      %add3A_1250 = arith.constant 16 : i32
      %add3A_1251 = arith.addi %mul3A_1249, %add3A_1250 : i32
      %get3A_1252 = arith.index_cast %add3A_1251 : i32 to index
      %get3A_1253 = tpu.vector_load %arg5[%get3A_1252] {strides = array<i32>} : memref<16384xf32, #tpu.memory_space<vmem>>, vector<16xf32>,
      %mul3A_1254 = arith.constant 32 : i32
      %mul3A_1255 = arith.muli %add3A_1239, %mul3A_1254 : i32
      %add3A_1256 = arith.constant 16 : i32
      %add3A_1257 = arith.addi %mul3A_1255, %add3A_1256 : i32
      %get3A_1258 = arith.index_cast %add3A_1257 : i32 to index
      %get3A_1259 = tpu.vector_load %arg6[%get3A_1258] {strides = array<i32>} : memref<16384xf32, #tpu.memory_space<vmem>>, vector<16xf32>,
      %add3A_1260 = arith.constant 1.000000e+00 : f32
      %add3A_1261 = vector.broadcast %add3A_1260 : f32 to vector<16xf32>
      %add3A_1262 = arith.addf %get3A_1243, %add3A_1261 : vector<16xf32>
      %mul3A_1263 = arith.mulf %add3A_1262, %get3A_1247 : vector<16xf32>
      %convert_element_type3A_1264 = arith.fptosi %mul3A_1263 : vector<16xf32> to vector<16xi32>
      %add3A_1265 = arith.addi %convert_element_type3A_1264, %mul3A_9 : vector<16xi32>
      %add3A_1266 = arith.constant 31512 : i32
      %add3A_1267 = vector.broadcast %add3A_1266 : i32 to vector<16xi32>
      %add3A_1268 = arith.addi %add3A_1265, %add3A_1267 : vector<16xi32>
      %add3A_1269 = arith.constant 1.000000e+00 : f32
      %add3A_1270 = vector.broadcast %add3A_1269 : f32 to vector<16xf32>
      %add3A_1271 = arith.addf %get3A_1253, %add3A_1270 : vector<16xf32>
      %mul3A_1272 = arith.mulf %add3A_1271, %get3A_1259 : vector<16xf32>
      %convert_element_type3A_1273 = arith.fptosi %mul3A_1272 : vector<16xf32> to vector<16xi32>
      %add3A_1274 = arith.addi %convert_element_type3A_1273, %mul3A_15 : vector<16xi32>
      %add3A_1275 = arith.constant 31512 : i32
      %add3A_1276 = vector.broadcast %add3A_1275 : i32 to vector<16xi32>
      %add3A_1277 = arith.addi %add3A_1274, %add3A_1276 : vector<16xi32>
      tpu.vector_store_idx %arg8[%add3A_1268], %broadcast_in_dim3A_18 : memref<42016xf32, #tpu.memory_space<vmem>>[vector<16xi32>], vector<16xf32>,
      tpu.vector_store_idx %arg8[%add3A_1277], %broadcast_in_dim3A_18 masked %lt3A_17 : memref<42016xf32, #tpu.memory_space<vmem>>[vector<16xi32>], vector<16xf32>, vector<16xi1>
      %mul3A_1278 = arith.constant 16 : i32
      %mul3A_1279 = arith.muli %add3A_726, %mul3A_1278 : i32
      %add3A_1280 = arith.constant 13 : i32
      %add3A_1281 = arith.addi %mul3A_1279, %add3A_1280 : i32
      %mul3A_1282 = arith.constant 32 : i32
      %mul3A_1283 = arith.muli %add3A_1281, %mul3A_1282 : i32
      %get3A_1284 = arith.index_cast %mul3A_1283 : i32 to index
      %get3A_1285 = tpu.vector_load %arg5[%get3A_1284] {strides = array<i32>} : memref<16384xf32, #tpu.memory_space<vmem>>, vector<16xf32>,
      %mul3A_1286 = arith.constant 32 : i32
      %mul3A_1287 = arith.muli %add3A_1281, %mul3A_1286 : i32
      %get3A_1288 = arith.index_cast %mul3A_1287 : i32 to index
      %get3A_1289 = tpu.vector_load %arg6[%get3A_1288] {strides = array<i32>} : memref<16384xf32, #tpu.memory_space<vmem>>, vector<16xf32>,
      %mul3A_1290 = arith.constant 32 : i32
      %mul3A_1291 = arith.muli %add3A_1281, %mul3A_1290 : i32
      %add3A_1292 = arith.constant 16 : i32
      %add3A_1293 = arith.addi %mul3A_1291, %add3A_1292 : i32
      %get3A_1294 = arith.index_cast %add3A_1293 : i32 to index
      %get3A_1295 = tpu.vector_load %arg5[%get3A_1294] {strides = array<i32>} : memref<16384xf32, #tpu.memory_space<vmem>>, vector<16xf32>,
      %mul3A_1296 = arith.constant 32 : i32
      %mul3A_1297 = arith.muli %add3A_1281, %mul3A_1296 : i32
      %add3A_1298 = arith.constant 16 : i32
      %add3A_1299 = arith.addi %mul3A_1297, %add3A_1298 : i32
      %get3A_1300 = arith.index_cast %add3A_1299 : i32 to index
      %get3A_1301 = tpu.vector_load %arg6[%get3A_1300] {strides = array<i32>} : memref<16384xf32, #tpu.memory_space<vmem>>, vector<16xf32>,
      %add3A_1302 = arith.constant 1.000000e+00 : f32
      %add3A_1303 = vector.broadcast %add3A_1302 : f32 to vector<16xf32>
      %add3A_1304 = arith.addf %get3A_1285, %add3A_1303 : vector<16xf32>
      %mul3A_1305 = arith.mulf %add3A_1304, %get3A_1289 : vector<16xf32>
      %convert_element_type3A_1306 = arith.fptosi %mul3A_1305 : vector<16xf32> to vector<16xi32>
      %add3A_1307 = arith.addi %convert_element_type3A_1306, %mul3A_9 : vector<16xi32>
      %add3A_1308 = arith.constant 34138 : i32
      %add3A_1309 = vector.broadcast %add3A_1308 : i32 to vector<16xi32>
      %add3A_1310 = arith.addi %add3A_1307, %add3A_1309 : vector<16xi32>
      %add3A_1311 = arith.constant 1.000000e+00 : f32
      %add3A_1312 = vector.broadcast %add3A_1311 : f32 to vector<16xf32>
      %add3A_1313 = arith.addf %get3A_1295, %add3A_1312 : vector<16xf32>
      %mul3A_1314 = arith.mulf %add3A_1313, %get3A_1301 : vector<16xf32>
      %convert_element_type3A_1315 = arith.fptosi %mul3A_1314 : vector<16xf32> to vector<16xi32>
      %add3A_1316 = arith.addi %convert_element_type3A_1315, %mul3A_15 : vector<16xi32>
      %add3A_1317 = arith.constant 34138 : i32
      %add3A_1318 = vector.broadcast %add3A_1317 : i32 to vector<16xi32>
      %add3A_1319 = arith.addi %add3A_1316, %add3A_1318 : vector<16xi32>
      tpu.vector_store_idx %arg8[%add3A_1310], %broadcast_in_dim3A_18 : memref<42016xf32, #tpu.memory_space<vmem>>[vector<16xi32>], vector<16xf32>,
      tpu.vector_store_idx %arg8[%add3A_1319], %broadcast_in_dim3A_18 masked %lt3A_17 : memref<42016xf32, #tpu.memory_space<vmem>>[vector<16xi32>], vector<16xf32>, vector<16xi1>
      %mul3A_1320 = arith.constant 16 : i32
      %mul3A_1321 = arith.muli %add3A_726, %mul3A_1320 : i32
      %add3A_1322 = arith.constant 14 : i32
      %add3A_1323 = arith.addi %mul3A_1321, %add3A_1322 : i32
      %mul3A_1324 = arith.constant 32 : i32
      %mul3A_1325 = arith.muli %add3A_1323, %mul3A_1324 : i32
      %get3A_1326 = arith.index_cast %mul3A_1325 : i32 to index
      %get3A_1327 = tpu.vector_load %arg5[%get3A_1326] {strides = array<i32>} : memref<16384xf32, #tpu.memory_space<vmem>>, vector<16xf32>,
      %mul3A_1328 = arith.constant 32 : i32
      %mul3A_1329 = arith.muli %add3A_1323, %mul3A_1328 : i32
      %get3A_1330 = arith.index_cast %mul3A_1329 : i32 to index
      %get3A_1331 = tpu.vector_load %arg6[%get3A_1330] {strides = array<i32>} : memref<16384xf32, #tpu.memory_space<vmem>>, vector<16xf32>,
      %mul3A_1332 = arith.constant 32 : i32
      %mul3A_1333 = arith.muli %add3A_1323, %mul3A_1332 : i32
      %add3A_1334 = arith.constant 16 : i32
      %add3A_1335 = arith.addi %mul3A_1333, %add3A_1334 : i32
      %get3A_1336 = arith.index_cast %add3A_1335 : i32 to index
      %get3A_1337 = tpu.vector_load %arg5[%get3A_1336] {strides = array<i32>} : memref<16384xf32, #tpu.memory_space<vmem>>, vector<16xf32>,
      %mul3A_1338 = arith.constant 32 : i32
      %mul3A_1339 = arith.muli %add3A_1323, %mul3A_1338 : i32
      %add3A_1340 = arith.constant 16 : i32
      %add3A_1341 = arith.addi %mul3A_1339, %add3A_1340 : i32
      %get3A_1342 = arith.index_cast %add3A_1341 : i32 to index
      %get3A_1343 = tpu.vector_load %arg6[%get3A_1342] {strides = array<i32>} : memref<16384xf32, #tpu.memory_space<vmem>>, vector<16xf32>,
      %add3A_1344 = arith.constant 1.000000e+00 : f32
      %add3A_1345 = vector.broadcast %add3A_1344 : f32 to vector<16xf32>
      %add3A_1346 = arith.addf %get3A_1327, %add3A_1345 : vector<16xf32>
      %mul3A_1347 = arith.mulf %add3A_1346, %get3A_1331 : vector<16xf32>
      %convert_element_type3A_1348 = arith.fptosi %mul3A_1347 : vector<16xf32> to vector<16xi32>
      %add3A_1349 = arith.addi %convert_element_type3A_1348, %mul3A_9 : vector<16xi32>
      %add3A_1350 = arith.constant 36764 : i32
      %add3A_1351 = vector.broadcast %add3A_1350 : i32 to vector<16xi32>
      %add3A_1352 = arith.addi %add3A_1349, %add3A_1351 : vector<16xi32>
      %add3A_1353 = arith.constant 1.000000e+00 : f32
      %add3A_1354 = vector.broadcast %add3A_1353 : f32 to vector<16xf32>
      %add3A_1355 = arith.addf %get3A_1337, %add3A_1354 : vector<16xf32>
      %mul3A_1356 = arith.mulf %add3A_1355, %get3A_1343 : vector<16xf32>
      %convert_element_type3A_1357 = arith.fptosi %mul3A_1356 : vector<16xf32> to vector<16xi32>
      %add3A_1358 = arith.addi %convert_element_type3A_1357, %mul3A_15 : vector<16xi32>
      %add3A_1359 = arith.constant 36764 : i32
      %add3A_1360 = vector.broadcast %add3A_1359 : i32 to vector<16xi32>
      %add3A_1361 = arith.addi %add3A_1358, %add3A_1360 : vector<16xi32>
      tpu.vector_store_idx %arg8[%add3A_1352], %broadcast_in_dim3A_18 : memref<42016xf32, #tpu.memory_space<vmem>>[vector<16xi32>], vector<16xf32>,
      tpu.vector_store_idx %arg8[%add3A_1361], %broadcast_in_dim3A_18 masked %lt3A_17 : memref<42016xf32, #tpu.memory_space<vmem>>[vector<16xi32>], vector<16xf32>, vector<16xi1>
      %mul3A_1362 = arith.constant 16 : i32
      %mul3A_1363 = arith.muli %add3A_726, %mul3A_1362 : i32
      %add3A_1364 = arith.constant 15 : i32
      %add3A_1365 = arith.addi %mul3A_1363, %add3A_1364 : i32
      %mul3A_1366 = arith.constant 32 : i32
      %mul3A_1367 = arith.muli %add3A_1365, %mul3A_1366 : i32
      %get3A_1368 = arith.index_cast %mul3A_1367 : i32 to index
      %get3A_1369 = tpu.vector_load %arg5[%get3A_1368] {strides = array<i32>} : memref<16384xf32, #tpu.memory_space<vmem>>, vector<16xf32>,
      %mul3A_1370 = arith.constant 32 : i32
      %mul3A_1371 = arith.muli %add3A_1365, %mul3A_1370 : i32
      %get3A_1372 = arith.index_cast %mul3A_1371 : i32 to index
      %get3A_1373 = tpu.vector_load %arg6[%get3A_1372] {strides = array<i32>} : memref<16384xf32, #tpu.memory_space<vmem>>, vector<16xf32>,
      %mul3A_1374 = arith.constant 32 : i32
      %mul3A_1375 = arith.muli %add3A_1365, %mul3A_1374 : i32
      %add3A_1376 = arith.constant 16 : i32
      %add3A_1377 = arith.addi %mul3A_1375, %add3A_1376 : i32
      %get3A_1378 = arith.index_cast %add3A_1377 : i32 to index
      %get3A_1379 = tpu.vector_load %arg5[%get3A_1378] {strides = array<i32>} : memref<16384xf32, #tpu.memory_space<vmem>>, vector<16xf32>,
      %mul3A_1380 = arith.constant 32 : i32
      %mul3A_1381 = arith.muli %add3A_1365, %mul3A_1380 : i32
      %add3A_1382 = arith.constant 16 : i32
      %add3A_1383 = arith.addi %mul3A_1381, %add3A_1382 : i32
      %get3A_1384 = arith.index_cast %add3A_1383 : i32 to index
      %get3A_1385 = tpu.vector_load %arg6[%get3A_1384] {strides = array<i32>} : memref<16384xf32, #tpu.memory_space<vmem>>, vector<16xf32>,
      %add3A_1386 = arith.constant 1.000000e+00 : f32
      %add3A_1387 = vector.broadcast %add3A_1386 : f32 to vector<16xf32>
      %add3A_1388 = arith.addf %get3A_1369, %add3A_1387 : vector<16xf32>
      %mul3A_1389 = arith.mulf %add3A_1388, %get3A_1373 : vector<16xf32>
      %convert_element_type3A_1390 = arith.fptosi %mul3A_1389 : vector<16xf32> to vector<16xi32>
      %add3A_1391 = arith.addi %convert_element_type3A_1390, %mul3A_9 : vector<16xi32>
      %add3A_1392 = arith.constant 39390 : i32
      %add3A_1393 = vector.broadcast %add3A_1392 : i32 to vector<16xi32>
      %add3A_1394 = arith.addi %add3A_1391, %add3A_1393 : vector<16xi32>
      %add3A_1395 = arith.constant 1.000000e+00 : f32
      %add3A_1396 = vector.broadcast %add3A_1395 : f32 to vector<16xf32>
      %add3A_1397 = arith.addf %get3A_1379, %add3A_1396 : vector<16xf32>
      %mul3A_1398 = arith.mulf %add3A_1397, %get3A_1385 : vector<16xf32>
      %convert_element_type3A_1399 = arith.fptosi %mul3A_1398 : vector<16xf32> to vector<16xi32>
      %add3A_1400 = arith.addi %convert_element_type3A_1399, %mul3A_15 : vector<16xi32>
      %add3A_1401 = arith.constant 39390 : i32
      %add3A_1402 = vector.broadcast %add3A_1401 : i32 to vector<16xi32>
      %add3A_1403 = arith.addi %add3A_1400, %add3A_1402 : vector<16xi32>
      tpu.vector_store_idx %arg8[%add3A_1394], %broadcast_in_dim3A_18 : memref<42016xf32, #tpu.memory_space<vmem>>[vector<16xi32>], vector<16xf32>,
      tpu.vector_store_idx %arg8[%add3A_1403], %broadcast_in_dim3A_18 masked %lt3A_17 : memref<42016xf32, #tpu.memory_space<vmem>>[vector<16xi32>], vector<16xf32>, vector<16xi1>
      %mul3A_1404 = arith.constant 16 : i32
      %mul3A_1405 = arith.muli %add3A_726, %mul3A_1404 : i32
      %add3A_1406 = arith.addi %mul3A_2, %mul3A_1405 : i32
      %mul3A_1407 = arith.constant 2626 : i32
      %mul3A_1408 = arith.muli %add3A_1406, %mul3A_1407 : i32
      %dma_start3A_1409 = tpu.memref_slice %arg4[%mul3A_1408] : memref<43024384xf32, #tpu.memory_space<hbm>> -> memref<42016xf32, #tpu.memory_space<hbm>>
      %dma_start3A_1410 = tpu.memref_slice %arg4[%mul3A_1408] : memref<43024384xf32, #tpu.memory_space<hbm>> -> memref<42016xf32, #tpu.memory_space<hbm>>
      tpu.enqueue_dma source(%arg8 : memref<42016xf32, #tpu.memory_space<vmem>>) target(%dma_start3A_1410 : memref<42016xf32, #tpu.memory_space<hbm>>) target_semaphore(%arg10 : memref<!tpu.dma_semaphore, #tpu.memory_space<semaphore_mem>>)
    }
    %scan3A_31 = arith.constant 16 : i32
    %dma_wait3A = arith.constant 0 : i32
    %dma_wait3A_32 = tpu.memref_slice %arg4[%dma_wait3A] : memref<43024384xf32, #tpu.memory_space<hbm>> -> memref<42016xf32, #tpu.memory_space<hbm>>
    %dma_wait3A_33 = arith.constant 0 : i32
    %dma_wait3A_34 = tpu.memref_slice %arg4[%dma_wait3A_33] : memref<43024384xf32, #tpu.memory_space<hbm>> -> memref<42016xf32, #tpu.memory_space<hbm>>
    tpu.wait_dma2 semaphore(%arg9 : memref<!tpu.dma_semaphore, #tpu.memory_space<semaphore_mem>>) src(%dma_wait3A_34 : memref<42016xf32, #tpu.memory_space<hbm>>) dst(%arg7 : memref<42016xf32, #tpu.memory_space<vmem>>)
    %dma_wait3A_35 = arith.constant 0 : i32
    %dma_wait3A_36 = tpu.memref_slice %arg4[%dma_wait3A_35] : memref<43024384xf32, #tpu.memory_space<hbm>> -> memref<42016xf32, #tpu.memory_space<hbm>>
    %dma_wait3A_37 = arith.constant 0 : i32
    %dma_wait3A_38 = tpu.memref_slice %arg4[%dma_wait3A_37] : memref<43024384xf32, #tpu.memory_space<hbm>> -> memref<42016xf32, #tpu.memory_space<hbm>>
    tpu.wait_dma2 semaphore(%arg10 : memref<!tpu.dma_semaphore, #tpu.memory_space<semaphore_mem>>) src(%dma_wait3A_38 : memref<42016xf32, #tpu.memory_space<hbm>>) dst(%arg8 : memref<42016xf32, #tpu.memory_space<vmem>>)
    return
  }
}

</mosaic_0001>

<sc_bundles>
// kernel: kernel.3.cloned.1.call-start
scs
__scs_entry_jumppad:
0x0: {  	(pc) =	sbr.rel $0x88, $3  }
0x1: {  	(tag) =	ssettag $0x0;
	lr =	simm.s32 $0x1  }
0x2: {  	[smem:$0x3F9F] =	sst lr;
	_ =	strace $0xD0000000  }
0x3: {  	_ = 	snop  }
0x4: {  	_ = 	snop  }
0x5: {  	_ = 	snop  }
0x6: {  	_ = 	snop  }
0x7: {  	_ = 	snop  }
__scs_overlays_trampoline_lowered:
0x8: {  	[smem:$0x3FAE] =	sst s0  }
0x9: {  	[smem:$0x3FAF] =	sst s1  }
0xa: {  	[smem:$0x3FB0] =	sst s2  }
0xb: {  	[smem:$0x3FB1] =	sst s3  }
0xc: {  	[smem:$0x3FB2] =	sst s4  }
0xd: {  	[smem:$0x3FB3] =	sst s5  }
0xe: {  	[smem:$0x3FB4] =	sst s6  }
0xf: {  	[smem:$0x3FB5] =	sst s7  }
0x10: {  	[smem:$0x3FB6] =	sst s8  }
0x11: {  	[smem:$0x3FB7] =	sst s9;
	s0 =	simm.s32 @!p0 $0x0  }
0x12: {  	s1 =	sld [smem:$0x3F9D];
	s0 =	simm.s32 @p0 $0x1  }
0x13: {  	[smem:$0x3FB8] =	sst s0;
	s0 =	simm.s32 @!p1 $0x0  }
0x14: {  	s2 =	sld [smem:$0x3F9C];
	s0 =	simm.s32 @p1 $0x1  }
0x15: {  	[smem:$0x3FB9] =	sst s0;
	s0 =	simm.s32 @!p2 $0x0  }
0x16: {  	s3 =	sld [smem:$0x3FDB];
	s0 =	simm.s32 @p2 $0x1  }
0x17: {  	s4 =	simm.s32 $0x1BF5;
	[smem:$0x3FBB] =	sst s0  }
0x18: {  	s0 =	sld [smem:$0x3F9E];
	_ =	swait.ge [sflag:s4], $0x0  }
0x19: {  	s7 =	sld [smem:$0x3F9F]  }
0x1a: {  	s8 =	sadd.s32 $0xFFFFE003, lr  }
0x1b: {  	s9 =	sadd.s32 $0xFFFFFEF7, lr;
	s5 =	simm.s32 $0xFFFFFFFF;
	p2 =	slt.u32 s8, $0xFFFFF086  }
0x1c: {  	p1 =	slt.u32 s9, $0xF7A;
	s5 =	simm.s32 @!p2 $0x0  }
0x1d: {  	s5 =	simm.s32 @p1 $0x1;
	p0 =	seq.s32 s7, s2  }
0x1e: {  	s7 =	smul.u32 @!p0 $0xF7A, s2;
	p2 =	seq.s32 @!p0 s5, $0x0  }
0x1f: {  	s9 =	smul.u32 $0xF7A, s1;
	s8 =	simm.s32 @!p0 $0x1BF5;
	p2 =	por !p2, p0  }
0x20: {  	[sflag:s8] =	ssyncset.s32 @!p0 $0xFFFFF086;
	s6 =	sadd.s32 @!p0 s3, s7;
	s7 =	simm.s32 @!p0 $0x108  }
0x21: {  	s3 =	sadd.s32 s3, s9;
	s6 =	sadd.s32 @!p0 $0x88, s6;
	s7 =	simm.s32 @p2 $0x1082  }
0x22: {  	[simem:s7], [sflag:s8] =	dma.local @!p0 [hbm:s6], $0xF7A  }
0x23: {  	s9 =	sor.u32 $0xD0000000, s2;
	s6 =	simm.s32 $0x108;
	_ =	swait.ge @!p0 [sflag:s8], $0x0  }
0x24: {  	s3 =	sadd.s32 $0x88, s3;
	s6 =	simm.s32 @!p1 $0x1082;
	[sflag:s4] =	ssyncset.s32 $0xFFFFF086  }
0x25: {  	[simem:s6], [sflag:s4] =	dma.local [hbm:s3], $0xF7A  }
0x26: {  	[smem:$0x3F9F] =	sst s1;
	(tag) =	ssettag s2;
	_ =	strace s9  }
0x27: {  	s1 =	sld [smem:$0x3FAF]  }
0x28: {  	s2 =	sld [smem:$0x3FB0]  }
0x29: {  	s4 =	sld [smem:$0x3FB2]  }
0x2a: {  	p0 =	seq.s32 s5, $0x0;
	s5 =	sld [smem:$0x3FB3]  }
0x2b: {  	s6 =	sld [smem:$0x3FB4]  }
0x2c: {  	s7 =	sld [smem:$0x3FB5]  }
0x2d: {  	s3 =	simm.s32 $0x108;
	s8 =	sld [smem:$0x3FB6]  }
0x2e: {  	s3 =	simm.s32 @!p0 $0x1082;
	s9 =	sld [smem:$0x3FB7]  }
0x2f: {  	lr =	sadd.s32 s0, s3;
	s0 =	sld [smem:$0x3FAE]  }
0x30: {  	s3 =	sld [smem:$0x3FB1]  }
0x31: {  	[smem:$0x3FBA] =	sst s10  }
0x32: {  	s10 =	sld [smem:$0x3FB8];
	_ =	sdelay $0x3  }
0x33: {  	p0 =	seq.s32 s10, $0x1;
	s10 =	sld [smem:$0x3FBA];
	_ =	sdelay $0x3  }
0x34: {  	[smem:$0x3FBA] =	sst s10  }
0x35: {  	s10 =	sld [smem:$0x3FB9];
	_ =	sdelay $0x3  }
0x36: {  	p1 =	seq.s32 s10, $0x1;
	s10 =	sld [smem:$0x3FBA];
	_ =	sdelay $0x3  }
0x37: {  	[smem:$0x3FBA] =	sst s10  }
0x38: {  	s10 =	sld [smem:$0x3FBB]  }
0x39: {  	_ = 	snop;
	(pc) =	sbr.ind lr, $3  }
0x3a: {  	_ = 	snop  }
0x3b: {  	_ = 	snop  }
0x3c: {  	p2 =	seq.s32 s10, $0x1;
	s10 =	sld [smem:$0x3FBA]  }
0x3d: {  	_ =	shalt  }
0x3e: {  	_ =	shalt  }
0x3f: {  	_ =	shalt  }
0x40: {  	_ =	shalt  }
0x41: {  	_ =	shalt  }
0x42: {  	_ =	shalt  }
0x43: {  	_ =	shalt  }
0x44: {  	_ =	shalt  }
0x45: {  	_ =	shalt  }
0x46: {  	_ =	shalt  }
0x47: {  	_ =	shalt  }
0x48: {  	_ =	shalt  }
0x49: {  	_ =	shalt  }
0x4a: {  	_ =	shalt  }
0x4b: {  	_ =	shalt  }
0x4c: {  	_ =	shalt  }
0x4d: {  	_ =	shalt  }
0x4e: {  	_ =	shalt  }
0x4f: {  	_ =	shalt  }
0x50: {  	_ =	shalt  }
0x51: {  	_ =	shalt  }
0x52: {  	_ =	shalt  }
0x53: {  	_ =	shalt  }
0x54: {  	_ =	shalt  }
0x55: {  	_ =	shalt  }
0x56: {  	_ =	shalt  }
0x57: {  	_ =	shalt  }
0x58: {  	_ =	shalt  }
0x59: {  	_ =	shalt  }
0x5a: {  	_ =	shalt  }
0x5b: {  	_ =	shalt  }
0x5c: {  	_ =	shalt  }
0x5d: {  	_ =	shalt  }
0x5e: {  	_ =	shalt  }
0x5f: {  	_ =	shalt  }
0x60: {  	_ =	shalt  }
0x61: {  	_ =	shalt  }
0x62: {  	_ =	shalt  }
0x63: {  	_ =	shalt  }
0x64: {  	_ =	shalt  }
0x65: {  	_ =	shalt  }
0x66: {  	_ =	shalt  }
0x67: {  	_ =	shalt  }
0x68: {  	_ =	shalt  }
0x69: {  	_ =	shalt  }
0x6a: {  	_ =	shalt  }
0x6b: {  	_ =	shalt  }
0x6c: {  	_ =	shalt  }
0x6d: {  	_ =	shalt  }
0x6e: {  	_ =	shalt  }
0x6f: {  	_ =	shalt  }
0x70: {  	_ =	shalt  }
0x71: {  	_ =	shalt  }
0x72: {  	_ =	shalt  }
0x73: {  	_ =	shalt  }
0x74: {  	_ =	shalt  }
0x75: {  	_ =	shalt  }
0x76: {  	_ =	shalt  }
0x77: {  	_ =	shalt  }
0x78: {  	_ =	shalt  }
0x79: {  	_ =	shalt  }
0x7a: {  	_ =	shalt  }
0x7b: {  	_ =	shalt  }
0x7c: {  	_ =	shalt  }
0x7d: {  	_ =	shalt  }
0x7e: {  	_ =	shalt  }
0x7f: {  	_ =	shalt  }
0x80: {  	_ =	shalt  }
0x81: {  	_ =	shalt  }
0x82: {  	_ =	shalt  }
0x83: {  	_ =	shalt  }
0x84: {  	_ =	shalt  }
0x85: {  	_ =	shalt  }
0x86: {  	_ =	shalt  }
0x87: {  	_ =	shalt  }
.Lfunc_end0:
.L_simem_size_0:
called_computation.1_lowered:
.L_overlay_start_0:
0x88: {  	s2 =	sld [smem:$0x3FD9]  }
0x89: {  	s3 =	sld [smem:$0x3FFE];
	_ =	sdelay $0x1  }
0x8a: {  	s1 =	srdreg.scid  }
0x8b: {  	s0 =	sand.u32 $0x1, s1  }
0x8c: {  	s17 =	sshll.u32 s0, $0xA;
	s2 =	sadd.s32 s3, s2  }
0x8d: {  	s2 =	sadd.s32 s2, s17  }
0x8e: {  	[smem:$0x3FC6] =	sst s2  }
0x8f: {  	_ = 	snop  }
0x90: {  	s2 =	sld [smem:$0x3FD0];
	(tm) =	ssettm $0x1  }
0x91: {  	s18 =	sld [smem:$0x3FFB];
	_ =	sdelay $0x3  }
0x92: {  	_ =	strace s18  }
0x93: {  	s3 =	sld [smem:$0x3FFC];
	_ =	sdelay $0x3  }
0x94: {  	_ =	strace s3  }
0x95: {  	s3 =	sld [smem:$0x3FFD];
	_ =	sdelay $0x3  }
0x96: {  	_ =	strace s3  }
0x97: {  	_ =	strace $0x8FFFFFFF  }
0x98: {  	s19 =	sld [smem:$0x3FDB];
	_ =	sdelay $0x1  }
0x99: {  	s4 =	simm.s32 $_scs_section_size  }
0x9a: {  	s5 =	simm.s32 $_size__tile_overlayer_lowered;
	s6 =	simm.s32 $_tile_overlayer_lowered  }
0x9b: {  	s22 =	simm.s32 $0x1BFF;
	s21 =	sshll.u32 s6, $0x1;
	s3 =	sadd.s32 s4, s19  }
0x9c: {  	s7 =	simm.s32 $0x0;
	s20 =	sshll.u32 s5, $0x1;
	s5 =	sadd.s32 s21, s3  }
0x9d: {  	[timem:s7], [sflag:s22] =	dma.local [hbm:s5], s20  }
0x9e: {  	_ =	swait.ge [sflag:s22], s20  }
0x9f: {  	s4 =	ssub.s32 $0x0, s20;
	[sflag:s22] =	ssyncset.done $0x0  }
0xa0: {  	[sflag:s22] =	ssyncadd.s32 s4;
	_ =	sdelay $0x1  }
0xa1: {  	s23 =	simm.s32 $0x1B8B  }
0xa2: {  	_ =	swait.ge [sflag:s23], $0x1  }
0xa3: {  	[sflag:s23] =	ssyncset.done $0x0  }
0xa4: {  	s25 =	simm.s32 $0x1B8E;
	s24 =	sld [smem:$0x3FFE];
	[sflag:s23] =	ssyncadd.s32 $0xFFFFFFFF  }
0xa5: {  	s26 =	simm.s32 $execute0_lowered;
	[smem:$0x3FD2] =	sst s25  }
0xa6: {  	s5 =	sshll.u32 s26, $0x1;
	_ =	strace $0x80000046;
	[dreg:$0x1] =	wrdreg $0xFFFFFFFF  }
0xa7: {  	s28 =	simm.s32 $_size_execute0_lowered;
	s3 =	sadd.s32 s3, s5;
	[dreg:$0x0] =	wrdreg $0x0  }
0xa8: {  	s5 =	sshll.u32 s28, $0x1;
	[dreg:$0x2] =	wrdreg s3  }
0xa9: {  	[dreg:$0x3] =	wrdreg s5  }
0xaa: {  	[dreg:$0x4] =	wrdreg $0xC0  }
0xab: {  	_ =	task [dreg:s7], $0x5FFFF  }
0xac: {  	[dreg:$0x1] =	wrdreg $0xFFFFFFFF  }
0xad: {  	[dreg:$0x0] =	wrdreg $0x60  }
0xae: {  	[dreg:$0x2] =	wrdreg s24  }
0xaf: {  	[dreg:$0x3] =	wrdreg s2  }
0xb0: {  	[dreg:$0x4] =	wrdreg $0x9  }
0xb1: {  	_ =	task.clear_ibuf [dreg:s7], $0x5FFFF;
	_ =	strace $0x90000046  }
0xb2: {  	s29 =	simm.s32 $0x9;
	_ =	strace $0x80000048  }
0xb3: {  	_ =	swait.ge [sflag:s29], $0x1  }
0xb4: {  	[sflag:s29] =	ssyncadd.s32 $0xFFFFFFFF  }
0xb5: {  	_ =	strace $0x90000048  }
0xb6: {  	_ =	sfence  }
0xb7: {  	s30 =	sld [smem:$0x0];
	_ =	sdelay $0x2  }
0xb8: {  	s31 =	sshll.u32 s1, $0xD;
	s1 =	sshrl.u32 s1, $0x2  }
0xb9: {  	s3 =	sand.u32 $0x4000, s31;
	s1 =	sadd.s32 s1, s30  }
0xba: {  	s0 =	sor.u32 s3, s0;
	s1 =	sshll.u32 s1, $0x11  }
0xbb: {  	s0 =	sor.u32 s1, s0  }
0xbc: {  	s0 =	sadd.s32 $0x8F2B, s0  }
0xbd: {  	[sflag:s0] =	ssyncadd.remote.s32 $0x1  }
0xbe: {  	_ =	sfence.sel $0xFFFF  }
0xbf: {  	[dreg:$0x0] =	wrdreg $0xFFFFFFFF;
	(pc) =	sbr.abs _section_cstart, $3  }
0xc0: {  	[dreg:$0x1] =	wrdreg $0xFFFFFFFF  }
0xc1: {  	_ =	task.clear_ibuf [dreg:s7], $0x2FFFF;
	_ =	strace $0x9FFFFFFF  }
0xc2: {  	(tm) =	ssettm $0x7FFFFFFF  }
0xc3: {  	_ =	shalt  }
tec
execute0_lowered:
.L_overlay_start_1:
0x0: {  	(tag) =	ssettag $0x1  }
0x1: {  	s3 =	rddreg [dreg:$0x0];
	v0 =	vlaneseq.u32  }
0x2: {  	s7 =	rddreg [dreg:$0x1];
	s2 =	srdreg.scid;
	v1 =	vmul.u32 $0x65, v0  }
0x3: {  	s0 =	rddreg [dreg:$0x2];
	s1 =	stileid.u32;
	s11 =	simm.s32 $0x12480  }
0x4: {  	v2 =	vimm.f32 $0.0e+00;
	v3 =	vimm.f32 $1.000000000e+00;
	s12 =	simm.s32 $0x1;
	s13 =	simm.s32 $0x2;
	s14 =	simm.s32 $0x0;
	v4 =	vadd.s32 $0x650, v1  }
0x5: {  	s4 =	sand.u32 $0x1, s2;
	s5 =	sshll.u32 s1, $0xA;
	s26 =	sshll.u32 s1, $0xC;
	v5 =	vadd.s32 $0xA42, v1;
	v6 =	vadd.s32 $0x1092, v1;
	v7 =	vadd.s32 $0x1484, v1  }
0x6: {  	s2 =	simm.s32 $0x0;
	s9 =	smul.u32 $0x290800, s1;
	s6 =	sshll.u32 s4, $0x9;
	v8 =	vadd.s32 $0x1AD4, v1;
	v9 =	vadd.s32 $0x1EC6, v1;
	v10 =	vadd.s32 $0x2516, v1  }
0x7: {  	[smem:$0x7FF] =	sst s2;
	s8 =	sshll.u32 s4, $0xB;
	s28 =	ssub.s32 $0x2, s4;
	v11 =	vadd.s32 $0x2908, v1;
	v12 =	vadd.s32 $0x2F58, v1;
	v13 =	vadd.s32 $0x334A, v1  }
0x8: {  	s10 =	smul.u32 $0x148400, s4;
	s5 =	sor.u32 s6, s5;
	s6 =	sor.u32 s8, s26;
	v14 =	vadd.s32 $0x399A, v1;
	v15 =	vadd.s32 $0x3D8C, v1;
	v16 =	vadd.s32 $0x43DC, v1  }
0x9: {  	s29 =	sshrl.u32 s28, $0x1;
	_ =	strace $0x80000047;
	v17 =	vadd.s32 $0x47CE, v1;
	v18 =	vadd.s32 $0x4E1E, v1;
	v19 =	vadd.s32 $0x5210, v1;
	s5 =	smul.u32 $0x521, s5  }
.Ltmp0:
0xa: {  	v20 =	vadd.s32 $0x5860, v1;
	v21 =	vadd.s32 $0x5C52, v1;
	v22 =	vadd.s32 $0x62A2, v1;
	s6 =	sadd.s32 s6, s3;
	s8 =	ssub.s32 s28, s29;
	(pc) =	sbr.rel .LBB2_1-.Ltmp0, $4  }
0xb: {  	v23 =	vadd.s32 $0x6694, v1;
	v24 =	vadd.s32 $0x6CE4, v1;
	v25 =	vadd.s32 $0x70D6, v1;
	s9 =	sadd.s32 s10, s9;
	s10 =	simm.s32 $0x8000;
	s3 =	sadd.s32 $0xA00, s6  }
0xc: {  	v26 =	vadd.s32 $0x7726, v1;
	v27 =	vadd.s32 $0x7B18, v1;
	v28 =	vadd.s32 $0x8168, v1;
	s4 =	sadd.s32 $0x10A00, s6;
	s31 =	sshrl.u32 s9, $0x3;
	s30 =	sadd.s32 $0x5210, s5  }
0xd: {  	v29 =	vadd.s32 $0x855A, v1;
	v30 =	vadd.s32 $0x8BAA, v1;
	v31 =	vadd.s32 $0x8F9C, v1;
	s9 =	simm.s32 $0x4000;
	s5 =	smax.u32 s8, $0x1;
	s6 =	sshrl.u32 s30, $0x2  }
0xe: {  	v32 =	vadd.s32 $0x95EC, v1;
	v33 =	vadd.s32 $0x99DE, v1;
	v34 =	vadd.s32 $0xA02E, v1;
	s8 =	simm.s32 $0x3;
	s6 =	sadd.s32 s6, s7;
	s7 =	sadd.s32 s31, s7  }
.LBB2_9:
0xf: {  	s14 =	sadd.s32 $0x1, s14  }
0x10: {  	_ =	swait.ge [sflag:s12], $0xA420;
	p0 =	sne.s32 s14, s5  }
.Ltmp1:
0x11: {  	[sflag:s12] =	ssyncset.done $0x0;
	(pc) =	sbr.rel @!p0 .LBB2_10-.Ltmp1, $4  }
0x12: {  	[sflag:s12] =	ssyncadd.s32 $0xFFFF5BE0  }
0x13: {  	_ =	swait.ge [sflag:s13], $0xA420  }
0x14: {  	[sflag:s13] =	ssyncset.done $0x0  }
0x15: {  	[sflag:s13] =	ssyncadd.s32 $0xFFFF5BE0  }
.LBB2_1:
0x16: {  	[tilespmem:s2], [sflag:$0x3] =	stream.linear.gather [hbm4b:s3+s2], $0x4000, $0x38;
	[tilespmem:$0x1C900] =	vst v63  }
0x17: {  	_ =	swait.ge [sflag:s8], $0x4000  }
0x18: {  	[sflag:s8] =	ssyncset.done $0x0  }
0x19: {  	v35 =	vor.u32 s2, v0;
	[sflag:s8] =	ssyncadd.s32 $0xFFFFC000  }
0x1a: {  	[tilespmem:s9], [sflag:$0x3] =	stream.linear.gather [hbm4b:s4+s2], $0x4000, $0x38;
	[tilespmem:$0x1C900] =	vst v63  }
0x1b: {  	_ =	swait.ge [sflag:s8], $0x4000  }
0x1c: {  	[sflag:s8] =	ssyncset.done $0x0  }
0x1d: {  	[sflag:s8] =	ssyncadd.s32 $0xFFFFC000  }
0x1e: {  	s15 =	simm.s32 $0x10;
	[tilespmem:v35+s10+$0x0] =	vst.idx.msk $0xffff, v2  }
.LBB2_2:
0x1f: {  	[tilespmem:v35+s11+$0x0] =	vst.idx.msk $0xffff, v2;
	v35 =	vor.u32 s15, v0;
	p0 =	sne.s32 s15, $0xA410  }
.Ltmp2:
0x20: {  	s15 =	sadd.s32 $0x10, s15;
	(pc) =	sbr.rel @p0 .LBB2_2-.Ltmp2, $2  }
0x21: {  	_ =	sdelay $0x2  }
0x22: {  	[tilespmem:v35+s10+$0x0] =	vst.idx.msk $0xffff, v2  }
.Ltmp3:
0x23: {  	_ = 	snop;
	(pc) =	sbr.rel .LBB2_4-.Ltmp3, $3  }
0x24: {  	_ =	sdelay $0x1  }
0x25: {  	s15 =	simm.s32 $0x0  }
0x26: {  	[tilespmem:v35+s11+$0x0] =	vst.idx.msk $0xffff, v2;
	s16 =	smov.u32 s7;
	s17 =	smov.u32 s6;
	s18 =	simm.s32 $0x0  }
.LBB2_8:
0x27: {  	s19 =	sshra.s32 s18, $0x2  }
0x28: {  	v35 =	vld [tilespmem:s19+$0x200]  }
0x29: {  	v36 =	vld [tilespmem:s19+$0x210]  }
0x2a: {  	v37 =	vld [tilespmem:s19+$0x4200]  }
0x2b: {  	v38 =	vld [tilespmem:s19+$0x4210];
	_ =	sdelay $0x1  }
0x2c: {  	v35 =	vadd.f32 $1.000000000e+00, v35  }
0x2d: {  	v36 =	vadd.f32 $1.000000000e+00, v36  }
0x2e: {  	v35 =	vmul.f32 v37, v35  }
0x2f: {  	v36 =	vmul.f32 v38, v36  }
0x30: {  	v35 =	vtrunc.f32 v35  }
0x31: {  	v36 =	vtrunc.f32 v36;
	v35 =	vcvt.f32.s32 v35  }
0x32: {  	v36 =	vcvt.f32.s32 v36  }
0x33: {  	v35 =	vadd.s32 v1, v35  }
0x34: {  	v36 =	vadd.s32 v4, v36;
	_ =	sdelay $0x3  }
0x35: {  	[tilespmem:v35+s11+$0x0] =	vst.idx.msk $0xffff, v3  }
0x36: {  	[tilespmem:v36+s11+$0x0] =	vst.idx.msk $0x3ff, v3  }
0x37: {  	v35 =	vld [tilespmem:s19+$0x220]  }
0x38: {  	v36 =	vld [tilespmem:s19+$0x230]  }
0x39: {  	v58 =	vld [tilespmem:s19+$0x4220]  }
0x3a: {  	v59 =	vld [tilespmem:s19+$0x4230];
	_ =	sdelay $0x1  }
0x3b: {  	v35 =	vadd.f32 $1.000000000e+00, v35  }
0x3c: {  	v36 =	vadd.f32 $1.000000000e+00, v36  }
0x3d: {  	v35 =	vmul.f32 v58, v35  }
0x3e: {  	v36 =	vmul.f32 v59, v36  }
0x3f: {  	v35 =	vtrunc.f32 v35  }
0x40: {  	v36 =	vtrunc.f32 v36;
	v35 =	vcvt.f32.s32 v35  }
0x41: {  	v36 =	vcvt.f32.s32 v36  }
0x42: {  	v35 =	vadd.s32 v5, v35  }
0x43: {  	v36 =	vadd.s32 v6, v36;
	_ =	sdelay $0x3  }
0x44: {  	[tilespmem:v35+s11+$0x0] =	vst.idx.msk $0xffff, v3  }
0x45: {  	[tilespmem:v36+s11+$0x0] =	vst.idx.msk $0x3ff, v3  }
0x46: {  	v35 =	vld [tilespmem:s19+$0x240]  }
0x47: {  	v36 =	vld [tilespmem:s19+$0x250]  }
0x48: {  	v60 =	vld [tilespmem:s19+$0x4240]  }
0x49: {  	v61 =	vld [tilespmem:s19+$0x4250];
	_ =	sdelay $0x1  }
0x4a: {  	v35 =	vadd.f32 $1.000000000e+00, v35  }
0x4b: {  	v36 =	vadd.f32 $1.000000000e+00, v36  }
0x4c: {  	v35 =	vmul.f32 v60, v35  }
0x4d: {  	v36 =	vmul.f32 v61, v36  }
0x4e: {  	v35 =	vtrunc.f32 v35  }
0x4f: {  	v36 =	vtrunc.f32 v36;
	v35 =	vcvt.f32.s32 v35  }
0x50: {  	v36 =	vcvt.f32.s32 v36  }
0x51: {  	v35 =	vadd.s32 v7, v35  }
0x52: {  	v36 =	vadd.s32 v8, v36;
	_ =	sdelay $0x3  }
0x53: {  	[tilespmem:v35+s11+$0x0] =	vst.idx.msk $0xffff, v3  }
0x54: {  	[tilespmem:v36+s11+$0x0] =	vst.idx.msk $0x3ff, v3  }
0x55: {  	v35 =	vld [tilespmem:s19+$0x260]  }
0x56: {  	v36 =	vld [tilespmem:s19+$0x270]  }
0x57: {  	v62 =	vld [tilespmem:s19+$0x4260]  }
0x58: {  	v63 =	vld [tilespmem:s19+$0x4270];
	_ =	sdelay $0x1  }
0x59: {  	v35 =	vadd.f32 $1.000000000e+00, v35  }
0x5a: {  	v36 =	vadd.f32 $1.000000000e+00, v36  }
0x5b: {  	v35 =	vmul.f32 v62, v35  }
0x5c: {  	v36 =	vmul.f32 v63, v36  }
0x5d: {  	v35 =	vtrunc.f32 v35  }
0x5e: {  	v36 =	vtrunc.f32 v36;
	v35 =	vcvt.f32.s32 v35  }
0x5f: {  	v36 =	vcvt.f32.s32 v36  }
0x60: {  	v35 =	vadd.s32 v9, v35  }
0x61: {  	v36 =	vadd.s32 v10, v36;
	_ =	sdelay $0x3  }
0x62: {  	[tilespmem:v35+s11+$0x0] =	vst.idx.msk $0xffff, v3  }
0x63: {  	[tilespmem:v36+s11+$0x0] =	vst.idx.msk $0x3ff, v3  }
0x64: {  	v35 =	vld [tilespmem:s19+$0x280]  }
0x65: {  	v36 =	vld [tilespmem:s19+$0x290]  }
0x66: {  	v40 =	vld [tilespmem:s19+$0x4280]  }
0x67: {  	v41 =	vld [tilespmem:s19+$0x4290];
	_ =	sdelay $0x1  }
0x68: {  	v35 =	vadd.f32 $1.000000000e+00, v35  }
0x69: {  	v36 =	vadd.f32 $1.000000000e+00, v36  }
0x6a: {  	v35 =	vmul.f32 v40, v35  }
0x6b: {  	v36 =	vmul.f32 v41, v36  }
0x6c: {  	v35 =	vtrunc.f32 v35  }
0x6d: {  	v36 =	vtrunc.f32 v36;
	v35 =	vcvt.f32.s32 v35  }
0x6e: {  	v36 =	vcvt.f32.s32 v36  }
0x6f: {  	v35 =	vadd.s32 v11, v35  }
0x70: {  	v36 =	vadd.s32 v12, v36;
	_ =	sdelay $0x3  }
0x71: {  	[tilespmem:v35+s11+$0x0] =	vst.idx.msk $0xffff, v3  }
0x72: {  	[tilespmem:v36+s11+$0x0] =	vst.idx.msk $0x3ff, v3  }
0x73: {  	v35 =	vld [tilespmem:s19+$0x2A0]  }
0x74: {  	v36 =	vld [tilespmem:s19+$0x2B0]  }
0x75: {  	v42 =	vld [tilespmem:s19+$0x42A0]  }
0x76: {  	v43 =	vld [tilespmem:s19+$0x42B0];
	_ =	sdelay $0x1  }
0x77: {  	v35 =	vadd.f32 $1.000000000e+00, v35  }
0x78: {  	v36 =	vadd.f32 $1.000000000e+00, v36  }
0x79: {  	v35 =	vmul.f32 v42, v35  }
0x7a: {  	v36 =	vmul.f32 v43, v36  }
0x7b: {  	v35 =	vtrunc.f32 v35  }
0x7c: {  	v36 =	vtrunc.f32 v36;
	v35 =	vcvt.f32.s32 v35  }
0x7d: {  	v36 =	vcvt.f32.s32 v36  }
0x7e: {  	v35 =	vadd.s32 v13, v35  }
0x7f: {  	v36 =	vadd.s32 v14, v36;
	_ =	sdelay $0x3  }
0x80: {  	[tilespmem:v35+s11+$0x0] =	vst.idx.msk $0xffff, v3  }
0x81: {  	[tilespmem:v36+s11+$0x0] =	vst.idx.msk $0x3ff, v3  }
0x82: {  	v35 =	vld [tilespmem:s19+$0x2C0]  }
0x83: {  	v36 =	vld [tilespmem:s19+$0x2D0]  }
0x84: {  	v44 =	vld [tilespmem:s19+$0x42C0]  }
0x85: {  	v45 =	vld [tilespmem:s19+$0x42D0];
	_ =	sdelay $0x1  }
0x86: {  	v35 =	vadd.f32 $1.000000000e+00, v35  }
0x87: {  	v36 =	vadd.f32 $1.000000000e+00, v36  }
0x88: {  	v35 =	vmul.f32 v44, v35  }
0x89: {  	v36 =	vmul.f32 v45, v36  }
0x8a: {  	v35 =	vtrunc.f32 v35  }
0x8b: {  	v36 =	vtrunc.f32 v36;
	v35 =	vcvt.f32.s32 v35  }
0x8c: {  	v36 =	vcvt.f32.s32 v36  }
0x8d: {  	v35 =	vadd.s32 v15, v35  }
0x8e: {  	v36 =	vadd.s32 v16, v36;
	_ =	sdelay $0x3  }
0x8f: {  	[tilespmem:v35+s11+$0x0] =	vst.idx.msk $0xffff, v3  }
0x90: {  	[tilespmem:v36+s11+$0x0] =	vst.idx.msk $0x3ff, v3  }
0x91: {  	v35 =	vld [tilespmem:s19+$0x2E0]  }
0x92: {  	v36 =	vld [tilespmem:s19+$0x2F0]  }
0x93: {  	v46 =	vld [tilespmem:s19+$0x42E0]  }
0x94: {  	v47 =	vld [tilespmem:s19+$0x42F0];
	_ =	sdelay $0x1  }
0x95: {  	v35 =	vadd.f32 $1.000000000e+00, v35  }
0x96: {  	v36 =	vadd.f32 $1.000000000e+00, v36  }
0x97: {  	v35 =	vmul.f32 v46, v35  }
0x98: {  	v36 =	vmul.f32 v47, v36  }
0x99: {  	v35 =	vtrunc.f32 v35  }
0x9a: {  	v36 =	vtrunc.f32 v36;
	v35 =	vcvt.f32.s32 v35  }
0x9b: {  	v36 =	vcvt.f32.s32 v36  }
0x9c: {  	v35 =	vadd.s32 v17, v35  }
0x9d: {  	v36 =	vadd.s32 v18, v36;
	_ =	sdelay $0x3  }
0x9e: {  	[tilespmem:v35+s11+$0x0] =	vst.idx.msk $0xffff, v3  }
0x9f: {  	[tilespmem:v36+s11+$0x0] =	vst.idx.msk $0x3ff, v3  }
0xa0: {  	v35 =	vld [tilespmem:s19+$0x300]  }
0xa1: {  	v36 =	vld [tilespmem:s19+$0x310]  }
0xa2: {  	v48 =	vld [tilespmem:s19+$0x4300]  }
0xa3: {  	v49 =	vld [tilespmem:s19+$0x4310];
	_ =	sdelay $0x1  }
0xa4: {  	v35 =	vadd.f32 $1.000000000e+00, v35  }
0xa5: {  	v36 =	vadd.f32 $1.000000000e+00, v36  }
0xa6: {  	v35 =	vmul.f32 v48, v35  }
0xa7: {  	v36 =	vmul.f32 v49, v36  }
0xa8: {  	v35 =	vtrunc.f32 v35  }
0xa9: {  	v36 =	vtrunc.f32 v36;
	v35 =	vcvt.f32.s32 v35  }
0xaa: {  	v36 =	vcvt.f32.s32 v36  }
0xab: {  	v35 =	vadd.s32 v19, v35  }
0xac: {  	v36 =	vadd.s32 v20, v36;
	_ =	sdelay $0x3  }
0xad: {  	[tilespmem:v35+s11+$0x0] =	vst.idx.msk $0xffff, v3  }
0xae: {  	[tilespmem:v36+s11+$0x0] =	vst.idx.msk $0x3ff, v3  }
0xaf: {  	v35 =	vld [tilespmem:s19+$0x320]  }
0xb0: {  	v36 =	vld [tilespmem:s19+$0x330]  }
0xb1: {  	v50 =	vld [tilespmem:s19+$0x4320]  }
0xb2: {  	v51 =	vld [tilespmem:s19+$0x4330];
	_ =	sdelay $0x1  }
0xb3: {  	v35 =	vadd.f32 $1.000000000e+00, v35  }
0xb4: {  	v36 =	vadd.f32 $1.000000000e+00, v36  }
0xb5: {  	v35 =	vmul.f32 v50, v35  }
0xb6: {  	v36 =	vmul.f32 v51, v36  }
0xb7: {  	v35 =	vtrunc.f32 v35  }
0xb8: {  	v36 =	vtrunc.f32 v36;
	v35 =	vcvt.f32.s32 v35  }
0xb9: {  	v36 =	vcvt.f32.s32 v36  }
0xba: {  	v35 =	vadd.s32 v21, v35  }
0xbb: {  	v36 =	vadd.s32 v22, v36;
	_ =	sdelay $0x3  }
0xbc: {  	[tilespmem:v35+s11+$0x0] =	vst.idx.msk $0xffff, v3  }
0xbd: {  	[tilespmem:v36+s11+$0x0] =	vst.idx.msk $0x3ff, v3  }
0xbe: {  	v35 =	vld [tilespmem:s19+$0x340]  }
0xbf: {  	v36 =	vld [tilespmem:s19+$0x350]  }
0xc0: {  	v52 =	vld [tilespmem:s19+$0x4340]  }
0xc1: {  	v53 =	vld [tilespmem:s19+$0x4350];
	_ =	sdelay $0x1  }
0xc2: {  	v35 =	vadd.f32 $1.000000000e+00, v35  }
0xc3: {  	v36 =	vadd.f32 $1.000000000e+00, v36  }
0xc4: {  	v35 =	vmul.f32 v52, v35  }
0xc5: {  	v36 =	vmul.f32 v53, v36  }
0xc6: {  	v35 =	vtrunc.f32 v35  }
0xc7: {  	v36 =	vtrunc.f32 v36;
	v35 =	vcvt.f32.s32 v35  }
0xc8: {  	v36 =	vcvt.f32.s32 v36  }
0xc9: {  	v35 =	vadd.s32 v23, v35  }
0xca: {  	v36 =	vadd.s32 v24, v36;
	_ =	sdelay $0x3  }
0xcb: {  	[tilespmem:v35+s11+$0x0] =	vst.idx.msk $0xffff, v3  }
0xcc: {  	[tilespmem:v36+s11+$0x0] =	vst.idx.msk $0x3ff, v3  }
0xcd: {  	v35 =	vld [tilespmem:s19+$0x360]  }
0xce: {  	v36 =	vld [tilespmem:s19+$0x370]  }
0xcf: {  	v54 =	vld [tilespmem:s19+$0x4360]  }
0xd0: {  	v55 =	vld [tilespmem:s19+$0x4370];
	_ =	sdelay $0x1  }
0xd1: {  	v35 =	vadd.f32 $1.000000000e+00, v35  }
0xd2: {  	v36 =	vadd.f32 $1.000000000e+00, v36  }
0xd3: {  	v35 =	vmul.f32 v54, v35  }
0xd4: {  	v36 =	vmul.f32 v55, v36  }
0xd5: {  	v35 =	vtrunc.f32 v35  }
0xd6: {  	v36 =	vtrunc.f32 v36;
	v35 =	vcvt.f32.s32 v35  }
0xd7: {  	v36 =	vcvt.f32.s32 v36  }
0xd8: {  	v35 =	vadd.s32 v25, v35  }
0xd9: {  	v36 =	vadd.s32 v26, v36;
	_ =	sdelay $0x3  }
0xda: {  	[tilespmem:v35+s11+$0x0] =	vst.idx.msk $0xffff, v3  }
0xdb: {  	[tilespmem:v36+s11+$0x0] =	vst.idx.msk $0x3ff, v3  }
0xdc: {  	v35 =	vld [tilespmem:s19+$0x380]  }
0xdd: {  	v36 =	vld [tilespmem:s19+$0x390]  }
0xde: {  	v56 =	vld [tilespmem:s19+$0x4380]  }
0xdf: {  	v57 =	vld [tilespmem:s19+$0x4390];
	_ =	sdelay $0x1  }
0xe0: {  	v35 =	vadd.f32 $1.000000000e+00, v35  }
0xe1: {  	v36 =	vadd.f32 $1.000000000e+00, v36  }
0xe2: {  	v35 =	vmul.f32 v56, v35  }
0xe3: {  	v36 =	vmul.f32 v57, v36  }
0xe4: {  	v35 =	vtrunc.f32 v35  }
0xe5: {  	v36 =	vtrunc.f32 v36;
	v35 =	vcvt.f32.s32 v35  }
0xe6: {  	v36 =	vcvt.f32.s32 v36  }
0xe7: {  	v35 =	vadd.s32 v27, v35  }
0xe8: {  	v36 =	vadd.s32 v28, v36;
	_ =	sdelay $0x3  }
0xe9: {  	[tilespmem:v35+s11+$0x0] =	vst.idx.msk $0xffff, v3  }
0xea: {  	[tilespmem:v36+s11+$0x0] =	vst.idx.msk $0x3ff, v3  }
0xeb: {  	v35 =	vld [tilespmem:s19+$0x3A0]  }
0xec: {  	v36 =	vld [tilespmem:s19+$0x3B0]  }
0xed: {  	v58 =	vld [tilespmem:s19+$0x43A0]  }
0xee: {  	v59 =	vld [tilespmem:s19+$0x43B0];
	_ =	sdelay $0x1  }
0xef: {  	v35 =	vadd.f32 $1.000000000e+00, v35  }
0xf0: {  	v36 =	vadd.f32 $1.000000000e+00, v36  }
0xf1: {  	v35 =	vmul.f32 v58, v35  }
0xf2: {  	v36 =	vmul.f32 v59, v36  }
0xf3: {  	v35 =	vtrunc.f32 v35  }
0xf4: {  	v36 =	vtrunc.f32 v36;
	v35 =	vcvt.f32.s32 v35  }
0xf5: {  	v36 =	vcvt.f32.s32 v36  }
0xf6: {  	v35 =	vadd.s32 v29, v35  }
0xf7: {  	v36 =	vadd.s32 v30, v36;
	_ =	sdelay $0x3  }
0xf8: {  	[tilespmem:v35+s11+$0x0] =	vst.idx.msk $0xffff, v3  }
0xf9: {  	[tilespmem:v36+s11+$0x0] =	vst.idx.msk $0x3ff, v3  }
0xfa: {  	v35 =	vld [tilespmem:s19+$0x3C0]  }
0xfb: {  	v36 =	vld [tilespmem:s19+$0x3D0]  }
0xfc: {  	v60 =	vld [tilespmem:s19+$0x43C0]  }
0xfd: {  	v61 =	vld [tilespmem:s19+$0x43D0];
	_ =	sdelay $0x1  }
0xfe: {  	v35 =	vadd.f32 $1.000000000e+00, v35  }
0xff: {  	v36 =	vadd.f32 $1.000000000e+00, v36  }
0x100: {  	v35 =	vmul.f32 v60, v35  }
0x101: {  	v36 =	vmul.f32 v61, v36  }
0x102: {  	v35 =	vtrunc.f32 v35  }
0x103: {  	v36 =	vtrunc.f32 v36;
	v35 =	vcvt.f32.s32 v35  }
0x104: {  	v36 =	vcvt.f32.s32 v36  }
0x105: {  	v35 =	vadd.s32 v31, v35  }
0x106: {  	v36 =	vadd.s32 v32, v36;
	_ =	sdelay $0x3  }
0x107: {  	[tilespmem:v35+s11+$0x0] =	vst.idx.msk $0xffff, v3  }
0x108: {  	[tilespmem:v36+s11+$0x0] =	vst.idx.msk $0x3ff, v3  }
0x109: {  	v35 =	vld [tilespmem:s19+$0x3E0]  }
0x10a: {  	v36 =	vld [tilespmem:s19+$0x3F0]  }
0x10b: {  	v62 =	vld [tilespmem:s19+$0x43E0]  }
0x10c: {  	v63 =	vld [tilespmem:s19+$0x43F0];
	_ =	sdelay $0x1  }
0x10d: {  	v35 =	vadd.f32 $1.000000000e+00, v35  }
0x10e: {  	v36 =	vadd.f32 $1.000000000e+00, v36  }
0x10f: {  	v35 =	vmul.f32 v62, v35  }
0x110: {  	v36 =	vmul.f32 v63, v36  }
0x111: {  	v35 =	vtrunc.f32 v35  }
0x112: {  	v36 =	vtrunc.f32 v36;
	v35 =	vcvt.f32.s32 v35  }
0x113: {  	v36 =	vcvt.f32.s32 v36  }
0x114: {  	v35 =	vadd.s32 v33, v35  }
0x115: {  	v36 =	vadd.s32 v34, v36  }
0x116: {  	s18 =	sadd.s32 $0x1000, s18  }
0x117: {  	p0 =	sne.s32 s18, $0x10000  }
.Ltmp4:
0x118: {  	_ = 	snop;
	(pc) =	sbr.rel @!p0 .LBB2_9-.Ltmp4, $4  }
0x119: {  	[tilespmem:v35+s11+$0x0] =	vst.idx.msk $0xffff, v3  }
0x11a: {  	[tilespmem:v36+s11+$0x0] =	vst.idx.msk $0x3ff, v3  }
0x11b: {  	[hbm4b:s17+s2] =	stream.linear.scatter [tilespmem:s11], [sflag:$0x2], $0xA420, $0x38;
	[tilespmem:$0x1C900] =	vst v63  }
0x11c: {  	s15 =	sadd.s32 $0x400, s15;
	s16 =	sadd.s32 $0x2908, s16;
	s17 =	sadd.s32 $0x2908, s17  }
.LBB2_4:
0x11d: {  	p0 =	seq.s32 s18, $0x0  }
.Ltmp5:
0x11e: {  	_ = 	snop;
	(pc) =	sbr.rel @p0 .LBB2_6-.Ltmp5, $2  }
0x11f: {  	_ =	sdelay $0x2  }
0x120: {  	s19 =	simm.s32 $0x0  }
0x121: {  	_ =	swait.ge [sflag:s12], $0xA420  }
0x122: {  	[sflag:s12] =	ssyncset.done $0x0  }
0x123: {  	s19 =	sshra.s32 s18, $0x2;
	[sflag:s12] =	ssyncadd.s32 $0xFFFF5BE0  }
0x124: {  	v35 =	vld [tilespmem:s19+$0xFFFFFC00]  }
0x125: {  	v36 =	vld [tilespmem:s19+$0xFFFFFC10]  }
0x126: {  	v37 =	vld [tilespmem:s19+$0x3C00]  }
0x127: {  	v38 =	vld [tilespmem:s19+$0x3C10];
	_ =	sdelay $0x1  }
0x128: {  	v35 =	vadd.f32 $1.000000000e+00, v35  }
0x129: {  	v36 =	vadd.f32 $1.000000000e+00, v36  }
0x12a: {  	v35 =	vmul.f32 v37, v35  }
0x12b: {  	v36 =	vmul.f32 v38, v36  }
0x12c: {  	v35 =	vtrunc.f32 v35  }
0x12d: {  	v36 =	vtrunc.f32 v36;
	v35 =	vcvt.f32.s32 v35  }
0x12e: {  	v36 =	vcvt.f32.s32 v36  }
0x12f: {  	v35 =	vadd.s32 v1, v35  }
0x130: {  	v36 =	vadd.s32 v4, v36;
	_ =	sdelay $0x3  }
0x131: {  	[tilespmem:v35+s10+$0x0] =	vst.idx.msk $0xffff, v2  }
0x132: {  	[tilespmem:v36+s10+$0x0] =	vst.idx.msk $0x3ff, v2  }
0x133: {  	v35 =	vld [tilespmem:s19+$0xFFFFFC20]  }
0x134: {  	v36 =	vld [tilespmem:s19+$0xFFFFFC30]  }
0x135: {  	v58 =	vld [tilespmem:s19+$0x3C20]  }
0x136: {  	v59 =	vld [tilespmem:s19+$0x3C30];
	_ =	sdelay $0x1  }
0x137: {  	v35 =	vadd.f32 $1.000000000e+00, v35  }
0x138: {  	v36 =	vadd.f32 $1.000000000e+00, v36  }
0x139: {  	v35 =	vmul.f32 v58, v35  }
0x13a: {  	v36 =	vmul.f32 v59, v36  }
0x13b: {  	v35 =	vtrunc.f32 v35  }
0x13c: {  	v36 =	vtrunc.f32 v36;
	v35 =	vcvt.f32.s32 v35  }
0x13d: {  	v36 =	vcvt.f32.s32 v36  }
0x13e: {  	v35 =	vadd.s32 v5, v35  }
0x13f: {  	v36 =	vadd.s32 v6, v36;
	_ =	sdelay $0x3  }
0x140: {  	[tilespmem:v35+s10+$0x0] =	vst.idx.msk $0xffff, v2  }
0x141: {  	[tilespmem:v36+s10+$0x0] =	vst.idx.msk $0x3ff, v2  }
0x142: {  	v35 =	vld [tilespmem:s19+$0xFFFFFC40]  }
0x143: {  	v36 =	vld [tilespmem:s19+$0xFFFFFC50]  }
0x144: {  	v60 =	vld [tilespmem:s19+$0x3C40]  }
0x145: {  	v61 =	vld [tilespmem:s19+$0x3C50];
	_ =	sdelay $0x1  }
0x146: {  	v35 =	vadd.f32 $1.000000000e+00, v35  }
0x147: {  	v36 =	vadd.f32 $1.000000000e+00, v36  }
0x148: {  	v35 =	vmul.f32 v60, v35  }
0x149: {  	v36 =	vmul.f32 v61, v36  }
0x14a: {  	v35 =	vtrunc.f32 v35  }
0x14b: {  	v36 =	vtrunc.f32 v36;
	v35 =	vcvt.f32.s32 v35  }
0x14c: {  	v36 =	vcvt.f32.s32 v36  }
0x14d: {  	v35 =	vadd.s32 v7, v35  }
0x14e: {  	v36 =	vadd.s32 v8, v36;
	_ =	sdelay $0x3  }
0x14f: {  	[tilespmem:v35+s10+$0x0] =	vst.idx.msk $0xffff, v2  }
0x150: {  	[tilespmem:v36+s10+$0x0] =	vst.idx.msk $0x3ff, v2  }
0x151: {  	v35 =	vld [tilespmem:s19+$0xFFFFFC60]  }
0x152: {  	v36 =	vld [tilespmem:s19+$0xFFFFFC70]  }
0x153: {  	v62 =	vld [tilespmem:s19+$0x3C60]  }
0x154: {  	v63 =	vld [tilespmem:s19+$0x3C70];
	_ =	sdelay $0x1  }
0x155: {  	v35 =	vadd.f32 $1.000000000e+00, v35  }
0x156: {  	v36 =	vadd.f32 $1.000000000e+00, v36  }
0x157: {  	v35 =	vmul.f32 v62, v35  }
0x158: {  	v36 =	vmul.f32 v63, v36  }
0x159: {  	v35 =	vtrunc.f32 v35  }
0x15a: {  	v36 =	vtrunc.f32 v36;
	v35 =	vcvt.f32.s32 v35  }
0x15b: {  	v36 =	vcvt.f32.s32 v36  }
0x15c: {  	v35 =	vadd.s32 v9, v35  }
0x15d: {  	v36 =	vadd.s32 v10, v36;
	_ =	sdelay $0x3  }
0x15e: {  	[tilespmem:v35+s10+$0x0] =	vst.idx.msk $0xffff, v2  }
0x15f: {  	[tilespmem:v36+s10+$0x0] =	vst.idx.msk $0x3ff, v2  }
0x160: {  	v35 =	vld [tilespmem:s19+$0xFFFFFC80]  }
0x161: {  	v36 =	vld [tilespmem:s19+$0xFFFFFC90]  }
0x162: {  	v40 =	vld [tilespmem:s19+$0x3C80]  }
0x163: {  	v41 =	vld [tilespmem:s19+$0x3C90];
	_ =	sdelay $0x1  }
0x164: {  	v35 =	vadd.f32 $1.000000000e+00, v35  }
0x165: {  	v36 =	vadd.f32 $1.000000000e+00, v36  }
0x166: {  	v35 =	vmul.f32 v40, v35  }
0x167: {  	v36 =	vmul.f32 v41, v36  }
0x168: {  	v35 =	vtrunc.f32 v35  }
0x169: {  	v36 =	vtrunc.f32 v36;
	v35 =	vcvt.f32.s32 v35  }
0x16a: {  	v36 =	vcvt.f32.s32 v36  }
0x16b: {  	v35 =	vadd.s32 v11, v35  }
0x16c: {  	v36 =	vadd.s32 v12, v36;
	_ =	sdelay $0x3  }
0x16d: {  	[tilespmem:v35+s10+$0x0] =	vst.idx.msk $0xffff, v2  }
0x16e: {  	[tilespmem:v36+s10+$0x0] =	vst.idx.msk $0x3ff, v2  }
0x16f: {  	v35 =	vld [tilespmem:s19+$0xFFFFFCA0]  }
0x170: {  	v36 =	vld [tilespmem:s19+$0xFFFFFCB0]  }
0x171: {  	v42 =	vld [tilespmem:s19+$0x3CA0]  }
0x172: {  	v43 =	vld [tilespmem:s19+$0x3CB0];
	_ =	sdelay $0x1  }
0x173: {  	v35 =	vadd.f32 $1.000000000e+00, v35  }
0x174: {  	v36 =	vadd.f32 $1.000000000e+00, v36  }
0x175: {  	v35 =	vmul.f32 v42, v35  }
0x176: {  	v36 =	vmul.f32 v43, v36  }
0x177: {  	v35 =	vtrunc.f32 v35  }
0x178: {  	v36 =	vtrunc.f32 v36;
	v35 =	vcvt.f32.s32 v35  }
0x179: {  	v36 =	vcvt.f32.s32 v36  }
0x17a: {  	v35 =	vadd.s32 v13, v35  }
0x17b: {  	v36 =	vadd.s32 v14, v36;
	_ =	sdelay $0x3  }
0x17c: {  	[tilespmem:v35+s10+$0x0] =	vst.idx.msk $0xffff, v2  }
0x17d: {  	[tilespmem:v36+s10+$0x0] =	vst.idx.msk $0x3ff, v2  }
0x17e: {  	v35 =	vld [tilespmem:s19+$0xFFFFFCC0]  }
0x17f: {  	v36 =	vld [tilespmem:s19+$0xFFFFFCD0]  }
0x180: {  	v44 =	vld [tilespmem:s19+$0x3CC0]  }
0x181: {  	v45 =	vld [tilespmem:s19+$0x3CD0];
	_ =	sdelay $0x1  }
0x182: {  	v35 =	vadd.f32 $1.000000000e+00, v35  }
0x183: {  	v36 =	vadd.f32 $1.000000000e+00, v36  }
0x184: {  	v35 =	vmul.f32 v44, v35  }
0x185: {  	v36 =	vmul.f32 v45, v36  }
0x186: {  	v35 =	vtrunc.f32 v35  }
0x187: {  	v36 =	vtrunc.f32 v36;
	v35 =	vcvt.f32.s32 v35  }
0x188: {  	v36 =	vcvt.f32.s32 v36  }
0x189: {  	v35 =	vadd.s32 v15, v35  }
0x18a: {  	v36 =	vadd.s32 v16, v36;
	_ =	sdelay $0x3  }
0x18b: {  	[tilespmem:v35+s10+$0x0] =	vst.idx.msk $0xffff, v2  }
0x18c: {  	[tilespmem:v36+s10+$0x0] =	vst.idx.msk $0x3ff, v2  }
0x18d: {  	v35 =	vld [tilespmem:s19+$0xFFFFFCE0]  }
0x18e: {  	v36 =	vld [tilespmem:s19+$0xFFFFFCF0]  }
0x18f: {  	v46 =	vld [tilespmem:s19+$0x3CE0]  }
0x190: {  	v47 =	vld [tilespmem:s19+$0x3CF0];
	_ =	sdelay $0x1  }
0x191: {  	v35 =	vadd.f32 $1.000000000e+00, v35  }
0x192: {  	v36 =	vadd.f32 $1.000000000e+00, v36  }
0x193: {  	v35 =	vmul.f32 v46, v35  }
0x194: {  	v36 =	vmul.f32 v47, v36  }
0x195: {  	v35 =	vtrunc.f32 v35  }
0x196: {  	v36 =	vtrunc.f32 v36;
	v35 =	vcvt.f32.s32 v35  }
0x197: {  	v36 =	vcvt.f32.s32 v36  }
0x198: {  	v35 =	vadd.s32 v17, v35  }
0x199: {  	v36 =	vadd.s32 v18, v36;
	_ =	sdelay $0x3  }
0x19a: {  	[tilespmem:v35+s10+$0x0] =	vst.idx.msk $0xffff, v2  }
0x19b: {  	[tilespmem:v36+s10+$0x0] =	vst.idx.msk $0x3ff, v2  }
0x19c: {  	v35 =	vld [tilespmem:s19+$0xFFFFFD00]  }
0x19d: {  	v36 =	vld [tilespmem:s19+$0xFFFFFD10]  }
0x19e: {  	v48 =	vld [tilespmem:s19+$0x3D00]  }
0x19f: {  	v49 =	vld [tilespmem:s19+$0x3D10];
	_ =	sdelay $0x1  }
0x1a0: {  	v35 =	vadd.f32 $1.000000000e+00, v35  }
0x1a1: {  	v36 =	vadd.f32 $1.000000000e+00, v36  }
0x1a2: {  	v35 =	vmul.f32 v48, v35  }
0x1a3: {  	v36 =	vmul.f32 v49, v36  }
0x1a4: {  	v35 =	vtrunc.f32 v35  }
0x1a5: {  	v36 =	vtrunc.f32 v36;
	v35 =	vcvt.f32.s32 v35  }
0x1a6: {  	v36 =	vcvt.f32.s32 v36  }
0x1a7: {  	v35 =	vadd.s32 v19, v35  }
0x1a8: {  	v36 =	vadd.s32 v20, v36;
	_ =	sdelay $0x3  }
0x1a9: {  	[tilespmem:v35+s10+$0x0] =	vst.idx.msk $0xffff, v2  }
0x1aa: {  	[tilespmem:v36+s10+$0x0] =	vst.idx.msk $0x3ff, v2  }
0x1ab: {  	v35 =	vld [tilespmem:s19+$0xFFFFFD20]  }
0x1ac: {  	v36 =	vld [tilespmem:s19+$0xFFFFFD30]  }
0x1ad: {  	v50 =	vld [tilespmem:s19+$0x3D20]  }
0x1ae: {  	v51 =	vld [tilespmem:s19+$0x3D30];
	_ =	sdelay $0x1  }
0x1af: {  	v35 =	vadd.f32 $1.000000000e+00, v35  }
0x1b0: {  	v36 =	vadd.f32 $1.000000000e+00, v36  }
0x1b1: {  	v35 =	vmul.f32 v50, v35  }
0x1b2: {  	v36 =	vmul.f32 v51, v36  }
0x1b3: {  	v35 =	vtrunc.f32 v35  }
0x1b4: {  	v36 =	vtrunc.f32 v36;
	v35 =	vcvt.f32.s32 v35  }
0x1b5: {  	v36 =	vcvt.f32.s32 v36  }
0x1b6: {  	v35 =	vadd.s32 v21, v35  }
0x1b7: {  	v36 =	vadd.s32 v22, v36;
	_ =	sdelay $0x3  }
0x1b8: {  	[tilespmem:v35+s10+$0x0] =	vst.idx.msk $0xffff, v2  }
0x1b9: {  	[tilespmem:v36+s10+$0x0] =	vst.idx.msk $0x3ff, v2  }
0x1ba: {  	v35 =	vld [tilespmem:s19+$0xFFFFFD40]  }
0x1bb: {  	v36 =	vld [tilespmem:s19+$0xFFFFFD50]  }
0x1bc: {  	v52 =	vld [tilespmem:s19+$0x3D40]  }
0x1bd: {  	v53 =	vld [tilespmem:s19+$0x3D50];
	_ =	sdelay $0x1  }
0x1be: {  	v35 =	vadd.f32 $1.000000000e+00, v35  }
0x1bf: {  	v36 =	vadd.f32 $1.000000000e+00, v36  }
0x1c0: {  	v35 =	vmul.f32 v52, v35  }
0x1c1: {  	v36 =	vmul.f32 v53, v36  }
0x1c2: {  	v35 =	vtrunc.f32 v35  }
0x1c3: {  	v36 =	vtrunc.f32 v36;
	v35 =	vcvt.f32.s32 v35  }
0x1c4: {  	v36 =	vcvt.f32.s32 v36  }
0x1c5: {  	v35 =	vadd.s32 v23, v35  }
0x1c6: {  	v36 =	vadd.s32 v24, v36;
	_ =	sdelay $0x3  }
0x1c7: {  	[tilespmem:v35+s10+$0x0] =	vst.idx.msk $0xffff, v2  }
0x1c8: {  	[tilespmem:v36+s10+$0x0] =	vst.idx.msk $0x3ff, v2  }
0x1c9: {  	v35 =	vld [tilespmem:s19+$0xFFFFFD60]  }
0x1ca: {  	v36 =	vld [tilespmem:s19+$0xFFFFFD70]  }
0x1cb: {  	v54 =	vld [tilespmem:s19+$0x3D60]  }
0x1cc: {  	v55 =	vld [tilespmem:s19+$0x3D70];
	_ =	sdelay $0x1  }
0x1cd: {  	v35 =	vadd.f32 $1.000000000e+00, v35  }
0x1ce: {  	v36 =	vadd.f32 $1.000000000e+00, v36  }
0x1cf: {  	v35 =	vmul.f32 v54, v35  }
0x1d0: {  	v36 =	vmul.f32 v55, v36  }
0x1d1: {  	v35 =	vtrunc.f32 v35  }
0x1d2: {  	v36 =	vtrunc.f32 v36;
	v35 =	vcvt.f32.s32 v35  }
0x1d3: {  	v36 =	vcvt.f32.s32 v36  }
0x1d4: {  	v35 =	vadd.s32 v25, v35  }
0x1d5: {  	v36 =	vadd.s32 v26, v36;
	_ =	sdelay $0x3  }
0x1d6: {  	[tilespmem:v35+s10+$0x0] =	vst.idx.msk $0xffff, v2  }
0x1d7: {  	[tilespmem:v36+s10+$0x0] =	vst.idx.msk $0x3ff, v2  }
0x1d8: {  	v35 =	vld [tilespmem:s19+$0xFFFFFD80]  }
0x1d9: {  	v36 =	vld [tilespmem:s19+$0xFFFFFD90]  }
0x1da: {  	v56 =	vld [tilespmem:s19+$0x3D80]  }
0x1db: {  	v57 =	vld [tilespmem:s19+$0x3D90];
	_ =	sdelay $0x1  }
0x1dc: {  	v35 =	vadd.f32 $1.000000000e+00, v35  }
0x1dd: {  	v36 =	vadd.f32 $1.000000000e+00, v36  }
0x1de: {  	v35 =	vmul.f32 v56, v35  }
0x1df: {  	v36 =	vmul.f32 v57, v36  }
0x1e0: {  	v35 =	vtrunc.f32 v35  }
0x1e1: {  	v36 =	vtrunc.f32 v36;
	v35 =	vcvt.f32.s32 v35  }
0x1e2: {  	v36 =	vcvt.f32.s32 v36  }
0x1e3: {  	v35 =	vadd.s32 v27, v35  }
0x1e4: {  	v36 =	vadd.s32 v28, v36;
	_ =	sdelay $0x3  }
0x1e5: {  	[tilespmem:v35+s10+$0x0] =	vst.idx.msk $0xffff, v2  }
0x1e6: {  	[tilespmem:v36+s10+$0x0] =	vst.idx.msk $0x3ff, v2  }
0x1e7: {  	v35 =	vld [tilespmem:s19+$0xFFFFFDA0]  }
0x1e8: {  	v36 =	vld [tilespmem:s19+$0xFFFFFDB0]  }
0x1e9: {  	v58 =	vld [tilespmem:s19+$0x3DA0]  }
0x1ea: {  	v59 =	vld [tilespmem:s19+$0x3DB0];
	_ =	sdelay $0x1  }
0x1eb: {  	v35 =	vadd.f32 $1.000000000e+00, v35  }
0x1ec: {  	v36 =	vadd.f32 $1.000000000e+00, v36  }
0x1ed: {  	v35 =	vmul.f32 v58, v35  }
0x1ee: {  	v36 =	vmul.f32 v59, v36  }
0x1ef: {  	v35 =	vtrunc.f32 v35  }
0x1f0: {  	v36 =	vtrunc.f32 v36;
	v35 =	vcvt.f32.s32 v35  }
0x1f1: {  	v36 =	vcvt.f32.s32 v36  }
0x1f2: {  	v35 =	vadd.s32 v29, v35  }
0x1f3: {  	v36 =	vadd.s32 v30, v36;
	_ =	sdelay $0x3  }
0x1f4: {  	[tilespmem:v35+s10+$0x0] =	vst.idx.msk $0xffff, v2  }
0x1f5: {  	[tilespmem:v36+s10+$0x0] =	vst.idx.msk $0x3ff, v2  }
0x1f6: {  	v35 =	vld [tilespmem:s19+$0xFFFFFDC0]  }
0x1f7: {  	v36 =	vld [tilespmem:s19+$0xFFFFFDD0]  }
0x1f8: {  	v60 =	vld [tilespmem:s19+$0x3DC0]  }
0x1f9: {  	v61 =	vld [tilespmem:s19+$0x3DD0];
	_ =	sdelay $0x1  }
0x1fa: {  	v35 =	vadd.f32 $1.000000000e+00, v35  }
0x1fb: {  	v36 =	vadd.f32 $1.000000000e+00, v36  }
0x1fc: {  	v35 =	vmul.f32 v60, v35  }
0x1fd: {  	v36 =	vmul.f32 v61, v36  }
0x1fe: {  	v35 =	vtrunc.f32 v35  }
0x1ff: {  	v36 =	vtrunc.f32 v36;
	v35 =	vcvt.f32.s32 v35  }
0x200: {  	v36 =	vcvt.f32.s32 v36  }
0x201: {  	v35 =	vadd.s32 v31, v35  }
0x202: {  	v36 =	vadd.s32 v32, v36;
	_ =	sdelay $0x3  }
0x203: {  	[tilespmem:v35+s10+$0x0] =	vst.idx.msk $0xffff, v2  }
0x204: {  	[tilespmem:v36+s10+$0x0] =	vst.idx.msk $0x3ff, v2  }
0x205: {  	v35 =	vld [tilespmem:s19+$0xFFFFFDE0]  }
0x206: {  	v36 =	vld [tilespmem:s19+$0xFFFFFDF0]  }
0x207: {  	v62 =	vld [tilespmem:s19+$0x3DE0]  }
0x208: {  	v63 =	vld [tilespmem:s19+$0x3DF0];
	_ =	sdelay $0x1  }
0x209: {  	v35 =	vadd.f32 $1.000000000e+00, v35  }
0x20a: {  	v36 =	vadd.f32 $1.000000000e+00, v36  }
0x20b: {  	v35 =	vmul.f32 v62, v35  }
0x20c: {  	v36 =	vmul.f32 v63, v36  }
0x20d: {  	v35 =	vtrunc.f32 v35  }
0x20e: {  	v36 =	vtrunc.f32 v36;
	v35 =	vcvt.f32.s32 v35  }
0x20f: {  	v36 =	vcvt.f32.s32 v36  }
0x210: {  	v35 =	vadd.s32 v33, v35  }
0x211: {  	v36 =	vadd.s32 v34, v36;
	_ =	sdelay $0x3  }
0x212: {  	[tilespmem:v35+s10+$0x0] =	vst.idx.msk $0xffff, v2  }
0x213: {  	s19 =	smov.u32 s15;
	[tilespmem:v36+s10+$0x0] =	vst.idx.msk $0x3ff, v2  }
.LBB2_6:
0x214: {  	v35 =	vld [tilespmem:s19+$0x0];
	s20 =	sor.u32 $0x10, s19  }
0x215: {  	v36 =	vld [tilespmem:s20+$0x0]  }
0x216: {  	v37 =	vld [tilespmem:s19+$0x4000]  }
0x217: {  	v38 =	vld [tilespmem:s19+$0x4010];
	_ =	sdelay $0x1  }
0x218: {  	v35 =	vadd.f32 $1.000000000e+00, v35  }
0x219: {  	v36 =	vadd.f32 $1.000000000e+00, v36  }
0x21a: {  	v35 =	vmul.f32 v37, v35  }
0x21b: {  	v36 =	vmul.f32 v38, v36  }
0x21c: {  	v35 =	vtrunc.f32 v35  }
0x21d: {  	v35 =	vcvt.f32.s32 v35;
	v36 =	vtrunc.f32 v36  }
0x21e: {  	v36 =	vcvt.f32.s32 v36  }
0x21f: {  	v35 =	vadd.s32 v1, v35  }
0x220: {  	v36 =	vadd.s32 v4, v36;
	_ =	sdelay $0x3  }
0x221: {  	[tilespmem:v35+s10+$0x0] =	vst.idx.msk $0xffff, v3  }
0x222: {  	s21 =	sor.u32 $0x20, s19;
	[tilespmem:v36+s10+$0x0] =	vst.idx.msk $0x3ff, v3  }
0x223: {  	s22 =	sor.u32 $0x30, s19;
	v35 =	vld [tilespmem:s21+$0x0]  }
0x224: {  	v36 =	vld [tilespmem:s22+$0x0]  }
0x225: {  	v58 =	vld [tilespmem:s19+$0x4020]  }
0x226: {  	v59 =	vld [tilespmem:s19+$0x4030];
	_ =	sdelay $0x1  }
0x227: {  	v35 =	vadd.f32 $1.000000000e+00, v35  }
0x228: {  	v36 =	vadd.f32 $1.000000000e+00, v36  }
0x229: {  	v35 =	vmul.f32 v58, v35  }
0x22a: {  	v36 =	vmul.f32 v59, v36  }
0x22b: {  	v35 =	vtrunc.f32 v35  }
0x22c: {  	v36 =	vtrunc.f32 v36;
	v35 =	vcvt.f32.s32 v35  }
0x22d: {  	v36 =	vcvt.f32.s32 v36  }
0x22e: {  	v35 =	vadd.s32 v5, v35  }
0x22f: {  	v36 =	vadd.s32 v6, v36;
	_ =	sdelay $0x3  }
0x230: {  	[tilespmem:v35+s10+$0x0] =	vst.idx.msk $0xffff, v3  }
0x231: {  	s23 =	sor.u32 $0x40, s19;
	[tilespmem:v36+s10+$0x0] =	vst.idx.msk $0x3ff, v3  }
0x232: {  	s24 =	sor.u32 $0x50, s19;
	v35 =	vld [tilespmem:s23+$0x0]  }
0x233: {  	v36 =	vld [tilespmem:s24+$0x0]  }
0x234: {  	v60 =	vld [tilespmem:s19+$0x4040]  }
0x235: {  	v61 =	vld [tilespmem:s19+$0x4050];
	_ =	sdelay $0x1  }
0x236: {  	v35 =	vadd.f32 $1.000000000e+00, v35  }
0x237: {  	v36 =	vadd.f32 $1.000000000e+00, v36  }
0x238: {  	v35 =	vmul.f32 v60, v35  }
0x239: {  	v36 =	vmul.f32 v61, v36  }
0x23a: {  	v35 =	vtrunc.f32 v35  }
0x23b: {  	v36 =	vtrunc.f32 v36;
	v35 =	vcvt.f32.s32 v35  }
0x23c: {  	v36 =	vcvt.f32.s32 v36  }
0x23d: {  	v35 =	vadd.s32 v7, v35  }
0x23e: {  	v36 =	vadd.s32 v8, v36;
	_ =	sdelay $0x3  }
0x23f: {  	[tilespmem:v35+s10+$0x0] =	vst.idx.msk $0xffff, v3  }
0x240: {  	s25 =	sor.u32 $0x60, s19;
	[tilespmem:v36+s10+$0x0] =	vst.idx.msk $0x3ff, v3  }
0x241: {  	s26 =	sor.u32 $0x70, s19;
	v35 =	vld [tilespmem:s25+$0x0]  }
0x242: {  	v36 =	vld [tilespmem:s26+$0x0]  }
0x243: {  	v62 =	vld [tilespmem:s19+$0x4060]  }
0x244: {  	v63 =	vld [tilespmem:s19+$0x4070];
	_ =	sdelay $0x1  }
0x245: {  	v35 =	vadd.f32 $1.000000000e+00, v35  }
0x246: {  	v36 =	vadd.f32 $1.000000000e+00, v36  }
0x247: {  	v35 =	vmul.f32 v62, v35  }
0x248: {  	v36 =	vmul.f32 v63, v36  }
0x249: {  	v35 =	vtrunc.f32 v35  }
0x24a: {  	v36 =	vtrunc.f32 v36;
	v35 =	vcvt.f32.s32 v35  }
0x24b: {  	v36 =	vcvt.f32.s32 v36  }
0x24c: {  	v35 =	vadd.s32 v9, v35  }
0x24d: {  	v36 =	vadd.s32 v10, v36;
	_ =	sdelay $0x3  }
0x24e: {  	[tilespmem:v35+s10+$0x0] =	vst.idx.msk $0xffff, v3  }
0x24f: {  	s28 =	sor.u32 $0x80, s19;
	[tilespmem:v36+s10+$0x0] =	vst.idx.msk $0x3ff, v3  }
0x250: {  	s29 =	sor.u32 $0x90, s19;
	v35 =	vld [tilespmem:s28+$0x0]  }
0x251: {  	v36 =	vld [tilespmem:s29+$0x0]  }
0x252: {  	v40 =	vld [tilespmem:s19+$0x4080]  }
0x253: {  	v41 =	vld [tilespmem:s19+$0x4090];
	_ =	sdelay $0x1  }
0x254: {  	v35 =	vadd.f32 $1.000000000e+00, v35  }
0x255: {  	v36 =	vadd.f32 $1.000000000e+00, v36  }
0x256: {  	v35 =	vmul.f32 v40, v35  }
0x257: {  	v36 =	vmul.f32 v41, v36  }
0x258: {  	v35 =	vtrunc.f32 v35  }
0x259: {  	v36 =	vtrunc.f32 v36;
	v35 =	vcvt.f32.s32 v35  }
0x25a: {  	v36 =	vcvt.f32.s32 v36  }
0x25b: {  	v35 =	vadd.s32 v11, v35  }
0x25c: {  	v36 =	vadd.s32 v12, v36;
	_ =	sdelay $0x3  }
0x25d: {  	[tilespmem:v35+s10+$0x0] =	vst.idx.msk $0xffff, v3  }
0x25e: {  	s30 =	sor.u32 $0xA0, s19;
	[tilespmem:v36+s10+$0x0] =	vst.idx.msk $0x3ff, v3  }
0x25f: {  	s31 =	sor.u32 $0xB0, s19;
	v35 =	vld [tilespmem:s30+$0x0]  }
0x260: {  	v36 =	vld [tilespmem:s31+$0x0]  }
0x261: {  	v42 =	vld [tilespmem:s19+$0x40A0]  }
0x262: {  	v43 =	vld [tilespmem:s19+$0x40B0];
	_ =	sdelay $0x1  }
0x263: {  	v35 =	vadd.f32 $1.000000000e+00, v35  }
0x264: {  	v36 =	vadd.f32 $1.000000000e+00, v36  }
0x265: {  	v35 =	vmul.f32 v42, v35  }
0x266: {  	v36 =	vmul.f32 v43, v36  }
0x267: {  	v35 =	vtrunc.f32 v35  }
0x268: {  	v36 =	vtrunc.f32 v36;
	v35 =	vcvt.f32.s32 v35  }
0x269: {  	v36 =	vcvt.f32.s32 v36  }
0x26a: {  	v35 =	vadd.s32 v13, v35  }
0x26b: {  	v36 =	vadd.s32 v14, v36;
	_ =	sdelay $0x3  }
0x26c: {  	[tilespmem:v35+s10+$0x0] =	vst.idx.msk $0xffff, v3  }
0x26d: {  	s21 =	sor.u32 $0xC0, s19;
	[tilespmem:v36+s10+$0x0] =	vst.idx.msk $0x3ff, v3  }
0x26e: {  	s22 =	sor.u32 $0xD0, s19;
	v35 =	vld [tilespmem:s21+$0x0]  }
0x26f: {  	v36 =	vld [tilespmem:s22+$0x0]  }
0x270: {  	v44 =	vld [tilespmem:s19+$0x40C0]  }
0x271: {  	v45 =	vld [tilespmem:s19+$0x40D0];
	_ =	sdelay $0x1  }
0x272: {  	v35 =	vadd.f32 $1.000000000e+00, v35  }
0x273: {  	v36 =	vadd.f32 $1.000000000e+00, v36  }
0x274: {  	v35 =	vmul.f32 v44, v35  }
0x275: {  	v36 =	vmul.f32 v45, v36  }
0x276: {  	v35 =	vtrunc.f32 v35  }
0x277: {  	v36 =	vtrunc.f32 v36;
	v35 =	vcvt.f32.s32 v35  }
0x278: {  	v36 =	vcvt.f32.s32 v36  }
0x279: {  	v35 =	vadd.s32 v15, v35  }
0x27a: {  	v36 =	vadd.s32 v16, v36;
	_ =	sdelay $0x3  }
0x27b: {  	[tilespmem:v35+s10+$0x0] =	vst.idx.msk $0xffff, v3  }
0x27c: {  	s23 =	sor.u32 $0xE0, s19;
	[tilespmem:v36+s10+$0x0] =	vst.idx.msk $0x3ff, v3  }
0x27d: {  	s24 =	sor.u32 $0xF0, s19;
	v35 =	vld [tilespmem:s23+$0x0]  }
0x27e: {  	v36 =	vld [tilespmem:s24+$0x0]  }
0x27f: {  	v46 =	vld [tilespmem:s19+$0x40E0]  }
0x280: {  	v47 =	vld [tilespmem:s19+$0x40F0];
	_ =	sdelay $0x1  }
0x281: {  	v35 =	vadd.f32 $1.000000000e+00, v35  }
0x282: {  	v36 =	vadd.f32 $1.000000000e+00, v36  }
0x283: {  	v35 =	vmul.f32 v46, v35  }
0x284: {  	v36 =	vmul.f32 v47, v36  }
0x285: {  	v35 =	vtrunc.f32 v35  }
0x286: {  	v36 =	vtrunc.f32 v36;
	v35 =	vcvt.f32.s32 v35  }
0x287: {  	v36 =	vcvt.f32.s32 v36  }
0x288: {  	v35 =	vadd.s32 v17, v35  }
0x289: {  	v36 =	vadd.s32 v18, v36;
	_ =	sdelay $0x3  }
0x28a: {  	[tilespmem:v35+s10+$0x0] =	vst.idx.msk $0xffff, v3  }
0x28b: {  	s25 =	sor.u32 $0x100, s19;
	[tilespmem:v36+s10+$0x0] =	vst.idx.msk $0x3ff, v3  }
0x28c: {  	s26 =	sor.u32 $0x110, s19;
	v35 =	vld [tilespmem:s25+$0x0]  }
0x28d: {  	v36 =	vld [tilespmem:s26+$0x0]  }
0x28e: {  	v48 =	vld [tilespmem:s19+$0x4100]  }
0x28f: {  	v49 =	vld [tilespmem:s19+$0x4110];
	_ =	sdelay $0x1  }
0x290: {  	v35 =	vadd.f32 $1.000000000e+00, v35  }
0x291: {  	v36 =	vadd.f32 $1.000000000e+00, v36  }
0x292: {  	v35 =	vmul.f32 v48, v35  }
0x293: {  	v36 =	vmul.f32 v49, v36  }
0x294: {  	v35 =	vtrunc.f32 v35  }
0x295: {  	v36 =	vtrunc.f32 v36;
	v35 =	vcvt.f32.s32 v35  }
0x296: {  	v36 =	vcvt.f32.s32 v36  }
0x297: {  	v35 =	vadd.s32 v19, v35  }
0x298: {  	v36 =	vadd.s32 v20, v36;
	_ =	sdelay $0x3  }
0x299: {  	[tilespmem:v35+s10+$0x0] =	vst.idx.msk $0xffff, v3  }
0x29a: {  	s28 =	sor.u32 $0x120, s19;
	[tilespmem:v36+s10+$0x0] =	vst.idx.msk $0x3ff, v3  }
0x29b: {  	s29 =	sor.u32 $0x130, s19;
	v35 =	vld [tilespmem:s28+$0x0]  }
0x29c: {  	v36 =	vld [tilespmem:s29+$0x0]  }
0x29d: {  	v50 =	vld [tilespmem:s19+$0x4120]  }
0x29e: {  	v51 =	vld [tilespmem:s19+$0x4130];
	_ =	sdelay $0x1  }
0x29f: {  	v35 =	vadd.f32 $1.000000000e+00, v35  }
0x2a0: {  	v36 =	vadd.f32 $1.000000000e+00, v36  }
0x2a1: {  	v35 =	vmul.f32 v50, v35  }
0x2a2: {  	v36 =	vmul.f32 v51, v36  }
0x2a3: {  	v35 =	vtrunc.f32 v35  }
0x2a4: {  	v36 =	vtrunc.f32 v36;
	v35 =	vcvt.f32.s32 v35  }
0x2a5: {  	v36 =	vcvt.f32.s32 v36  }
0x2a6: {  	v35 =	vadd.s32 v21, v35  }
0x2a7: {  	v36 =	vadd.s32 v22, v36;
	_ =	sdelay $0x3  }
0x2a8: {  	[tilespmem:v35+s10+$0x0] =	vst.idx.msk $0xffff, v3  }
0x2a9: {  	s30 =	sor.u32 $0x140, s19;
	[tilespmem:v36+s10+$0x0] =	vst.idx.msk $0x3ff, v3  }
0x2aa: {  	s31 =	sor.u32 $0x150, s19;
	v35 =	vld [tilespmem:s30+$0x0]  }
0x2ab: {  	v36 =	vld [tilespmem:s31+$0x0]  }
0x2ac: {  	v52 =	vld [tilespmem:s19+$0x4140]  }
0x2ad: {  	v53 =	vld [tilespmem:s19+$0x4150];
	_ =	sdelay $0x1  }
0x2ae: {  	v35 =	vadd.f32 $1.000000000e+00, v35  }
0x2af: {  	v36 =	vadd.f32 $1.000000000e+00, v36  }
0x2b0: {  	v35 =	vmul.f32 v52, v35  }
0x2b1: {  	v36 =	vmul.f32 v53, v36  }
0x2b2: {  	v35 =	vtrunc.f32 v35  }
0x2b3: {  	v36 =	vtrunc.f32 v36;
	v35 =	vcvt.f32.s32 v35  }
0x2b4: {  	v36 =	vcvt.f32.s32 v36  }
0x2b5: {  	v35 =	vadd.s32 v23, v35  }
0x2b6: {  	v36 =	vadd.s32 v24, v36;
	_ =	sdelay $0x3  }
0x2b7: {  	[tilespmem:v35+s10+$0x0] =	vst.idx.msk $0xffff, v3  }
0x2b8: {  	s21 =	sor.u32 $0x160, s19;
	[tilespmem:v36+s10+$0x0] =	vst.idx.msk $0x3ff, v3  }
0x2b9: {  	s22 =	sor.u32 $0x170, s19;
	v35 =	vld [tilespmem:s21+$0x0]  }
0x2ba: {  	v36 =	vld [tilespmem:s22+$0x0]  }
0x2bb: {  	v54 =	vld [tilespmem:s19+$0x4160]  }
0x2bc: {  	v55 =	vld [tilespmem:s19+$0x4170];
	_ =	sdelay $0x1  }
0x2bd: {  	v35 =	vadd.f32 $1.000000000e+00, v35  }
0x2be: {  	v36 =	vadd.f32 $1.000000000e+00, v36  }
0x2bf: {  	v35 =	vmul.f32 v54, v35  }
0x2c0: {  	v36 =	vmul.f32 v55, v36  }
0x2c1: {  	v35 =	vtrunc.f32 v35  }
0x2c2: {  	v36 =	vtrunc.f32 v36;
	v35 =	vcvt.f32.s32 v35  }
0x2c3: {  	v36 =	vcvt.f32.s32 v36  }
0x2c4: {  	v35 =	vadd.s32 v25, v35  }
0x2c5: {  	v36 =	vadd.s32 v26, v36;
	_ =	sdelay $0x3  }
0x2c6: {  	[tilespmem:v35+s10+$0x0] =	vst.idx.msk $0xffff, v3  }
0x2c7: {  	s23 =	sor.u32 $0x180, s19;
	[tilespmem:v36+s10+$0x0] =	vst.idx.msk $0x3ff, v3  }
0x2c8: {  	s24 =	sor.u32 $0x190, s19;
	v35 =	vld [tilespmem:s23+$0x0]  }
0x2c9: {  	v36 =	vld [tilespmem:s24+$0x0]  }
0x2ca: {  	v56 =	vld [tilespmem:s19+$0x4180]  }
0x2cb: {  	v57 =	vld [tilespmem:s19+$0x4190];
	_ =	sdelay $0x1  }
0x2cc: {  	v35 =	vadd.f32 $1.000000000e+00, v35  }
0x2cd: {  	v36 =	vadd.f32 $1.000000000e+00, v36  }
0x2ce: {  	v35 =	vmul.f32 v56, v35  }
0x2cf: {  	v36 =	vmul.f32 v57, v36  }
0x2d0: {  	v35 =	vtrunc.f32 v35  }
0x2d1: {  	v36 =	vtrunc.f32 v36;
	v35 =	vcvt.f32.s32 v35  }
0x2d2: {  	v36 =	vcvt.f32.s32 v36  }
0x2d3: {  	v35 =	vadd.s32 v27, v35  }
0x2d4: {  	v36 =	vadd.s32 v28, v36;
	_ =	sdelay $0x3  }
0x2d5: {  	[tilespmem:v35+s10+$0x0] =	vst.idx.msk $0xffff, v3  }
0x2d6: {  	s25 =	sor.u32 $0x1A0, s19;
	[tilespmem:v36+s10+$0x0] =	vst.idx.msk $0x3ff, v3  }
0x2d7: {  	s26 =	sor.u32 $0x1B0, s19;
	v35 =	vld [tilespmem:s25+$0x0]  }
0x2d8: {  	v36 =	vld [tilespmem:s26+$0x0]  }
0x2d9: {  	v58 =	vld [tilespmem:s19+$0x41A0]  }
0x2da: {  	v59 =	vld [tilespmem:s19+$0x41B0];
	_ =	sdelay $0x1  }
0x2db: {  	v35 =	vadd.f32 $1.000000000e+00, v35  }
0x2dc: {  	v36 =	vadd.f32 $1.000000000e+00, v36  }
0x2dd: {  	v35 =	vmul.f32 v58, v35  }
0x2de: {  	v36 =	vmul.f32 v59, v36  }
0x2df: {  	v35 =	vtrunc.f32 v35  }
0x2e0: {  	v36 =	vtrunc.f32 v36;
	v35 =	vcvt.f32.s32 v35  }
0x2e1: {  	v36 =	vcvt.f32.s32 v36  }
0x2e2: {  	v35 =	vadd.s32 v29, v35  }
0x2e3: {  	v36 =	vadd.s32 v30, v36;
	_ =	sdelay $0x3  }
0x2e4: {  	[tilespmem:v35+s10+$0x0] =	vst.idx.msk $0xffff, v3  }
0x2e5: {  	s28 =	sor.u32 $0x1C0, s19;
	[tilespmem:v36+s10+$0x0] =	vst.idx.msk $0x3ff, v3  }
0x2e6: {  	s29 =	sor.u32 $0x1D0, s19;
	v35 =	vld [tilespmem:s28+$0x0]  }
0x2e7: {  	v36 =	vld [tilespmem:s29+$0x0]  }
0x2e8: {  	v60 =	vld [tilespmem:s19+$0x41C0]  }
0x2e9: {  	v61 =	vld [tilespmem:s19+$0x41D0];
	_ =	sdelay $0x1  }
0x2ea: {  	v35 =	vadd.f32 $1.000000000e+00, v35  }
0x2eb: {  	v36 =	vadd.f32 $1.000000000e+00, v36  }
0x2ec: {  	v35 =	vmul.f32 v60, v35  }
0x2ed: {  	v36 =	vmul.f32 v61, v36  }
0x2ee: {  	v35 =	vtrunc.f32 v35  }
0x2ef: {  	v36 =	vtrunc.f32 v36;
	v35 =	vcvt.f32.s32 v35  }
0x2f0: {  	v36 =	vcvt.f32.s32 v36  }
0x2f1: {  	v35 =	vadd.s32 v31, v35  }
0x2f2: {  	v36 =	vadd.s32 v32, v36;
	_ =	sdelay $0x3  }
0x2f3: {  	[tilespmem:v35+s10+$0x0] =	vst.idx.msk $0xffff, v3  }
0x2f4: {  	s30 =	sor.u32 $0x1E0, s19;
	[tilespmem:v36+s10+$0x0] =	vst.idx.msk $0x3ff, v3  }
0x2f5: {  	s31 =	sor.u32 $0x1F0, s19;
	v35 =	vld [tilespmem:s30+$0x0]  }
0x2f6: {  	v36 =	vld [tilespmem:s31+$0x0]  }
0x2f7: {  	v62 =	vld [tilespmem:s19+$0x41E0]  }
0x2f8: {  	v63 =	vld [tilespmem:s19+$0x41F0];
	_ =	sdelay $0x1  }
0x2f9: {  	v35 =	vadd.f32 $1.000000000e+00, v35  }
0x2fa: {  	v36 =	vadd.f32 $1.000000000e+00, v36  }
0x2fb: {  	v35 =	vmul.f32 v62, v35  }
0x2fc: {  	v36 =	vmul.f32 v63, v36  }
0x2fd: {  	v35 =	vtrunc.f32 v35  }
0x2fe: {  	v36 =	vtrunc.f32 v36;
	v35 =	vcvt.f32.s32 v35  }
0x2ff: {  	v36 =	vcvt.f32.s32 v36  }
0x300: {  	v35 =	vadd.s32 v33, v35  }
0x301: {  	v36 =	vadd.s32 v34, v36;
	_ =	sdelay $0x1  }
.Ltmp6:
0x302: {  	_ = 	snop;
	(pc) =	sbr.rel @p0 .LBB2_8-.Ltmp6, $4  }
0x303: {  	_ = 	snop  }
0x304: {  	[tilespmem:v35+s10+$0x0] =	vst.idx.msk $0xffff, v3  }
0x305: {  	[tilespmem:v36+s10+$0x0] =	vst.idx.msk $0x3ff, v3  }
0x306: {  	[hbm4b:s16+s2] =	stream.linear.scatter [tilespmem:s10], [sflag:$0x1], $0xA420, $0x38;
	[tilespmem:$0x1C900] =	vst v63  }
0x307: {  	_ =	swait.ge [sflag:s13], $0xA420  }
0x308: {  	[sflag:s13] =	ssyncset.done $0x0  }
0x309: {  	[sflag:s13] =	ssyncadd.s32 $0xFFFF5BE0  }
0x30a: {  	v35 =	vld [tilespmem:s19+$0xFFFFFE00]  }
0x30b: {  	v36 =	vld [tilespmem:s19+$0xFFFFFE10]  }
0x30c: {  	v37 =	vld [tilespmem:s19+$0x3E00]  }
0x30d: {  	v38 =	vld [tilespmem:s19+$0x3E10];
	_ =	sdelay $0x1  }
0x30e: {  	v35 =	vadd.f32 $1.000000000e+00, v35  }
0x30f: {  	v36 =	vadd.f32 $1.000000000e+00, v36  }
0x310: {  	v35 =	vmul.f32 v37, v35  }
0x311: {  	v36 =	vmul.f32 v38, v36  }
0x312: {  	v35 =	vtrunc.f32 v35  }
0x313: {  	v36 =	vtrunc.f32 v36;
	v35 =	vcvt.f32.s32 v35  }
0x314: {  	v36 =	vcvt.f32.s32 v36  }
0x315: {  	v35 =	vadd.s32 v1, v35  }
0x316: {  	v36 =	vadd.s32 v4, v36;
	_ =	sdelay $0x3  }
0x317: {  	[tilespmem:v35+s11+$0x0] =	vst.idx.msk $0xffff, v2  }
0x318: {  	[tilespmem:v36+s11+$0x0] =	vst.idx.msk $0x3ff, v2  }
0x319: {  	v35 =	vld [tilespmem:s19+$0xFFFFFE20]  }
0x31a: {  	v36 =	vld [tilespmem:s19+$0xFFFFFE30]  }
0x31b: {  	v58 =	vld [tilespmem:s19+$0x3E20]  }
0x31c: {  	v59 =	vld [tilespmem:s19+$0x3E30];
	_ =	sdelay $0x1  }
0x31d: {  	v35 =	vadd.f32 $1.000000000e+00, v35  }
0x31e: {  	v36 =	vadd.f32 $1.000000000e+00, v36  }
0x31f: {  	v35 =	vmul.f32 v58, v35  }
0x320: {  	v36 =	vmul.f32 v59, v36  }
0x321: {  	v35 =	vtrunc.f32 v35  }
0x322: {  	v36 =	vtrunc.f32 v36;
	v35 =	vcvt.f32.s32 v35  }
0x323: {  	v36 =	vcvt.f32.s32 v36  }
0x324: {  	v35 =	vadd.s32 v5, v35  }
0x325: {  	v36 =	vadd.s32 v6, v36;
	_ =	sdelay $0x3  }
0x326: {  	[tilespmem:v35+s11+$0x0] =	vst.idx.msk $0xffff, v2  }
0x327: {  	[tilespmem:v36+s11+$0x0] =	vst.idx.msk $0x3ff, v2  }
0x328: {  	v35 =	vld [tilespmem:s19+$0xFFFFFE40]  }
0x329: {  	v36 =	vld [tilespmem:s19+$0xFFFFFE50]  }
0x32a: {  	v60 =	vld [tilespmem:s19+$0x3E40]  }
0x32b: {  	v61 =	vld [tilespmem:s19+$0x3E50];
	_ =	sdelay $0x1  }
0x32c: {  	v35 =	vadd.f32 $1.000000000e+00, v35  }
0x32d: {  	v36 =	vadd.f32 $1.000000000e+00, v36  }
0x32e: {  	v35 =	vmul.f32 v60, v35  }
0x32f: {  	v36 =	vmul.f32 v61, v36  }
0x330: {  	v35 =	vtrunc.f32 v35  }
0x331: {  	v36 =	vtrunc.f32 v36;
	v35 =	vcvt.f32.s32 v35  }
0x332: {  	v36 =	vcvt.f32.s32 v36  }
0x333: {  	v35 =	vadd.s32 v7, v35  }
0x334: {  	v36 =	vadd.s32 v8, v36;
	_ =	sdelay $0x3  }
0x335: {  	[tilespmem:v35+s11+$0x0] =	vst.idx.msk $0xffff, v2  }
0x336: {  	[tilespmem:v36+s11+$0x0] =	vst.idx.msk $0x3ff, v2  }
0x337: {  	v35 =	vld [tilespmem:s19+$0xFFFFFE60]  }
0x338: {  	v36 =	vld [tilespmem:s19+$0xFFFFFE70]  }
0x339: {  	v62 =	vld [tilespmem:s19+$0x3E60]  }
0x33a: {  	v63 =	vld [tilespmem:s19+$0x3E70];
	_ =	sdelay $0x1  }
0x33b: {  	v35 =	vadd.f32 $1.000000000e+00, v35  }
0x33c: {  	v36 =	vadd.f32 $1.000000000e+00, v36  }
0x33d: {  	v35 =	vmul.f32 v62, v35  }
0x33e: {  	v36 =	vmul.f32 v63, v36  }
0x33f: {  	v35 =	vtrunc.f32 v35  }
0x340: {  	v36 =	vtrunc.f32 v36;
	v35 =	vcvt.f32.s32 v35  }
0x341: {  	v36 =	vcvt.f32.s32 v36  }
0x342: {  	v35 =	vadd.s32 v9, v35  }
0x343: {  	v36 =	vadd.s32 v10, v36;
	_ =	sdelay $0x3  }
0x344: {  	[tilespmem:v35+s11+$0x0] =	vst.idx.msk $0xffff, v2  }
0x345: {  	[tilespmem:v36+s11+$0x0] =	vst.idx.msk $0x3ff, v2  }
0x346: {  	v35 =	vld [tilespmem:s19+$0xFFFFFE80]  }
0x347: {  	v36 =	vld [tilespmem:s19+$0xFFFFFE90]  }
0x348: {  	v40 =	vld [tilespmem:s19+$0x3E80]  }
0x349: {  	v41 =	vld [tilespmem:s19+$0x3E90];
	_ =	sdelay $0x1  }
0x34a: {  	v35 =	vadd.f32 $1.000000000e+00, v35  }
0x34b: {  	v36 =	vadd.f32 $1.000000000e+00, v36  }
0x34c: {  	v35 =	vmul.f32 v40, v35  }
0x34d: {  	v36 =	vmul.f32 v41, v36  }
0x34e: {  	v35 =	vtrunc.f32 v35  }
0x34f: {  	v36 =	vtrunc.f32 v36;
	v35 =	vcvt.f32.s32 v35  }
0x350: {  	v36 =	vcvt.f32.s32 v36  }
0x351: {  	v35 =	vadd.s32 v11, v35  }
0x352: {  	v36 =	vadd.s32 v12, v36;
	_ =	sdelay $0x3  }
0x353: {  	[tilespmem:v35+s11+$0x0] =	vst.idx.msk $0xffff, v2  }
0x354: {  	[tilespmem:v36+s11+$0x0] =	vst.idx.msk $0x3ff, v2  }
0x355: {  	v35 =	vld [tilespmem:s19+$0xFFFFFEA0]  }
0x356: {  	v36 =	vld [tilespmem:s19+$0xFFFFFEB0]  }
0x357: {  	v42 =	vld [tilespmem:s19+$0x3EA0]  }
0x358: {  	v43 =	vld [tilespmem:s19+$0x3EB0];
	_ =	sdelay $0x1  }
0x359: {  	v35 =	vadd.f32 $1.000000000e+00, v35  }
0x35a: {  	v36 =	vadd.f32 $1.000000000e+00, v36  }
0x35b: {  	v35 =	vmul.f32 v42, v35  }
0x35c: {  	v36 =	vmul.f32 v43, v36  }
0x35d: {  	v35 =	vtrunc.f32 v35  }
0x35e: {  	v36 =	vtrunc.f32 v36;
	v35 =	vcvt.f32.s32 v35  }
0x35f: {  	v36 =	vcvt.f32.s32 v36  }
0x360: {  	v35 =	vadd.s32 v13, v35  }
0x361: {  	v36 =	vadd.s32 v14, v36;
	_ =	sdelay $0x3  }
0x362: {  	[tilespmem:v35+s11+$0x0] =	vst.idx.msk $0xffff, v2  }
0x363: {  	[tilespmem:v36+s11+$0x0] =	vst.idx.msk $0x3ff, v2  }
0x364: {  	v35 =	vld [tilespmem:s19+$0xFFFFFEC0]  }
0x365: {  	v36 =	vld [tilespmem:s19+$0xFFFFFED0]  }
0x366: {  	v44 =	vld [tilespmem:s19+$0x3EC0]  }
0x367: {  	v45 =	vld [tilespmem:s19+$0x3ED0];
	_ =	sdelay $0x1  }
0x368: {  	v35 =	vadd.f32 $1.000000000e+00, v35  }
0x369: {  	v36 =	vadd.f32 $1.000000000e+00, v36  }
0x36a: {  	v35 =	vmul.f32 v44, v35  }
0x36b: {  	v36 =	vmul.f32 v45, v36  }
0x36c: {  	v35 =	vtrunc.f32 v35  }
0x36d: {  	v36 =	vtrunc.f32 v36;
	v35 =	vcvt.f32.s32 v35  }
0x36e: {  	v36 =	vcvt.f32.s32 v36  }
0x36f: {  	v35 =	vadd.s32 v15, v35  }
0x370: {  	v36 =	vadd.s32 v16, v36;
	_ =	sdelay $0x3  }
0x371: {  	[tilespmem:v35+s11+$0x0] =	vst.idx.msk $0xffff, v2  }
0x372: {  	[tilespmem:v36+s11+$0x0] =	vst.idx.msk $0x3ff, v2  }
0x373: {  	v35 =	vld [tilespmem:s19+$0xFFFFFEE0]  }
0x374: {  	v36 =	vld [tilespmem:s19+$0xFFFFFEF0]  }
0x375: {  	v46 =	vld [tilespmem:s19+$0x3EE0]  }
0x376: {  	v47 =	vld [tilespmem:s19+$0x3EF0];
	_ =	sdelay $0x1  }
0x377: {  	v35 =	vadd.f32 $1.000000000e+00, v35  }
0x378: {  	v36 =	vadd.f32 $1.000000000e+00, v36  }
0x379: {  	v35 =	vmul.f32 v46, v35  }
0x37a: {  	v36 =	vmul.f32 v47, v36  }
0x37b: {  	v35 =	vtrunc.f32 v35  }
0x37c: {  	v36 =	vtrunc.f32 v36;
	v35 =	vcvt.f32.s32 v35  }
0x37d: {  	v36 =	vcvt.f32.s32 v36  }
0x37e: {  	v35 =	vadd.s32 v17, v35  }
0x37f: {  	v36 =	vadd.s32 v18, v36;
	_ =	sdelay $0x3  }
0x380: {  	[tilespmem:v35+s11+$0x0] =	vst.idx.msk $0xffff, v2  }
0x381: {  	[tilespmem:v36+s11+$0x0] =	vst.idx.msk $0x3ff, v2  }
0x382: {  	v35 =	vld [tilespmem:s19+$0xFFFFFF00]  }
0x383: {  	v36 =	vld [tilespmem:s19+$0xFFFFFF10]  }
0x384: {  	v48 =	vld [tilespmem:s19+$0x3F00]  }
0x385: {  	v49 =	vld [tilespmem:s19+$0x3F10];
	_ =	sdelay $0x1  }
0x386: {  	v35 =	vadd.f32 $1.000000000e+00, v35  }
0x387: {  	v36 =	vadd.f32 $1.000000000e+00, v36  }
0x388: {  	v35 =	vmul.f32 v48, v35  }
0x389: {  	v36 =	vmul.f32 v49, v36  }
0x38a: {  	v35 =	vtrunc.f32 v35  }
0x38b: {  	v36 =	vtrunc.f32 v36;
	v35 =	vcvt.f32.s32 v35  }
0x38c: {  	v36 =	vcvt.f32.s32 v36  }
0x38d: {  	v35 =	vadd.s32 v19, v35  }
0x38e: {  	v36 =	vadd.s32 v20, v36;
	_ =	sdelay $0x3  }
0x38f: {  	[tilespmem:v35+s11+$0x0] =	vst.idx.msk $0xffff, v2  }
0x390: {  	[tilespmem:v36+s11+$0x0] =	vst.idx.msk $0x3ff, v2  }
0x391: {  	v35 =	vld [tilespmem:s19+$0xFFFFFF20]  }
0x392: {  	v36 =	vld [tilespmem:s19+$0xFFFFFF30]  }
0x393: {  	v50 =	vld [tilespmem:s19+$0x3F20]  }
0x394: {  	v51 =	vld [tilespmem:s19+$0x3F30];
	_ =	sdelay $0x1  }
0x395: {  	v35 =	vadd.f32 $1.000000000e+00, v35  }
0x396: {  	v36 =	vadd.f32 $1.000000000e+00, v36  }
0x397: {  	v35 =	vmul.f32 v50, v35  }
0x398: {  	v36 =	vmul.f32 v51, v36  }
0x399: {  	v35 =	vtrunc.f32 v35  }
0x39a: {  	v36 =	vtrunc.f32 v36;
	v35 =	vcvt.f32.s32 v35  }
0x39b: {  	v36 =	vcvt.f32.s32 v36  }
0x39c: {  	v35 =	vadd.s32 v21, v35  }
0x39d: {  	v36 =	vadd.s32 v22, v36;
	_ =	sdelay $0x3  }
0x39e: {  	[tilespmem:v35+s11+$0x0] =	vst.idx.msk $0xffff, v2  }
0x39f: {  	[tilespmem:v36+s11+$0x0] =	vst.idx.msk $0x3ff, v2  }
0x3a0: {  	v35 =	vld [tilespmem:s19+$0xFFFFFF40]  }
0x3a1: {  	v36 =	vld [tilespmem:s19+$0xFFFFFF50]  }
0x3a2: {  	v52 =	vld [tilespmem:s19+$0x3F40]  }
0x3a3: {  	v53 =	vld [tilespmem:s19+$0x3F50];
	_ =	sdelay $0x1  }
0x3a4: {  	v35 =	vadd.f32 $1.000000000e+00, v35  }
0x3a5: {  	v36 =	vadd.f32 $1.000000000e+00, v36  }
0x3a6: {  	v35 =	vmul.f32 v52, v35  }
0x3a7: {  	v36 =	vmul.f32 v53, v36  }
0x3a8: {  	v35 =	vtrunc.f32 v35  }
0x3a9: {  	v36 =	vtrunc.f32 v36;
	v35 =	vcvt.f32.s32 v35  }
0x3aa: {  	v36 =	vcvt.f32.s32 v36  }
0x3ab: {  	v35 =	vadd.s32 v23, v35  }
0x3ac: {  	v36 =	vadd.s32 v24, v36;
	_ =	sdelay $0x3  }
0x3ad: {  	[tilespmem:v35+s11+$0x0] =	vst.idx.msk $0xffff, v2  }
0x3ae: {  	[tilespmem:v36+s11+$0x0] =	vst.idx.msk $0x3ff, v2  }
0x3af: {  	v35 =	vld [tilespmem:s19+$0xFFFFFF60]  }
0x3b0: {  	v36 =	vld [tilespmem:s19+$0xFFFFFF70]  }
0x3b1: {  	v54 =	vld [tilespmem:s19+$0x3F60]  }
0x3b2: {  	v55 =	vld [tilespmem:s19+$0x3F70];
	_ =	sdelay $0x1  }
0x3b3: {  	v35 =	vadd.f32 $1.000000000e+00, v35  }
0x3b4: {  	v36 =	vadd.f32 $1.000000000e+00, v36  }
0x3b5: {  	v35 =	vmul.f32 v54, v35  }
0x3b6: {  	v36 =	vmul.f32 v55, v36  }
0x3b7: {  	v35 =	vtrunc.f32 v35  }
0x3b8: {  	v36 =	vtrunc.f32 v36;
	v35 =	vcvt.f32.s32 v35  }
0x3b9: {  	v36 =	vcvt.f32.s32 v36  }
0x3ba: {  	v35 =	vadd.s32 v25, v35  }
0x3bb: {  	v36 =	vadd.s32 v26, v36;
	_ =	sdelay $0x3  }
0x3bc: {  	[tilespmem:v35+s11+$0x0] =	vst.idx.msk $0xffff, v2  }
0x3bd: {  	[tilespmem:v36+s11+$0x0] =	vst.idx.msk $0x3ff, v2  }
0x3be: {  	v35 =	vld [tilespmem:s19+$0xFFFFFF80]  }
0x3bf: {  	v36 =	vld [tilespmem:s19+$0xFFFFFF90]  }
0x3c0: {  	v56 =	vld [tilespmem:s19+$0x3F80]  }
0x3c1: {  	v57 =	vld [tilespmem:s19+$0x3F90];
	_ =	sdelay $0x1  }
0x3c2: {  	v35 =	vadd.f32 $1.000000000e+00, v35  }
0x3c3: {  	v36 =	vadd.f32 $1.000000000e+00, v36  }
0x3c4: {  	v35 =	vmul.f32 v56, v35  }
0x3c5: {  	v36 =	vmul.f32 v57, v36  }
0x3c6: {  	v35 =	vtrunc.f32 v35  }
0x3c7: {  	v36 =	vtrunc.f32 v36;
	v35 =	vcvt.f32.s32 v35  }
0x3c8: {  	v36 =	vcvt.f32.s32 v36  }
0x3c9: {  	v35 =	vadd.s32 v27, v35  }
0x3ca: {  	v36 =	vadd.s32 v28, v36;
	_ =	sdelay $0x3  }
0x3cb: {  	[tilespmem:v35+s11+$0x0] =	vst.idx.msk $0xffff, v2  }
0x3cc: {  	[tilespmem:v36+s11+$0x0] =	vst.idx.msk $0x3ff, v2  }
0x3cd: {  	v35 =	vld [tilespmem:s19+$0xFFFFFFA0]  }
0x3ce: {  	v36 =	vld [tilespmem:s19+$0xFFFFFFB0]  }
0x3cf: {  	v58 =	vld [tilespmem:s19+$0x3FA0]  }
0x3d0: {  	v59 =	vld [tilespmem:s19+$0x3FB0];
	_ =	sdelay $0x1  }
0x3d1: {  	v35 =	vadd.f32 $1.000000000e+00, v35  }
0x3d2: {  	v36 =	vadd.f32 $1.000000000e+00, v36  }
0x3d3: {  	v35 =	vmul.f32 v58, v35  }
0x3d4: {  	v36 =	vmul.f32 v59, v36  }
0x3d5: {  	v35 =	vtrunc.f32 v35  }
0x3d6: {  	v36 =	vtrunc.f32 v36;
	v35 =	vcvt.f32.s32 v35  }
0x3d7: {  	v36 =	vcvt.f32.s32 v36  }
0x3d8: {  	v35 =	vadd.s32 v29, v35  }
0x3d9: {  	v36 =	vadd.s32 v30, v36;
	_ =	sdelay $0x3  }
0x3da: {  	[tilespmem:v35+s11+$0x0] =	vst.idx.msk $0xffff, v2  }
0x3db: {  	[tilespmem:v36+s11+$0x0] =	vst.idx.msk $0x3ff, v2  }
0x3dc: {  	v35 =	vld [tilespmem:s19+$0xFFFFFFC0]  }
0x3dd: {  	v36 =	vld [tilespmem:s19+$0xFFFFFFD0]  }
0x3de: {  	v60 =	vld [tilespmem:s19+$0x3FC0]  }
0x3df: {  	v61 =	vld [tilespmem:s19+$0x3FD0];
	_ =	sdelay $0x1  }
0x3e0: {  	v35 =	vadd.f32 $1.000000000e+00, v35  }
0x3e1: {  	v36 =	vadd.f32 $1.000000000e+00, v36  }
0x3e2: {  	v35 =	vmul.f32 v60, v35  }
0x3e3: {  	v36 =	vmul.f32 v61, v36  }
0x3e4: {  	v35 =	vtrunc.f32 v35  }
0x3e5: {  	v36 =	vtrunc.f32 v36;
	v35 =	vcvt.f32.s32 v35  }
0x3e6: {  	v36 =	vcvt.f32.s32 v36  }
0x3e7: {  	v35 =	vadd.s32 v31, v35  }
0x3e8: {  	v36 =	vadd.s32 v32, v36;
	_ =	sdelay $0x3  }
0x3e9: {  	[tilespmem:v35+s11+$0x0] =	vst.idx.msk $0xffff, v2  }
0x3ea: {  	[tilespmem:v36+s11+$0x0] =	vst.idx.msk $0x3ff, v2  }
0x3eb: {  	v35 =	vld [tilespmem:s19+$0xFFFFFFE0]  }
0x3ec: {  	v36 =	vld [tilespmem:s19+$0xFFFFFFF0]  }
0x3ed: {  	v62 =	vld [tilespmem:s19+$0x3FE0]  }
0x3ee: {  	v63 =	vld [tilespmem:s19+$0x3FF0];
	_ =	sdelay $0x1  }
0x3ef: {  	v35 =	vadd.f32 $1.000000000e+00, v35  }
0x3f0: {  	v36 =	vadd.f32 $1.000000000e+00, v36  }
0x3f1: {  	v35 =	vmul.f32 v62, v35  }
0x3f2: {  	v36 =	vmul.f32 v63, v36  }
0x3f3: {  	v35 =	vtrunc.f32 v35  }
0x3f4: {  	v36 =	vtrunc.f32 v36;
	v35 =	vcvt.f32.s32 v35  }
0x3f5: {  	v36 =	vcvt.f32.s32 v36  }
0x3f6: {  	v35 =	vadd.s32 v33, v35  }
0x3f7: {  	v36 =	vadd.s32 v34, v36  }
.Ltmp7:
0x3f8: {  	_ = 	snop;
	(pc) =	sbr.rel .LBB2_8-.Ltmp7, $3  }
0x3f9: {  	_ =	sdelay $0x1  }
0x3fa: {  	[tilespmem:v35+s11+$0x0] =	vst.idx.msk $0xffff, v2  }
0x3fb: {  	[tilespmem:v36+s11+$0x0] =	vst.idx.msk $0x3ff, v2  }
.LBB2_10:
0x3fc: {  	_ =	sfence.sel $0x180000  }
0x3fd: {  	[bflag:$0x0] =	sbarrier.arrive $0xFFFF  }
0x3fe: {  	p0 =	sne.s32 s1, $0x0;
	_ =	strace $0x90000047  }
0x3ff: {  	s0 =	sadd.s32 @!p0 $0x100000, s0;
	[bflag:$0x2] =	sbarrier.arrive $0xFFFF  }
0x400: {  	[sflag:s0] =	ssyncadd.tile.s32 @!p0 $0x1;
	_ =	shalt  }
.Lfunc_end2:
_tile_overlayer_lowered:
.L_overlay_start_2:
0x401: {  	(tag) =	ssettag $0x2  }
0x402: {  	s0 =	rddreg [dreg:$0x0];
	s2 =	stileid.u32  }
0x403: {  	s1 =	rddreg [dreg:$0x1];
	p0 =	sne.s32 s2, $0x0  }
0x404: {  	s3 =	rddreg [dreg:$0x2];
	[bflag:$0x3] =	sbarrier.arrive $0xFFFF;
	s2 =	simm.s32 @!p0 $0x1C03  }
0x405: {  	[timem:s3], [sflag:s2] =	dma.local @!p0 [hbm:s0], s1  }
0x406: {  	s0 =	simm.s32 @!p0 $0x3  }
0x407: {  	_ =	swait.ge @!p0 [sflag:s0], s1  }
0x408: {  	s1 =	ssub.s32 @!p0 $0x0, s1;
	[sflag:s0] =	ssyncset.done @!p0 $0x0  }
0x409: {  	[sflag:s0] =	ssyncadd.s32 @!p0 s1  }
0x40a: {  	[bflag:$0x3] =	sbarrier.arrive $0xFFFF  }
0x40b: {  	_ =	shalt  }

// kernel: sparse-core-data-format-call.cloned.1.call-start
scs
called_computation_lowered:
.L_overlay_start_0:
0x0: {  	s2 =	sld [smem:$0x3FD9]  }
0x1: {  	s3 =	sld [smem:$0x3FFE];
	_ =	sdelay $0x1  }
0x2: {  	s1 =	srdreg.scid  }
0x3: {  	s0 =	sand.u32 $0x1, s1  }
0x4: {  	s18 =	sshll.u32 s0, $0xA;
	s2 =	sadd.s32 s3, s2  }
0x5: {  	s2 =	sadd.s32 s2, s18  }
0x6: {  	[smem:$0x3FC6] =	sst s2  }
0x7: {  	_ = 	snop  }
0x8: {  	s2 =	sld [smem:$0x3FD0];
	(tm) =	ssettm $0x1  }
0x9: {  	s19 =	sld [smem:$0x3FFB];
	_ =	sdelay $0x3  }
0xa: {  	_ =	strace s19  }
0xb: {  	s3 =	sld [smem:$0x3FFC];
	_ =	sdelay $0x3  }
0xc: {  	_ =	strace s3  }
0xd: {  	s3 =	sld [smem:$0x3FFD];
	_ =	sdelay $0x3  }
0xe: {  	_ =	strace s3  }
0xf: {  	_ =	strace $0x8FFFFFFF  }
0x10: {  	s20 =	sld [smem:$0x3FDB];
	_ =	sdelay $0x1  }
0x11: {  	s4 =	simm.s32 $_scs_section_size  }
0x12: {  	s5 =	simm.s32 $_size__tile_overlayer_lowered;
	s6 =	simm.s32 $_tile_overlayer_lowered  }
0x13: {  	s23 =	simm.s32 $0x1BFF;
	s22 =	sshll.u32 s6, $0x1;
	s3 =	sadd.s32 s4, s20  }
0x14: {  	s7 =	simm.s32 $0x0;
	s21 =	sshll.u32 s5, $0x1;
	s5 =	sadd.s32 s22, s3  }
0x15: {  	[timem:s7], [sflag:s23] =	dma.local [hbm:s5], s21  }
0x16: {  	_ =	swait.ge [sflag:s23], s21  }
0x17: {  	s4 =	ssub.s32 $0x0, s21;
	[sflag:s23] =	ssyncset.done $0x0  }
0x18: {  	[sflag:s23] =	ssyncadd.s32 s4;
	_ =	sdelay $0x1  }
0x19: {  	s24 =	simm.s32 $0x1B8B  }
0x1a: {  	_ =	swait.ge [sflag:s24], $0x1  }
0x1b: {  	[sflag:s24] =	ssyncset.done $0x0  }
0x1c: {  	s26 =	simm.s32 $0x1B8E;
	s25 =	sld [smem:$0x3FFE];
	[sflag:s24] =	ssyncadd.s32 $0xFFFFFFFF  }
0x1d: {  	s27 =	simm.s32 $execute0_lowered;
	[smem:$0x3FD2] =	sst s26  }
0x1e: {  	s5 =	sshll.u32 s27, $0x1;
	_ =	strace $0x80000049;
	[dreg:$0x1] =	wrdreg $0xFFFFFFFF  }
0x1f: {  	s28 =	simm.s32 $_size_execute0_lowered;
	s3 =	sadd.s32 s3, s5;
	[dreg:$0x0] =	wrdreg $0x0  }
0x20: {  	s5 =	sshll.u32 s28, $0x1;
	[dreg:$0x2] =	wrdreg s3  }
0x21: {  	[dreg:$0x3] =	wrdreg s5  }
0x22: {  	[dreg:$0x4] =	wrdreg $0xC0  }
0x23: {  	_ =	task [dreg:s7], $0x5FFFF  }
0x24: {  	[dreg:$0x1] =	wrdreg $0xFFFFFFFF  }
0x25: {  	[dreg:$0x0] =	wrdreg $0x60  }
0x26: {  	[dreg:$0x2] =	wrdreg s25  }
0x27: {  	[dreg:$0x3] =	wrdreg s2  }
0x28: {  	[dreg:$0x4] =	wrdreg $0x9  }
0x29: {  	_ =	task.clear_ibuf [dreg:s7], $0x5FFFF;
	_ =	strace $0x90000049  }
0x2a: {  	s29 =	simm.s32 $0x9;
	_ =	strace $0x8000004B  }
0x2b: {  	_ =	swait.ge [sflag:s29], $0x1  }
0x2c: {  	[sflag:s29] =	ssyncadd.s32 $0xFFFFFFFF  }
0x2d: {  	_ =	strace $0x9000004B  }
0x2e: {  	_ =	sfence  }
0x2f: {  	s30 =	sld [smem:$0x0];
	_ =	sdelay $0x2  }
0x30: {  	s31 =	sshll.u32 s1, $0xD;
	s1 =	sshrl.u32 s1, $0x2  }
0x31: {  	s3 =	sand.u32 $0x4000, s31;
	s1 =	sadd.s32 s1, s30  }
0x32: {  	s0 =	sor.u32 s3, s0;
	s1 =	sshll.u32 s1, $0x11  }
0x33: {  	s0 =	sor.u32 s1, s0  }
0x34: {  	s0 =	sadd.s32 $0x8F2B, s0  }
0x35: {  	[sflag:s0] =	ssyncadd.remote.s32 $0x1  }
0x36: {  	_ =	sfence.sel $0xFFFF  }
0x37: {  	[dreg:$0x0] =	wrdreg $0xFFFFFFFF;
	(pc) =	sbr.abs _section_cstart, $3  }
0x38: {  	[dreg:$0x1] =	wrdreg $0xFFFFFFFF  }
0x39: {  	_ =	task.clear_ibuf [dreg:s7], $0x2FFFF;
	_ =	strace $0x9FFFFFFF  }
0x3a: {  	(tm) =	ssettm $0x7FFFFFFF  }
0x3b: {  	_ =	shalt  }
tec
execute0_lowered:
.L_overlay_start_1:
0x0: {  	(tag) =	ssettag $0x1  }
0x1: {  	s0 =	srdreg.scid  }
0x2: {  	s1 =	sshll.u32 s0, $0x4  }
0x3: {  	s6 =	rddreg [dreg:$0x0];
	s0 =	stileid.u32;
	s1 =	sand.u32 $0x10, s1  }
0x4: {  	s3 =	rddreg [dreg:$0x1];
	s1 =	sor.u32 s0, s1  }
0x5: {  	s5 =	simm.s32 $0x1;
	s31 =	simm.s32 $0x2;
	s2 =	sshll.u32 s1, $0x7  }
0x6: {  	s15 =	simm.s32 $0x0;
	s8 =	simm.s32 $0x20000;
	s4 =	ssub.s32 $0x4000, s2  }
0x7: {  	s14 =	simm.s32 $0x0;
	s9 =	simm.s32 $0x0;
	s30 =	sand.u32 $0xF80, s4  }
0x8: {  	s10 =	simm.s32 $0x0;
	s11 =	simm.s32 $0x0;
	p0 =	sne.s32 s30, $0x0  }
.Ltmp0:
0x9: {  	s7 =	sshrl.u32 s4, $0xC;
	s5 =	simm.s32 @!p0 $0x0;
	(pc) =	sbr.rel .LBB1_1-.Ltmp0, $4  }
0xa: {  	s13 =	simm.s32 $0x0;
	s1 =	rddreg [dreg:$0x2];
	s5 =	sadd.s32 s5, s7  }
0xb: {  	_ =	strace $0x8000004A;
	s4 =	simm.s32 $0x1;
	s5 =	smul.u32 $0x15, s5  }
0xc: {  	s6 =	sadd.s32 $0xA00, s6;
	s12 =	smov.u32 s2;
	[sflag:s4] =	ssyncpa.u1 $0x0  }
0xd: {  	[sflag:s31] =	ssyncpa.u1 $0x0;
	p0 =	por $0x0, $0x0;
	s7 =	sadd.s32 $0x1, s5  }
.LBB1_4:
0xe: {  	s20 =	sshra.s32 s20, $0x2  }
0xf: {  	s28 =	sand.u32 $0x78, s10;
	s21 =	sshll.u32 s9, $0xE;
	s22 =	sshll.u32 s10, $0x3  }
0x10: {  	s24 =	sshll.u32 s9, $0x7;
	p1 =	sgt.s32 s9, $0x9C8;
	s30 =	sshra.s32 s9, $0x1F  }
0x11: {  	s26 =	sshra.s32 s10, $0x1F;
	s19 =	sadd.s32 s20, s19;
	s21 =	sand.u32 $0xFFFE0000, s21  }
0x12: {  	v5 =	vld [tilespmem:s17+$0xFFFFFFD0];
	[tilespmem:s18+$0x2040 ss:$0x81] =	vst.msk $0xffff, v4;
	s23 =	sand.u32 $0xFFFFFC00, s22;
	s29 =	sand.u32 $0x380, s24;
	s22 =	sand.u32 $0x3C00, s22  }
0x13: {  	v58 =	vld [tilespmem:s17+$0xFFFFFFE0];
	[tilespmem:s18+$0x2850 ss:$0x81] =	vst.msk $0xffff, v3;
	s21 =	sadd.s32 s23, s21;
	s20 =	sor.u32 s28, s22;
	s22 =	smov.u32 s9  }
0x14: {  	v59 =	vld [tilespmem:s17+$0xFFFFFFF0];
	[tilespmem:s18+$0x3060 ss:$0x81] =	vst.msk $0xffff, v2;
	s24 =	sand.u32 s30, s9;
	s21 =	sshrl.u32 s21, $0xE;
	s22 =	simm.s32 @!p1 $0x9C8  }
0x15: {  	v60 =	vld [tilespmem:s17+$0x0];
	[tilespmem:s18+$0x0 ss:$0x81] =	vst.msk $0xffff, v1;
	p1 =	sgt.s32 s10, $0x3F80;
	s31 =	ssub.s32 s22, s24;
	s22 =	smov.u32 s10  }
0x16: {  	v61 =	vld [tilespmem:s17+$0x10];
	[tilespmem:s19+$0x3870 ss:$0x81] =	vst.msk $0xffff, v0;
	s25 =	smulhi.u32 $0x18E653, s21;
	s24 =	sand.u32 s26, s10;
	s22 =	simm.s32 @!p1 $0x3F80  }
0x17: {  	v62 =	vld [tilespmem:s17+$0x20];
	s20 =	sor.u32 s29, s20;
	[tilespmem:s19+$0x810 ss:$0x81] =	vst.msk $0xffff, v5;
	s27 =	sadd.s32 $0xFFFFF638, s31;
	s22 =	ssub.s32 s22, s24  }
0x18: {  	v63 =	vld [tilespmem:s17+$0xFFFFFFC0];
	[tilespmem:s19+$0x1020 ss:$0x81] =	vst.msk $0xffff, v58;
	s18 =	ssub.s32 $0xA48, s31;
	s28 =	smul.u32 $0xA48, s25;
	s29 =	sadd.s32 $0xFFFFC080, s22  }
0x19: {  	[tilespmem:s19+$0x1830 ss:$0x81] =	vst.msk $0xffff, v59;
	p1 =	sgt.s32 s27, $0x7F;
	s22 =	ssub.s32 $0x4000, s22;
	p2 =	sgt.s32 s29, $0x7F  }
0x1a: {  	s30 =	sand.u32 $0x7, s10;
	[tilespmem:s19+$0x2040 ss:$0x81] =	vst.msk $0xffff, v60;
	s18 =	simm.s32 @p1 $0x0;
	s22 =	simm.s32 @p2 $0x0  }
0x1b: {  	s20 =	sshrl.u32 s20, $0x3;
	[tilespmem:s19+$0x2850 ss:$0x81] =	vst.msk $0xffff, v61;
	s17 =	ssub.s32 s21, s28;
	s18 =	smul.u32 s22, s18  }
0x1c: {  	[tilespmem:s19+$0x3060 ss:$0x81] =	vst.msk $0xffff, v62;
	s20 =	sadd.s32 s3, s20;
	s21 =	sshll.u32 s30, $0x12;
	s17 =	sshll.u32 s17, $0xB  }
0x1d: {  	[tilespmem:s19+$0x0 ss:$0x81] =	vst.msk $0xffff, v63;
	s31 =	sor.u32 $0x400, s21;
	s17 =	sadd.s32 s17, s20;
	s18 =	sand.u32 $0x3FFFFFFF, s18  }
0x1e: {  	[hbm4b:s17+s31] =	stream.strided.scatter [tilespmem:s16], [sflag:$0x2], s18, s8, s31, $0x20;
	[tilespmem:$0x10100] =	vst v63  }
.LBB1_5:
0x1f: {  	p1 =	slt.u32 s13, $0x2  }
0x20: {  	s17 =	smov.u32 s15;
	p2 =	sgt.s32 @!p1 s15, $0x9C8;
	s16 =	sshra.s32 @!p1 s15, $0x1F  }
0x21: {  	p3 =	sgt.s32 @!p1 s14, $0x3F80;
	s18 =	sshra.s32 @!p1 s14, $0x1F;
	p2 =	por !p2, p1  }
0x22: {  	s15 =	sand.u32 @!p1 s16, s15;
	p3 =	por !p3, p1;
	s16 =	smov.u32 s14  }
0x23: {  	s14 =	sand.u32 @!p1 s18, s14;
	s17 =	simm.s32 @p2 $0x9C8;
	s16 =	simm.s32 @p3 $0x3F80  }
0x24: {  	s15 =	ssub.s32 @!p1 s17, s15;
	s14 =	ssub.s32 @!p1 s16, s14  }
0x25: {  	s18 =	smov.u32 s12;
	s16 =	sadd.s32 @!p1 $0xFFFFF638, s15;
	s17 =	sadd.s32 @!p1 $0xFFFFC080, s14  }
0x26: {  	s15 =	ssub.s32 @!p1 $0xA48, s15;
	p2 =	sgt.s32 @!p1 s16, $0x7F;
	p3 =	sgt.s32 @!p1 s17, $0x7F  }
0x27: {  	s14 =	ssub.s32 @!p1 $0x4000, s14;
	p2 =	por !p2, p1;
	p3 =	por !p3, p1  }
0x28: {  	s16 =	sadd.s32 $0x80, s11;
	s15 =	simm.s32 @!p2 $0x0;
	s14 =	simm.s32 @!p3 $0x0  }
0x29: {  	p2 =	sgt.s32 s16, $0xA41;
	s14 =	smul.u32 @!p1 s14, s15;
	s15 =	sadd.s32 $0x1000, s12  }
0x2a: {  	s18 =	smov.u32 @p2 s15  }
0x2b: {  	s16 =	simm.s32 @p2 $0x0;
	p2 =	sgt.s32 s18, $0x3FFF  }
0x2c: {  	s18 =	smov.u32 @p2 s2;
	p2 =	sne.s32 s13, s7  }
.Ltmp1:
0x2d: {  	p0 =	por !p0, !p0;
	s17 =	simm.s32 @!p1 $0x2;
	(pc) =	sbr.rel @!p2 .LBB1_6-.Ltmp1, $4  }
0x2e: {  	s15 =	smov.u32 s9;
	s9 =	smov.u32 s11;
	s14 =	sand.u32 @!p1 $0x3FFFFFFF, s14  }
0x2f: {  	s11 =	smov.u32 s16;
	_ =	swait.ge @!p1 [sflag:s17], s14;
	s19 =	ssub.s32 @!p1 $0x0, s14  }
0x30: {  	s14 =	smov.u32 s10;
	s13 =	sadd.s32 $0x1, s13;
	[sflag:s17] =	ssyncset.done @!p1 $0x0  }
0x31: {  	s10 =	smov.u32 s12;
	s12 =	smov.u32 s18;
	[sflag:s17] =	ssyncadd.s32 @!p1 s19  }
.LBB1_1:
0x32: {  	p1 =	sge.u32 s13, s5  }
0x33: {  	s16 =	sshrl.u32 @!p1 s12, $0x3  }
0x34: {  	s17 =	sshll.u32 @!p1 s11, $0x3;
	s16 =	smul.u32 @!p1 $0x5400, s16  }
0x35: {  	s18 =	sshll.u32 @!p1 s12, $0x7;
	s17 =	sand.u32 @!p1 $0xFFFFFC00, s17  }
0x36: {  	s16 =	sadd.s32 @!p1 s16, s17;
	s17 =	sand.u32 @!p1 $0x380, s18  }
0x37: {  	s16 =	sor.u32 @!p1 s17, s16  }
0x38: {  	s17 =	sshrl.u32 @!p1 s16, $0x7  }
0x39: {  	s17 =	smulhi.u32 @!p1 $0xC30C30D, s17;
	_ =	sdelay $0x1  }
0x3a: {  	s18 =	sand.u32 @!p1 $0x7F, s11;
	s19 =	smul.u32 @!p1 $0xA80, s17  }
0x3b: {  	s31 =	sadd.s32 $0xFFFFFFFF, s13;
	s16 =	sor.u32 @!p1 s18, s16;
	s18 =	sxor.u32 @!p1 $0xFFFFFFFF, s13  }
0x3c: {  	s18 =	sshll.u32 @!p1 s18, $0xE;
	s17 =	sand.u32 @!p1 $0x3FFF, s17;
	s16 =	ssub.s32 @!p1 s16, s19  }
0x3d: {  	s17 =	smul.u32 @!p1 $0x150, s17;
	s19 =	sshrl.u32 @!p1 s16, $0x3;
	s16 =	sand.u32 @!p1 $0x7, s16  }
0x3e: {  	s18 =	sand.u32 @!p1 $0x4000, s18;
	s19 =	sadd.s32 @!p1 s6, s19;
	s16 =	sshll.u32 @!p1 s16, $0x12  }
0x3f: {  	s17 =	sadd.s32 @!p1 s17, s19;
	s16 =	sor.u32 @!p1 $0x400, s16;
	s19 =	simm.s32 @!p1 $0x5400  }
0x40: {  	[tilespmem:s18], [sflag:$0x1] =	stream.strided.gather @!p1 [hbm4b:s17+s16], $0x4000, s19, s16, $0x38;
	[tilespmem:$0x10100] =	vst v63  }
0x41: {  	p1 =	sge.u32 s31, s5  }
.Ltmp2:
0x42: {  	_ = 	snop;
	(pc) =	sbr.rel @p1 .LBB1_5-.Ltmp2, $1  }
0x43: {  	_ =	sdelay $0x3  }
0x44: {  	s16 =	simm.s32 $0x1  }
0x45: {  	_ =	swait.ge [sflag:s4], $0x4000;
	s16 =	simm.s32 @!p0 $0x0  }
0x46: {  	[sflag:s4] =	ssyncset.done $0x0;
	s17 =	sshll.u32 s16, $0xE  }
0x47: {  	[sflag:s4] =	ssyncadd.s32 $0xFFFFC000;
	s17 =	sor.u32 $0x40, s17  }
0x48: {  	s16 =	smul.u32 $0x10200, s16;
	v0 =	vld [tilespmem:s17+$0x30]  }
0x49: {  	v1 =	vld [tilespmem:s17+$0xFFFFFFD0]  }
0x4a: {  	s16 =	sshrl.u32 s16, $0x2;
	v5 =	vld [tilespmem:s17+$0xFFFFFFE0]  }
0x4b: {  	v6 =	vld [tilespmem:s17+$0xFFFFFFF0];
	s19 =	sor.u32 $0x8000, s16  }
0x4c: {  	s31 =	sand.u32 $0x1, s13;
	v4 =	vld [tilespmem:s17+$0x0];
	s18 =	sadd.s32 $0x0, s19  }
0x4d: {  	v3 =	vld [tilespmem:s17+$0x10];
	s16 =	smul.u32 $0x10200, s31;
	[tilespmem:s18+$0x3870 ss:$0x81] =	vst.msk $0xffff, v0  }
0x4e: {  	v2 =	vld [tilespmem:s17+$0x20];
	[tilespmem:s18+$0x810 ss:$0x81] =	vst.msk $0xffff, v1  }
0x4f: {  	s16 =	sshrl.u32 s16, $0x2;
	v1 =	vld [tilespmem:s17+$0xFFFFFFC0];
	[tilespmem:s18+$0x1020 ss:$0x81] =	vst.msk $0xffff, v5;
	s17 =	sadd.s32 $0x80, s17  }
0x50: {  	s20 =	simm.s32 $0x4;
	s21 =	simm.s32 $0x8;
	s16 =	sor.u32 $0x8000, s16;
	[tilespmem:s18+$0x1830 ss:$0x81] =	vst.msk $0xffff, v6;
	v0 =	vld [tilespmem:s17+$0x30]  }
.LBB1_3:
0x51: {  	p1 =	sne.s32 s21, $0x1FC;
	v5 =	vld [tilespmem:s17+$0xFFFFFFD0];
	[tilespmem:s18+$0x2040 ss:$0x81] =	vst.msk $0xffff, v4  }
0x52: {  	v6 =	vld [tilespmem:s17+$0xFFFFFFE0];
	[tilespmem:s18+$0x2850 ss:$0x81] =	vst.msk $0xffff, v3  }
0x53: {  	s22 =	sshra.s32 s20, $0x2;
	s20 =	smov.u32 s21;
	v7 =	vld [tilespmem:s17+$0xFFFFFFF0];
	[tilespmem:s18+$0x3060 ss:$0x81] =	vst.msk $0xffff, v2  }
.Ltmp3:
0x54: {  	v4 =	vld [tilespmem:s17+$0x0];
	[tilespmem:s18+$0x0 ss:$0x81] =	vst.msk $0xffff, v1;
	s18 =	sadd.s32 s22, s19;
	(pc) =	sbr.rel @p1 .LBB1_3-.Ltmp3, $4  }
0x55: {  	v3 =	vld [tilespmem:s17+$0x10];
	[tilespmem:s18+$0x3870 ss:$0x81] =	vst.msk $0xffff, v0  }
0x56: {  	[tilespmem:s18+$0x810 ss:$0x81] =	vst.msk $0xffff, v5;
	v2 =	vld [tilespmem:s17+$0x20]  }
0x57: {  	v1 =	vld [tilespmem:s17+$0xFFFFFFC0];
	[tilespmem:s18+$0x1020 ss:$0x81] =	vst.msk $0xffff, v6;
	s17 =	sadd.s32 $0x80, s17  }
0x58: {  	s21 =	sadd.s32 $0x4, s21;
	v0 =	vld [tilespmem:s17+$0x30];
	[tilespmem:s18+$0x1830 ss:$0x81] =	vst.msk $0xffff, v7  }
.Ltmp4:
0x59: {  	_ = 	snop;
	(pc) =	sbr.rel .LBB1_4-.Ltmp4, $1  }
0x5a: {  	_ =	sdelay $0x3  }
.LBB1_6:
0x5b: {  	_ =	sfence.sel $0x180000  }
0x5c: {  	s2 =	simm.s32 $0x1;
	[bflag:$0x0] =	sbarrier.arrive $0xFFFF  }
0x5d: {  	s31 =	simm.s32 $0x2;
	[sflag:s2] =	ssyncpa.u1 $0x1  }
0x5e: {  	[sflag:s31] =	ssyncpa.u1 $0x1  }
0x5f: {  	p0 =	sne.s32 s0, $0x0;
	_ =	strace $0x9000004A  }
0x60: {  	s0 =	sadd.s32 @!p0 $0x100000, s1;
	[bflag:$0x2] =	sbarrier.arrive $0xFFFF  }
0x61: {  	[sflag:s0] =	ssyncadd.tile.s32 @!p0 $0x1;
	_ =	shalt  }
.Lfunc_end1:
_tile_overlayer_lowered:
.L_overlay_start_2:
0x62: {  	(tag) =	ssettag $0x2  }
0x63: {  	s0 =	rddreg [dreg:$0x0];
	s2 =	stileid.u32  }
0x64: {  	s1 =	rddreg [dreg:$0x1];
	p0 =	sne.s32 s2, $0x0  }
0x65: {  	s3 =	rddreg [dreg:$0x2];
	[bflag:$0x3] =	sbarrier.arrive $0xFFFF;
	s2 =	simm.s32 @!p0 $0x1C01  }
0x66: {  	[timem:s3], [sflag:s2] =	dma.local @!p0 [hbm:s0], s1  }
0x67: {  	s0 =	simm.s32 @!p0 $0x1  }
0x68: {  	_ =	swait.ge @!p0 [sflag:s0], s1  }
0x69: {  	s1 =	ssub.s32 @!p0 $0x0, s1;
	[sflag:s0] =	ssyncset.done @!p0 $0x0  }
0x6a: {  	[sflag:s0] =	ssyncadd.s32 @!p0 s1  }
0x6b: {  	[bflag:$0x3] =	sbarrier.arrive $0xFFFF  }
0x6c: {  	_ =	shalt  }

</sc_bundles>
